<compile_context>
chip_gen: v7x
topology: tpu7x:2x2x1
jax: 0.10.2.dev20260603
libtpu: 0.0.44.dev20260713+nightly
codegen_flags: <defaults>
</compile_context>

<pallas_src>
import functools

import jax
import jax.numpy as jnp
from jax import lax
from jax.experimental import pallas as pl
from jax.experimental.pallas import tpu as pltpu
from jax.experimental.pallas import tpu_sc as plsc

N_USERS = 1000000
N_ASPECTS = 8
BATCH = 16384
A_MIN, A_MAX = 1.0, 5.0
R_MIN, R_MAX = 1.0, 5.0

_NC = 2
_NS = 16
_NW = _NC * _NS
_BPW = BATCH // _NW
_ELEMS = _BPW * N_ASPECTS
_CHUNK = 128
_NCHUNK = _ELEMS // _CHUNK
_CPA = _BPW // _CHUNK
_GROUPS = _BPW // 16
_TCHUNKS = (N_USERS + 64 + 127) // 128


@functools.partial(
    pl.kernel,
    mesh=plsc.VectorSubcoreMesh(core_axis_name="c", subcore_axis_name="s"),
    out_type=jax.ShapeDtypeStruct((BATCH,), jnp.float32),
    compiler_params=pltpu.CompilerParams(
        needs_layout_passes=False, use_tc_tiling_on_sc=False
    ),
    scratch_types=[
        pltpu.VMEM((_BPW,), jnp.int32),
        pltpu.VMEM((_ELEMS,), jnp.int32),
        pltpu.VMEM((_ELEMS,), jnp.float32),
        pltpu.VMEM((_ELEMS,), jnp.float32),
        pltpu.VMEM((_BPW,), jnp.float32),
        pltpu.SemaphoreType.DMA,
    ],
)
def _sc_predict(u_hbm, a_hbm, table_hbm, out_hbm, u_v, idx_v, w_v, a_v, out_v, sem):
    wid = lax.axis_index("s") * _NC + lax.axis_index("c")
    base = wid * _BPW

    pltpu.sync_copy(u_hbm.at[pl.ds(base, _BPW)], u_v)

    copies = []
    for c in range(_CPA):
        copies.append(
            pltpu.async_copy(
                a_hbm.at[pl.ds((_CPA * wid + c) * 1024, 1024)],
                a_v.at[pl.ds(c * 1024, 1024)],
                sem,
            )
        )

    pbase = []
    for t in range(_BPW // 16):
        u16 = u_v[pl.ds(t * 16, 16)]
        pbase.append(
            lax.shift_left(lax.shift_right_logical(u16, 7), 10) + (u16 & 127)
        )

    for c in range(_NCHUNK):
        j = c // _CPA
        tb = (c % _CPA) * (_CHUNK // 16)
        for t in range(_CHUNK // 16):
            idx_v[pl.ds(c * _CHUNK + t * 16, 16)] = pbase[tb + t] + (j * 128)
        copies.append(
            pltpu.async_copy(
                table_hbm.at[idx_v.at[pl.ds(c * _CHUNK, _CHUNK)]],
                w_v.at[pl.ds(c * _CHUNK, _CHUNK)],
                sem,
            )
        )
    for cp in copies:
        cp.wait()

    def group_body(g, _):
        o = g * 16
        ab = lax.div(g, 8) * 1024 + lax.rem(g, 8) * 16
        acc = jnp.zeros((16,), jnp.float32)
        l1 = jnp.zeros((16,), jnp.float32)
        for j in range(N_ASPECTS):
            w = w_v[pl.ds(j * _BPW + o, 16)]
            a = a_v[pl.ds(ab + j * 128, 16)]
            acc = acc + w * a
            l1 = l1 + jnp.abs(w)
        pred = acc / jnp.maximum(l1, 1e-12)
        out_v[pl.ds(o, 16)] = R_MIN + (R_MIN - R_MAX) * (
            (pred - A_MIN) / (A_MAX - A_MIN)
        )
        return 0

    lax.fori_loop(0, _GROUPS, group_body, 0)
    pltpu.sync_copy(out_v, out_hbm.at[pl.ds(base, _BPW)])


def kernel(U_ids, A_ratings, users_parameters):
    t = jnp.pad(users_parameters.T, ((0, 0), (0, 63)))
    t = t.reshape(N_ASPECTS, _TCHUNKS, 128).transpose(1, 0, 2).reshape(-1)
    a = A_ratings.reshape(N_ASPECTS, BATCH // 128, 128).transpose(1, 0, 2)
    return _sc_predict(U_ids.astype(jnp.int32), a.reshape(-1), t)

# --- scband reference (transcript-rebuilt; emitter-appended) ---
"""Pipeline reference for scband-linear-absarecommender-38792144617882 (READ-ONLY COPY).

The authoritative reference and input builder live on the scoring server;
editing this copy changes nothing except your own understanding.
"""

import jax, jax.numpy as jnp
import numpy as np

N_USERS = 1000000
N_ASPECTS = 8
BATCH = 16384
A_MIN, A_MAX = 1.0, 5.0  # aspect_min_rating, aspect_max_rating
R_MIN, R_MAX = 1.0, 5.0  # min_rating, max_rating


def setup_inputs(seed: int = 0) -> dict:
    key = jax.random.key(seed)
    k1, k2, k3 = jax.random.split(key, 3)
    U_ids = jax.random.randint(k1, (BATCH,), 0, N_USERS + 1, dtype=jnp.int64 if jax.config.jax_enable_x64 else jnp.int32)
    A_ratings = jax.random.uniform(k2, (N_ASPECTS, BATCH), dtype=jnp.float32)
    # learned parameter: users_parameters, initialized as in the module (1/n_aspects)
    # plus small noise so L1-normalization is nontrivial
    users_parameters = jnp.full((N_USERS + 1, N_ASPECTS), 1.0 / N_ASPECTS, dtype=jnp.float32) \
        + 0.05 * jax.random.normal(k3, (N_USERS + 1, N_ASPECTS), dtype=jnp.float32)
    return {"U_ids": U_ids, "A_ratings": A_ratings, "users_parameters": users_parameters}


def _rescale(x, a, b, c, d):
    return c + (c - d) * ((x - a) / (b - a))


def reference(U_ids, A_ratings, users_parameters):
    # F.normalize(p=1, dim=1): x / max(sum(|x|, dim=1), eps)
    l1 = jnp.sum(jnp.abs(users_parameters), axis=1, keepdims=True)
    user_params_normalized = users_parameters / jnp.maximum(l1, 1e-12)
    batch_users_params = jnp.take(user_params_normalized, U_ids, axis=0)  # [B, n_aspects]
    predictions = jnp.sum(batch_users_params * A_ratings.T, axis=1)  # [B]
    predictions = _rescale(predictions, A_MIN, A_MAX, R_MIN, R_MAX)
    return predictions

if __name__ == "__main__":
    import jax
    _d = setup_inputs()
    print(jax.jit(kernel)(*tuple(_d.values())))

</pallas_src>

<mosaic_0001>
#map = affine_map<(d0, d1) -> (0)>
module attributes {stable_mosaic.version = 14 : i64} {
  func.func @_sc_predict(%arg0: i32, %arg1: i32, %arg2: memref<16384xi32, #tpu.memory_space<hbm>>, %arg3: memref<131072xf32, #tpu.memory_space<hbm>>, %arg4: memref<8000512xf32, #tpu.memory_space<hbm>>, %arg5: memref<16384xf32, #tpu.memory_space<hbm>>, %arg6: memref<512xi32, #tpu.memory_space<vmem>>, %arg7: memref<4096xi32, #tpu.memory_space<vmem>>, %arg8: memref<4096xf32, #tpu.memory_space<vmem>>, %arg9: memref<4096xf32, #tpu.memory_space<vmem>>, %arg10: memref<512xf32, #tpu.memory_space<vmem>>, %arg11: memref<!tpu.dma_semaphore, #tpu.memory_space<semaphore_mem>>) attributes {dimension_semantics = [#tpu.dimension_semantics<core_parallel>, #tpu.dimension_semantics<subcore_parallel>], iteration_bounds = array<i64: 2, 16>, scalar_prefetch = 0 : i64, scratch_operands = 6 : i64, tpu.core_type = #tpu.core_type<sc_vector_subcore>, window_params = [{transform_indices = #map}, {transform_indices = #map}, {transform_indices = #map}, {transform_indices = #map}]} {
    %mul3A = arith.constant 2 : i32
    %mul3A_0 = arith.muli %arg1, %mul3A : i32
    %add3A = arith.addi %mul3A_0, %arg0 : i32
    %mul3A_1 = arith.constant 512 : i32
    %mul3A_2 = arith.muli %add3A, %mul3A_1 : i32
    "tpu.region"() ({
      %run_scoped3A = tpu.sem_alloc : memref<!tpu.dma_semaphore, #tpu.memory_space<semaphore_mem>>
      %dma_start3A_2122 = tpu.memref_slice %arg2[%mul3A_2] : memref<16384xi32, #tpu.memory_space<hbm>> -> memref<512xi32, #tpu.memory_space<hbm>>
      %dma_start3A_2123 = tpu.memref_slice %arg2[%mul3A_2] : memref<16384xi32, #tpu.memory_space<hbm>> -> memref<512xi32, #tpu.memory_space<hbm>>
      tpu.enqueue_dma source(%dma_start3A_2123 : memref<512xi32, #tpu.memory_space<hbm>>) target(%arg6 : memref<512xi32, #tpu.memory_space<vmem>>) target_semaphore(%run_scoped3A : memref<!tpu.dma_semaphore, #tpu.memory_space<semaphore_mem>>)
      %dma_wait3A_2124 = tpu.memref_slice %arg2[%mul3A_2] : memref<16384xi32, #tpu.memory_space<hbm>> -> memref<512xi32, #tpu.memory_space<hbm>>
      %dma_wait3A_2125 = tpu.memref_slice %arg2[%mul3A_2] : memref<16384xi32, #tpu.memory_space<hbm>> -> memref<512xi32, #tpu.memory_space<hbm>>
      tpu.wait_dma2 semaphore(%run_scoped3A : memref<!tpu.dma_semaphore, #tpu.memory_space<semaphore_mem>>) src(%dma_wait3A_2125 : memref<512xi32, #tpu.memory_space<hbm>>) dst(%arg6 : memref<512xi32, #tpu.memory_space<vmem>>)
      tpu.yield
    }) : () -> ()
    %mul3A_3 = arith.constant 4 : i32
    %mul3A_4 = arith.muli %mul3A_3, %add3A : i32
    %add3A_5 = arith.constant 0 : i32
    %add3A_6 = arith.addi %mul3A_4, %add3A_5 : i32
    %mul3A_7 = arith.constant 1024 : i32
    %mul3A_8 = arith.muli %add3A_6, %mul3A_7 : i32
    %dma_start3A = arith.constant 0 : i32
    %dma_start3A_9 = tpu.memref_slice %arg9[%dma_start3A] : memref<4096xf32, #tpu.memory_space<vmem>> -> memref<1024xf32, #tpu.memory_space<vmem>>
    %dma_start3A_10 = tpu.memref_slice %arg3[%mul3A_8] : memref<131072xf32, #tpu.memory_space<hbm>> -> memref<1024xf32, #tpu.memory_space<hbm>>
    %dma_start3A_11 = arith.constant 0 : i32
    %dma_start3A_12 = tpu.memref_slice %arg9[%dma_start3A_11] : memref<4096xf32, #tpu.memory_space<vmem>> -> memref<1024xf32, #tpu.memory_space<vmem>>
    %dma_start3A_13 = tpu.memref_slice %arg3[%mul3A_8] : memref<131072xf32, #tpu.memory_space<hbm>> -> memref<1024xf32, #tpu.memory_space<hbm>>
    tpu.enqueue_dma source(%dma_start3A_13 : memref<1024xf32, #tpu.memory_space<hbm>>) target(%dma_start3A_12 : memref<1024xf32, #tpu.memory_space<vmem>>) target_semaphore(%arg11 : memref<!tpu.dma_semaphore, #tpu.memory_space<semaphore_mem>>)
    %mul3A_14 = arith.constant 4 : i32
    %mul3A_15 = arith.muli %mul3A_14, %add3A : i32
    %add3A_16 = arith.constant 1 : i32
    %add3A_17 = arith.addi %mul3A_15, %add3A_16 : i32
    %mul3A_18 = arith.constant 1024 : i32
    %mul3A_19 = arith.muli %add3A_17, %mul3A_18 : i32
    %dma_start3A_20 = arith.constant 1024 : i32
    %dma_start3A_21 = tpu.memref_slice %arg9[%dma_start3A_20] : memref<4096xf32, #tpu.memory_space<vmem>> -> memref<1024xf32, #tpu.memory_space<vmem>>
    %dma_start3A_22 = tpu.memref_slice %arg3[%mul3A_19] : memref<131072xf32, #tpu.memory_space<hbm>> -> memref<1024xf32, #tpu.memory_space<hbm>>
    %dma_start3A_23 = arith.constant 1024 : i32
    %dma_start3A_24 = tpu.memref_slice %arg9[%dma_start3A_23] : memref<4096xf32, #tpu.memory_space<vmem>> -> memref<1024xf32, #tpu.memory_space<vmem>>
    %dma_start3A_25 = tpu.memref_slice %arg3[%mul3A_19] : memref<131072xf32, #tpu.memory_space<hbm>> -> memref<1024xf32, #tpu.memory_space<hbm>>
    tpu.enqueue_dma source(%dma_start3A_25 : memref<1024xf32, #tpu.memory_space<hbm>>) target(%dma_start3A_24 : memref<1024xf32, #tpu.memory_space<vmem>>) target_semaphore(%arg11 : memref<!tpu.dma_semaphore, #tpu.memory_space<semaphore_mem>>)
    %mul3A_26 = arith.constant 4 : i32
    %mul3A_27 = arith.muli %mul3A_26, %add3A : i32
    %add3A_28 = arith.constant 2 : i32
    %add3A_29 = arith.addi %mul3A_27, %add3A_28 : i32
    %mul3A_30 = arith.constant 1024 : i32
    %mul3A_31 = arith.muli %add3A_29, %mul3A_30 : i32
    %dma_start3A_32 = arith.constant 2048 : i32
    %dma_start3A_33 = tpu.memref_slice %arg9[%dma_start3A_32] : memref<4096xf32, #tpu.memory_space<vmem>> -> memref<1024xf32, #tpu.memory_space<vmem>>
    %dma_start3A_34 = tpu.memref_slice %arg3[%mul3A_31] : memref<131072xf32, #tpu.memory_space<hbm>> -> memref<1024xf32, #tpu.memory_space<hbm>>
    %dma_start3A_35 = arith.constant 2048 : i32
    %dma_start3A_36 = tpu.memref_slice %arg9[%dma_start3A_35] : memref<4096xf32, #tpu.memory_space<vmem>> -> memref<1024xf32, #tpu.memory_space<vmem>>
    %dma_start3A_37 = tpu.memref_slice %arg3[%mul3A_31] : memref<131072xf32, #tpu.memory_space<hbm>> -> memref<1024xf32, #tpu.memory_space<hbm>>
    tpu.enqueue_dma source(%dma_start3A_37 : memref<1024xf32, #tpu.memory_space<hbm>>) target(%dma_start3A_36 : memref<1024xf32, #tpu.memory_space<vmem>>) target_semaphore(%arg11 : memref<!tpu.dma_semaphore, #tpu.memory_space<semaphore_mem>>)
    %mul3A_38 = arith.constant 4 : i32
    %mul3A_39 = arith.muli %mul3A_38, %add3A : i32
    %add3A_40 = arith.constant 3 : i32
    %add3A_41 = arith.addi %mul3A_39, %add3A_40 : i32
    %mul3A_42 = arith.constant 1024 : i32
    %mul3A_43 = arith.muli %add3A_41, %mul3A_42 : i32
    %dma_start3A_44 = arith.constant 3072 : i32
    %dma_start3A_45 = tpu.memref_slice %arg9[%dma_start3A_44] : memref<4096xf32, #tpu.memory_space<vmem>> -> memref<1024xf32, #tpu.memory_space<vmem>>
    %dma_start3A_46 = tpu.memref_slice %arg3[%mul3A_43] : memref<131072xf32, #tpu.memory_space<hbm>> -> memref<1024xf32, #tpu.memory_space<hbm>>
    %dma_start3A_47 = arith.constant 3072 : i32
    %dma_start3A_48 = tpu.memref_slice %arg9[%dma_start3A_47] : memref<4096xf32, #tpu.memory_space<vmem>> -> memref<1024xf32, #tpu.memory_space<vmem>>
    %dma_start3A_49 = tpu.memref_slice %arg3[%mul3A_43] : memref<131072xf32, #tpu.memory_space<hbm>> -> memref<1024xf32, #tpu.memory_space<hbm>>
    tpu.enqueue_dma source(%dma_start3A_49 : memref<1024xf32, #tpu.memory_space<hbm>>) target(%dma_start3A_48 : memref<1024xf32, #tpu.memory_space<vmem>>) target_semaphore(%arg11 : memref<!tpu.dma_semaphore, #tpu.memory_space<semaphore_mem>>)
    %get3A = arith.constant 0 : index
    %get3A_50 = tpu.vector_load %arg6[%get3A] {strides = array<i32>} : memref<512xi32, #tpu.memory_space<vmem>>, vector<16xi32>,
    %shift_right_logical3A = arith.constant 7 : i32
    %shift_right_logical3A_51 = vector.broadcast %shift_right_logical3A : i32 to vector<16xi32>
    %shift_right_logical3A_52 = arith.shrui %get3A_50, %shift_right_logical3A_51 : vector<16xi32>
    %shift_left3A = arith.constant 10 : i32
    %shift_left3A_53 = vector.broadcast %shift_left3A : i32 to vector<16xi32>
    %shift_left3A_54 = arith.shli %shift_right_logical3A_52, %shift_left3A_53 : vector<16xi32>
    %and3A = arith.constant 127 : i32
    %and3A_55 = vector.broadcast %and3A : i32 to vector<16xi32>
    %and3A_56 = arith.andi %get3A_50, %and3A_55 : vector<16xi32>
    %add3A_57 = arith.addi %shift_left3A_54, %and3A_56 : vector<16xi32>
    %get3A_58 = arith.constant 16 : index
    %get3A_59 = tpu.vector_load %arg6[%get3A_58] {strides = array<i32>} : memref<512xi32, #tpu.memory_space<vmem>>, vector<16xi32>,
    %shift_right_logical3A_60 = arith.constant 7 : i32
    %shift_right_logical3A_61 = vector.broadcast %shift_right_logical3A_60 : i32 to vector<16xi32>
    %shift_right_logical3A_62 = arith.shrui %get3A_59, %shift_right_logical3A_61 : vector<16xi32>
    %shift_left3A_63 = arith.constant 10 : i32
    %shift_left3A_64 = vector.broadcast %shift_left3A_63 : i32 to vector<16xi32>
    %shift_left3A_65 = arith.shli %shift_right_logical3A_62, %shift_left3A_64 : vector<16xi32>
    %and3A_66 = arith.constant 127 : i32
    %and3A_67 = vector.broadcast %and3A_66 : i32 to vector<16xi32>
    %and3A_68 = arith.andi %get3A_59, %and3A_67 : vector<16xi32>
    %add3A_69 = arith.addi %shift_left3A_65, %and3A_68 : vector<16xi32>
    %get3A_70 = arith.constant 32 : index
    %get3A_71 = tpu.vector_load %arg6[%get3A_70] {strides = array<i32>} : memref<512xi32, #tpu.memory_space<vmem>>, vector<16xi32>,
    %shift_right_logical3A_72 = arith.constant 7 : i32
    %shift_right_logical3A_73 = vector.broadcast %shift_right_logical3A_72 : i32 to vector<16xi32>
    %shift_right_logical3A_74 = arith.shrui %get3A_71, %shift_right_logical3A_73 : vector<16xi32>
    %shift_left3A_75 = arith.constant 10 : i32
    %shift_left3A_76 = vector.broadcast %shift_left3A_75 : i32 to vector<16xi32>
    %shift_left3A_77 = arith.shli %shift_right_logical3A_74, %shift_left3A_76 : vector<16xi32>
    %and3A_78 = arith.constant 127 : i32
    %and3A_79 = vector.broadcast %and3A_78 : i32 to vector<16xi32>
    %and3A_80 = arith.andi %get3A_71, %and3A_79 : vector<16xi32>
    %add3A_81 = arith.addi %shift_left3A_77, %and3A_80 : vector<16xi32>
    %get3A_82 = arith.constant 48 : index
    %get3A_83 = tpu.vector_load %arg6[%get3A_82] {strides = array<i32>} : memref<512xi32, #tpu.memory_space<vmem>>, vector<16xi32>,
    %shift_right_logical3A_84 = arith.constant 7 : i32
    %shift_right_logical3A_85 = vector.broadcast %shift_right_logical3A_84 : i32 to vector<16xi32>
    %shift_right_logical3A_86 = arith.shrui %get3A_83, %shift_right_logical3A_85 : vector<16xi32>
    %shift_left3A_87 = arith.constant 10 : i32
    %shift_left3A_88 = vector.broadcast %shift_left3A_87 : i32 to vector<16xi32>
    %shift_left3A_89 = arith.shli %shift_right_logical3A_86, %shift_left3A_88 : vector<16xi32>
    %and3A_90 = arith.constant 127 : i32
    %and3A_91 = vector.broadcast %and3A_90 : i32 to vector<16xi32>
    %and3A_92 = arith.andi %get3A_83, %and3A_91 : vector<16xi32>
    %add3A_93 = arith.addi %shift_left3A_89, %and3A_92 : vector<16xi32>
    %get3A_94 = arith.constant 64 : index
    %get3A_95 = tpu.vector_load %arg6[%get3A_94] {strides = array<i32>} : memref<512xi32, #tpu.memory_space<vmem>>, vector<16xi32>,
    %shift_right_logical3A_96 = arith.constant 7 : i32
    %shift_right_logical3A_97 = vector.broadcast %shift_right_logical3A_96 : i32 to vector<16xi32>
    %shift_right_logical3A_98 = arith.shrui %get3A_95, %shift_right_logical3A_97 : vector<16xi32>
    %shift_left3A_99 = arith.constant 10 : i32
    %shift_left3A_100 = vector.broadcast %shift_left3A_99 : i32 to vector<16xi32>
    %shift_left3A_101 = arith.shli %shift_right_logical3A_98, %shift_left3A_100 : vector<16xi32>
    %and3A_102 = arith.constant 127 : i32
    %and3A_103 = vector.broadcast %and3A_102 : i32 to vector<16xi32>
    %and3A_104 = arith.andi %get3A_95, %and3A_103 : vector<16xi32>
    %add3A_105 = arith.addi %shift_left3A_101, %and3A_104 : vector<16xi32>
    %get3A_106 = arith.constant 80 : index
    %get3A_107 = tpu.vector_load %arg6[%get3A_106] {strides = array<i32>} : memref<512xi32, #tpu.memory_space<vmem>>, vector<16xi32>,
    %shift_right_logical3A_108 = arith.constant 7 : i32
    %shift_right_logical3A_109 = vector.broadcast %shift_right_logical3A_108 : i32 to vector<16xi32>
    %shift_right_logical3A_110 = arith.shrui %get3A_107, %shift_right_logical3A_109 : vector<16xi32>
    %shift_left3A_111 = arith.constant 10 : i32
    %shift_left3A_112 = vector.broadcast %shift_left3A_111 : i32 to vector<16xi32>
    %shift_left3A_113 = arith.shli %shift_right_logical3A_110, %shift_left3A_112 : vector<16xi32>
    %and3A_114 = arith.constant 127 : i32
    %and3A_115 = vector.broadcast %and3A_114 : i32 to vector<16xi32>
    %and3A_116 = arith.andi %get3A_107, %and3A_115 : vector<16xi32>
    %add3A_117 = arith.addi %shift_left3A_113, %and3A_116 : vector<16xi32>
    %get3A_118 = arith.constant 96 : index
    %get3A_119 = tpu.vector_load %arg6[%get3A_118] {strides = array<i32>} : memref<512xi32, #tpu.memory_space<vmem>>, vector<16xi32>,
    %shift_right_logical3A_120 = arith.constant 7 : i32
    %shift_right_logical3A_121 = vector.broadcast %shift_right_logical3A_120 : i32 to vector<16xi32>
    %shift_right_logical3A_122 = arith.shrui %get3A_119, %shift_right_logical3A_121 : vector<16xi32>
    %shift_left3A_123 = arith.constant 10 : i32
    %shift_left3A_124 = vector.broadcast %shift_left3A_123 : i32 to vector<16xi32>
    %shift_left3A_125 = arith.shli %shift_right_logical3A_122, %shift_left3A_124 : vector<16xi32>
    %and3A_126 = arith.constant 127 : i32
    %and3A_127 = vector.broadcast %and3A_126 : i32 to vector<16xi32>
    %and3A_128 = arith.andi %get3A_119, %and3A_127 : vector<16xi32>
    %add3A_129 = arith.addi %shift_left3A_125, %and3A_128 : vector<16xi32>
    %get3A_130 = arith.constant 112 : index
    %get3A_131 = tpu.vector_load %arg6[%get3A_130] {strides = array<i32>} : memref<512xi32, #tpu.memory_space<vmem>>, vector<16xi32>,
    %shift_right_logical3A_132 = arith.constant 7 : i32
    %shift_right_logical3A_133 = vector.broadcast %shift_right_logical3A_132 : i32 to vector<16xi32>
    %shift_right_logical3A_134 = arith.shrui %get3A_131, %shift_right_logical3A_133 : vector<16xi32>
    %shift_left3A_135 = arith.constant 10 : i32
    %shift_left3A_136 = vector.broadcast %shift_left3A_135 : i32 to vector<16xi32>
    %shift_left3A_137 = arith.shli %shift_right_logical3A_134, %shift_left3A_136 : vector<16xi32>
    %and3A_138 = arith.constant 127 : i32
    %and3A_139 = vector.broadcast %and3A_138 : i32 to vector<16xi32>
    %and3A_140 = arith.andi %get3A_131, %and3A_139 : vector<16xi32>
    %add3A_141 = arith.addi %shift_left3A_137, %and3A_140 : vector<16xi32>
    %get3A_142 = arith.constant 128 : index
    %get3A_143 = tpu.vector_load %arg6[%get3A_142] {strides = array<i32>} : memref<512xi32, #tpu.memory_space<vmem>>, vector<16xi32>,
    %shift_right_logical3A_144 = arith.constant 7 : i32
    %shift_right_logical3A_145 = vector.broadcast %shift_right_logical3A_144 : i32 to vector<16xi32>
    %shift_right_logical3A_146 = arith.shrui %get3A_143, %shift_right_logical3A_145 : vector<16xi32>
    %shift_left3A_147 = arith.constant 10 : i32
    %shift_left3A_148 = vector.broadcast %shift_left3A_147 : i32 to vector<16xi32>
    %shift_left3A_149 = arith.shli %shift_right_logical3A_146, %shift_left3A_148 : vector<16xi32>
    %and3A_150 = arith.constant 127 : i32
    %and3A_151 = vector.broadcast %and3A_150 : i32 to vector<16xi32>
    %and3A_152 = arith.andi %get3A_143, %and3A_151 : vector<16xi32>
    %add3A_153 = arith.addi %shift_left3A_149, %and3A_152 : vector<16xi32>
    %get3A_154 = arith.constant 144 : index
    %get3A_155 = tpu.vector_load %arg6[%get3A_154] {strides = array<i32>} : memref<512xi32, #tpu.memory_space<vmem>>, vector<16xi32>,
    %shift_right_logical3A_156 = arith.constant 7 : i32
    %shift_right_logical3A_157 = vector.broadcast %shift_right_logical3A_156 : i32 to vector<16xi32>
    %shift_right_logical3A_158 = arith.shrui %get3A_155, %shift_right_logical3A_157 : vector<16xi32>
    %shift_left3A_159 = arith.constant 10 : i32
    %shift_left3A_160 = vector.broadcast %shift_left3A_159 : i32 to vector<16xi32>
    %shift_left3A_161 = arith.shli %shift_right_logical3A_158, %shift_left3A_160 : vector<16xi32>
    %and3A_162 = arith.constant 127 : i32
    %and3A_163 = vector.broadcast %and3A_162 : i32 to vector<16xi32>
    %and3A_164 = arith.andi %get3A_155, %and3A_163 : vector<16xi32>
    %add3A_165 = arith.addi %shift_left3A_161, %and3A_164 : vector<16xi32>
    %get3A_166 = arith.constant 160 : index
    %get3A_167 = tpu.vector_load %arg6[%get3A_166] {strides = array<i32>} : memref<512xi32, #tpu.memory_space<vmem>>, vector<16xi32>,
    %shift_right_logical3A_168 = arith.constant 7 : i32
    %shift_right_logical3A_169 = vector.broadcast %shift_right_logical3A_168 : i32 to vector<16xi32>
    %shift_right_logical3A_170 = arith.shrui %get3A_167, %shift_right_logical3A_169 : vector<16xi32>
    %shift_left3A_171 = arith.constant 10 : i32
    %shift_left3A_172 = vector.broadcast %shift_left3A_171 : i32 to vector<16xi32>
    %shift_left3A_173 = arith.shli %shift_right_logical3A_170, %shift_left3A_172 : vector<16xi32>
    %and3A_174 = arith.constant 127 : i32
    %and3A_175 = vector.broadcast %and3A_174 : i32 to vector<16xi32>
    %and3A_176 = arith.andi %get3A_167, %and3A_175 : vector<16xi32>
    %add3A_177 = arith.addi %shift_left3A_173, %and3A_176 : vector<16xi32>
    %get3A_178 = arith.constant 176 : index
    %get3A_179 = tpu.vector_load %arg6[%get3A_178] {strides = array<i32>} : memref<512xi32, #tpu.memory_space<vmem>>, vector<16xi32>,
    %shift_right_logical3A_180 = arith.constant 7 : i32
    %shift_right_logical3A_181 = vector.broadcast %shift_right_logical3A_180 : i32 to vector<16xi32>
    %shift_right_logical3A_182 = arith.shrui %get3A_179, %shift_right_logical3A_181 : vector<16xi32>
    %shift_left3A_183 = arith.constant 10 : i32
    %shift_left3A_184 = vector.broadcast %shift_left3A_183 : i32 to vector<16xi32>
    %shift_left3A_185 = arith.shli %shift_right_logical3A_182, %shift_left3A_184 : vector<16xi32>
    %and3A_186 = arith.constant 127 : i32
    %and3A_187 = vector.broadcast %and3A_186 : i32 to vector<16xi32>
    %and3A_188 = arith.andi %get3A_179, %and3A_187 : vector<16xi32>
    %add3A_189 = arith.addi %shift_left3A_185, %and3A_188 : vector<16xi32>
    %get3A_190 = arith.constant 192 : index
    %get3A_191 = tpu.vector_load %arg6[%get3A_190] {strides = array<i32>} : memref<512xi32, #tpu.memory_space<vmem>>, vector<16xi32>,
    %shift_right_logical3A_192 = arith.constant 7 : i32
    %shift_right_logical3A_193 = vector.broadcast %shift_right_logical3A_192 : i32 to vector<16xi32>
    %shift_right_logical3A_194 = arith.shrui %get3A_191, %shift_right_logical3A_193 : vector<16xi32>
    %shift_left3A_195 = arith.constant 10 : i32
    %shift_left3A_196 = vector.broadcast %shift_left3A_195 : i32 to vector<16xi32>
    %shift_left3A_197 = arith.shli %shift_right_logical3A_194, %shift_left3A_196 : vector<16xi32>
    %and3A_198 = arith.constant 127 : i32
    %and3A_199 = vector.broadcast %and3A_198 : i32 to vector<16xi32>
    %and3A_200 = arith.andi %get3A_191, %and3A_199 : vector<16xi32>
    %add3A_201 = arith.addi %shift_left3A_197, %and3A_200 : vector<16xi32>
    %get3A_202 = arith.constant 208 : index
    %get3A_203 = tpu.vector_load %arg6[%get3A_202] {strides = array<i32>} : memref<512xi32, #tpu.memory_space<vmem>>, vector<16xi32>,
    %shift_right_logical3A_204 = arith.constant 7 : i32
    %shift_right_logical3A_205 = vector.broadcast %shift_right_logical3A_204 : i32 to vector<16xi32>
    %shift_right_logical3A_206 = arith.shrui %get3A_203, %shift_right_logical3A_205 : vector<16xi32>
    %shift_left3A_207 = arith.constant 10 : i32
    %shift_left3A_208 = vector.broadcast %shift_left3A_207 : i32 to vector<16xi32>
    %shift_left3A_209 = arith.shli %shift_right_logical3A_206, %shift_left3A_208 : vector<16xi32>
    %and3A_210 = arith.constant 127 : i32
    %and3A_211 = vector.broadcast %and3A_210 : i32 to vector<16xi32>
    %and3A_212 = arith.andi %get3A_203, %and3A_211 : vector<16xi32>
    %add3A_213 = arith.addi %shift_left3A_209, %and3A_212 : vector<16xi32>
    %get3A_214 = arith.constant 224 : index
    %get3A_215 = tpu.vector_load %arg6[%get3A_214] {strides = array<i32>} : memref<512xi32, #tpu.memory_space<vmem>>, vector<16xi32>,
    %shift_right_logical3A_216 = arith.constant 7 : i32
    %shift_right_logical3A_217 = vector.broadcast %shift_right_logical3A_216 : i32 to vector<16xi32>
    %shift_right_logical3A_218 = arith.shrui %get3A_215, %shift_right_logical3A_217 : vector<16xi32>
    %shift_left3A_219 = arith.constant 10 : i32
    %shift_left3A_220 = vector.broadcast %shift_left3A_219 : i32 to vector<16xi32>
    %shift_left3A_221 = arith.shli %shift_right_logical3A_218, %shift_left3A_220 : vector<16xi32>
    %and3A_222 = arith.constant 127 : i32
    %and3A_223 = vector.broadcast %and3A_222 : i32 to vector<16xi32>
    %and3A_224 = arith.andi %get3A_215, %and3A_223 : vector<16xi32>
    %add3A_225 = arith.addi %shift_left3A_221, %and3A_224 : vector<16xi32>
    %get3A_226 = arith.constant 240 : index
    %get3A_227 = tpu.vector_load %arg6[%get3A_226] {strides = array<i32>} : memref<512xi32, #tpu.memory_space<vmem>>, vector<16xi32>,
    %shift_right_logical3A_228 = arith.constant 7 : i32
    %shift_right_logical3A_229 = vector.broadcast %shift_right_logical3A_228 : i32 to vector<16xi32>
    %shift_right_logical3A_230 = arith.shrui %get3A_227, %shift_right_logical3A_229 : vector<16xi32>
    %shift_left3A_231 = arith.constant 10 : i32
    %shift_left3A_232 = vector.broadcast %shift_left3A_231 : i32 to vector<16xi32>
    %shift_left3A_233 = arith.shli %shift_right_logical3A_230, %shift_left3A_232 : vector<16xi32>
    %and3A_234 = arith.constant 127 : i32
    %and3A_235 = vector.broadcast %and3A_234 : i32 to vector<16xi32>
    %and3A_236 = arith.andi %get3A_227, %and3A_235 : vector<16xi32>
    %add3A_237 = arith.addi %shift_left3A_233, %and3A_236 : vector<16xi32>
    %get3A_238 = arith.constant 256 : index
    %get3A_239 = tpu.vector_load %arg6[%get3A_238] {strides = array<i32>} : memref<512xi32, #tpu.memory_space<vmem>>, vector<16xi32>,
    %shift_right_logical3A_240 = arith.constant 7 : i32
    %shift_right_logical3A_241 = vector.broadcast %shift_right_logical3A_240 : i32 to vector<16xi32>
    %shift_right_logical3A_242 = arith.shrui %get3A_239, %shift_right_logical3A_241 : vector<16xi32>
    %shift_left3A_243 = arith.constant 10 : i32
    %shift_left3A_244 = vector.broadcast %shift_left3A_243 : i32 to vector<16xi32>
    %shift_left3A_245 = arith.shli %shift_right_logical3A_242, %shift_left3A_244 : vector<16xi32>
    %and3A_246 = arith.constant 127 : i32
    %and3A_247 = vector.broadcast %and3A_246 : i32 to vector<16xi32>
    %and3A_248 = arith.andi %get3A_239, %and3A_247 : vector<16xi32>
    %add3A_249 = arith.addi %shift_left3A_245, %and3A_248 : vector<16xi32>
    %get3A_250 = arith.constant 272 : index
    %get3A_251 = tpu.vector_load %arg6[%get3A_250] {strides = array<i32>} : memref<512xi32, #tpu.memory_space<vmem>>, vector<16xi32>,
    %shift_right_logical3A_252 = arith.constant 7 : i32
    %shift_right_logical3A_253 = vector.broadcast %shift_right_logical3A_252 : i32 to vector<16xi32>
    %shift_right_logical3A_254 = arith.shrui %get3A_251, %shift_right_logical3A_253 : vector<16xi32>
    %shift_left3A_255 = arith.constant 10 : i32
    %shift_left3A_256 = vector.broadcast %shift_left3A_255 : i32 to vector<16xi32>
    %shift_left3A_257 = arith.shli %shift_right_logical3A_254, %shift_left3A_256 : vector<16xi32>
    %and3A_258 = arith.constant 127 : i32
    %and3A_259 = vector.broadcast %and3A_258 : i32 to vector<16xi32>
    %and3A_260 = arith.andi %get3A_251, %and3A_259 : vector<16xi32>
    %add3A_261 = arith.addi %shift_left3A_257, %and3A_260 : vector<16xi32>
    %get3A_262 = arith.constant 288 : index
    %get3A_263 = tpu.vector_load %arg6[%get3A_262] {strides = array<i32>} : memref<512xi32, #tpu.memory_space<vmem>>, vector<16xi32>,
    %shift_right_logical3A_264 = arith.constant 7 : i32
    %shift_right_logical3A_265 = vector.broadcast %shift_right_logical3A_264 : i32 to vector<16xi32>
    %shift_right_logical3A_266 = arith.shrui %get3A_263, %shift_right_logical3A_265 : vector<16xi32>
    %shift_left3A_267 = arith.constant 10 : i32
    %shift_left3A_268 = vector.broadcast %shift_left3A_267 : i32 to vector<16xi32>
    %shift_left3A_269 = arith.shli %shift_right_logical3A_266, %shift_left3A_268 : vector<16xi32>
    %and3A_270 = arith.constant 127 : i32
    %and3A_271 = vector.broadcast %and3A_270 : i32 to vector<16xi32>
    %and3A_272 = arith.andi %get3A_263, %and3A_271 : vector<16xi32>
    %add3A_273 = arith.addi %shift_left3A_269, %and3A_272 : vector<16xi32>
    %get3A_274 = arith.constant 304 : index
    %get3A_275 = tpu.vector_load %arg6[%get3A_274] {strides = array<i32>} : memref<512xi32, #tpu.memory_space<vmem>>, vector<16xi32>,
    %shift_right_logical3A_276 = arith.constant 7 : i32
    %shift_right_logical3A_277 = vector.broadcast %shift_right_logical3A_276 : i32 to vector<16xi32>
    %shift_right_logical3A_278 = arith.shrui %get3A_275, %shift_right_logical3A_277 : vector<16xi32>
    %shift_left3A_279 = arith.constant 10 : i32
    %shift_left3A_280 = vector.broadcast %shift_left3A_279 : i32 to vector<16xi32>
    %shift_left3A_281 = arith.shli %shift_right_logical3A_278, %shift_left3A_280 : vector<16xi32>
    %and3A_282 = arith.constant 127 : i32
    %and3A_283 = vector.broadcast %and3A_282 : i32 to vector<16xi32>
    %and3A_284 = arith.andi %get3A_275, %and3A_283 : vector<16xi32>
    %add3A_285 = arith.addi %shift_left3A_281, %and3A_284 : vector<16xi32>
    %get3A_286 = arith.constant 320 : index
    %get3A_287 = tpu.vector_load %arg6[%get3A_286] {strides = array<i32>} : memref<512xi32, #tpu.memory_space<vmem>>, vector<16xi32>,
    %shift_right_logical3A_288 = arith.constant 7 : i32
    %shift_right_logical3A_289 = vector.broadcast %shift_right_logical3A_288 : i32 to vector<16xi32>
    %shift_right_logical3A_290 = arith.shrui %get3A_287, %shift_right_logical3A_289 : vector<16xi32>
    %shift_left3A_291 = arith.constant 10 : i32
    %shift_left3A_292 = vector.broadcast %shift_left3A_291 : i32 to vector<16xi32>
    %shift_left3A_293 = arith.shli %shift_right_logical3A_290, %shift_left3A_292 : vector<16xi32>
    %and3A_294 = arith.constant 127 : i32
    %and3A_295 = vector.broadcast %and3A_294 : i32 to vector<16xi32>
    %and3A_296 = arith.andi %get3A_287, %and3A_295 : vector<16xi32>
    %add3A_297 = arith.addi %shift_left3A_293, %and3A_296 : vector<16xi32>
    %get3A_298 = arith.constant 336 : index
    %get3A_299 = tpu.vector_load %arg6[%get3A_298] {strides = array<i32>} : memref<512xi32, #tpu.memory_space<vmem>>, vector<16xi32>,
    %shift_right_logical3A_300 = arith.constant 7 : i32
    %shift_right_logical3A_301 = vector.broadcast %shift_right_logical3A_300 : i32 to vector<16xi32>
    %shift_right_logical3A_302 = arith.shrui %get3A_299, %shift_right_logical3A_301 : vector<16xi32>
    %shift_left3A_303 = arith.constant 10 : i32
    %shift_left3A_304 = vector.broadcast %shift_left3A_303 : i32 to vector<16xi32>
    %shift_left3A_305 = arith.shli %shift_right_logical3A_302, %shift_left3A_304 : vector<16xi32>
    %and3A_306 = arith.constant 127 : i32
    %and3A_307 = vector.broadcast %and3A_306 : i32 to vector<16xi32>
    %and3A_308 = arith.andi %get3A_299, %and3A_307 : vector<16xi32>
    %add3A_309 = arith.addi %shift_left3A_305, %and3A_308 : vector<16xi32>
    %get3A_310 = arith.constant 352 : index
    %get3A_311 = tpu.vector_load %arg6[%get3A_310] {strides = array<i32>} : memref<512xi32, #tpu.memory_space<vmem>>, vector<16xi32>,
    %shift_right_logical3A_312 = arith.constant 7 : i32
    %shift_right_logical3A_313 = vector.broadcast %shift_right_logical3A_312 : i32 to vector<16xi32>
    %shift_right_logical3A_314 = arith.shrui %get3A_311, %shift_right_logical3A_313 : vector<16xi32>
    %shift_left3A_315 = arith.constant 10 : i32
    %shift_left3A_316 = vector.broadcast %shift_left3A_315 : i32 to vector<16xi32>
    %shift_left3A_317 = arith.shli %shift_right_logical3A_314, %shift_left3A_316 : vector<16xi32>
    %and3A_318 = arith.constant 127 : i32
    %and3A_319 = vector.broadcast %and3A_318 : i32 to vector<16xi32>
    %and3A_320 = arith.andi %get3A_311, %and3A_319 : vector<16xi32>
    %add3A_321 = arith.addi %shift_left3A_317, %and3A_320 : vector<16xi32>
    %get3A_322 = arith.constant 368 : index
    %get3A_323 = tpu.vector_load %arg6[%get3A_322] {strides = array<i32>} : memref<512xi32, #tpu.memory_space<vmem>>, vector<16xi32>,
    %shift_right_logical3A_324 = arith.constant 7 : i32
    %shift_right_logical3A_325 = vector.broadcast %shift_right_logical3A_324 : i32 to vector<16xi32>
    %shift_right_logical3A_326 = arith.shrui %get3A_323, %shift_right_logical3A_325 : vector<16xi32>
    %shift_left3A_327 = arith.constant 10 : i32
    %shift_left3A_328 = vector.broadcast %shift_left3A_327 : i32 to vector<16xi32>
    %shift_left3A_329 = arith.shli %shift_right_logical3A_326, %shift_left3A_328 : vector<16xi32>
    %and3A_330 = arith.constant 127 : i32
    %and3A_331 = vector.broadcast %and3A_330 : i32 to vector<16xi32>
    %and3A_332 = arith.andi %get3A_323, %and3A_331 : vector<16xi32>
    %add3A_333 = arith.addi %shift_left3A_329, %and3A_332 : vector<16xi32>
    %get3A_334 = arith.constant 384 : index
    %get3A_335 = tpu.vector_load %arg6[%get3A_334] {strides = array<i32>} : memref<512xi32, #tpu.memory_space<vmem>>, vector<16xi32>,
    %shift_right_logical3A_336 = arith.constant 7 : i32
    %shift_right_logical3A_337 = vector.broadcast %shift_right_logical3A_336 : i32 to vector<16xi32>
    %shift_right_logical3A_338 = arith.shrui %get3A_335, %shift_right_logical3A_337 : vector<16xi32>
    %shift_left3A_339 = arith.constant 10 : i32
    %shift_left3A_340 = vector.broadcast %shift_left3A_339 : i32 to vector<16xi32>
    %shift_left3A_341 = arith.shli %shift_right_logical3A_338, %shift_left3A_340 : vector<16xi32>
    %and3A_342 = arith.constant 127 : i32
    %and3A_343 = vector.broadcast %and3A_342 : i32 to vector<16xi32>
    %and3A_344 = arith.andi %get3A_335, %and3A_343 : vector<16xi32>
    %add3A_345 = arith.addi %shift_left3A_341, %and3A_344 : vector<16xi32>
    %get3A_346 = arith.constant 400 : index
    %get3A_347 = tpu.vector_load %arg6[%get3A_346] {strides = array<i32>} : memref<512xi32, #tpu.memory_space<vmem>>, vector<16xi32>,
    %shift_right_logical3A_348 = arith.constant 7 : i32
    %shift_right_logical3A_349 = vector.broadcast %shift_right_logical3A_348 : i32 to vector<16xi32>
    %shift_right_logical3A_350 = arith.shrui %get3A_347, %shift_right_logical3A_349 : vector<16xi32>
    %shift_left3A_351 = arith.constant 10 : i32
    %shift_left3A_352 = vector.broadcast %shift_left3A_351 : i32 to vector<16xi32>
    %shift_left3A_353 = arith.shli %shift_right_logical3A_350, %shift_left3A_352 : vector<16xi32>
    %and3A_354 = arith.constant 127 : i32
    %and3A_355 = vector.broadcast %and3A_354 : i32 to vector<16xi32>
    %and3A_356 = arith.andi %get3A_347, %and3A_355 : vector<16xi32>
    %add3A_357 = arith.addi %shift_left3A_353, %and3A_356 : vector<16xi32>
    %get3A_358 = arith.constant 416 : index
    %get3A_359 = tpu.vector_load %arg6[%get3A_358] {strides = array<i32>} : memref<512xi32, #tpu.memory_space<vmem>>, vector<16xi32>,
    %shift_right_logical3A_360 = arith.constant 7 : i32
    %shift_right_logical3A_361 = vector.broadcast %shift_right_logical3A_360 : i32 to vector<16xi32>
    %shift_right_logical3A_362 = arith.shrui %get3A_359, %shift_right_logical3A_361 : vector<16xi32>
    %shift_left3A_363 = arith.constant 10 : i32
    %shift_left3A_364 = vector.broadcast %shift_left3A_363 : i32 to vector<16xi32>
    %shift_left3A_365 = arith.shli %shift_right_logical3A_362, %shift_left3A_364 : vector<16xi32>
    %and3A_366 = arith.constant 127 : i32
    %and3A_367 = vector.broadcast %and3A_366 : i32 to vector<16xi32>
    %and3A_368 = arith.andi %get3A_359, %and3A_367 : vector<16xi32>
    %add3A_369 = arith.addi %shift_left3A_365, %and3A_368 : vector<16xi32>
    %get3A_370 = arith.constant 432 : index
    %get3A_371 = tpu.vector_load %arg6[%get3A_370] {strides = array<i32>} : memref<512xi32, #tpu.memory_space<vmem>>, vector<16xi32>,
    %shift_right_logical3A_372 = arith.constant 7 : i32
    %shift_right_logical3A_373 = vector.broadcast %shift_right_logical3A_372 : i32 to vector<16xi32>
    %shift_right_logical3A_374 = arith.shrui %get3A_371, %shift_right_logical3A_373 : vector<16xi32>
    %shift_left3A_375 = arith.constant 10 : i32
    %shift_left3A_376 = vector.broadcast %shift_left3A_375 : i32 to vector<16xi32>
    %shift_left3A_377 = arith.shli %shift_right_logical3A_374, %shift_left3A_376 : vector<16xi32>
    %and3A_378 = arith.constant 127 : i32
    %and3A_379 = vector.broadcast %and3A_378 : i32 to vector<16xi32>
    %and3A_380 = arith.andi %get3A_371, %and3A_379 : vector<16xi32>
    %add3A_381 = arith.addi %shift_left3A_377, %and3A_380 : vector<16xi32>
    %get3A_382 = arith.constant 448 : index
    %get3A_383 = tpu.vector_load %arg6[%get3A_382] {strides = array<i32>} : memref<512xi32, #tpu.memory_space<vmem>>, vector<16xi32>,
    %shift_right_logical3A_384 = arith.constant 7 : i32
    %shift_right_logical3A_385 = vector.broadcast %shift_right_logical3A_384 : i32 to vector<16xi32>
    %shift_right_logical3A_386 = arith.shrui %get3A_383, %shift_right_logical3A_385 : vector<16xi32>
    %shift_left3A_387 = arith.constant 10 : i32
    %shift_left3A_388 = vector.broadcast %shift_left3A_387 : i32 to vector<16xi32>
    %shift_left3A_389 = arith.shli %shift_right_logical3A_386, %shift_left3A_388 : vector<16xi32>
    %and3A_390 = arith.constant 127 : i32
    %and3A_391 = vector.broadcast %and3A_390 : i32 to vector<16xi32>
    %and3A_392 = arith.andi %get3A_383, %and3A_391 : vector<16xi32>
    %add3A_393 = arith.addi %shift_left3A_389, %and3A_392 : vector<16xi32>
    %get3A_394 = arith.constant 464 : index
    %get3A_395 = tpu.vector_load %arg6[%get3A_394] {strides = array<i32>} : memref<512xi32, #tpu.memory_space<vmem>>, vector<16xi32>,
    %shift_right_logical3A_396 = arith.constant 7 : i32
    %shift_right_logical3A_397 = vector.broadcast %shift_right_logical3A_396 : i32 to vector<16xi32>
    %shift_right_logical3A_398 = arith.shrui %get3A_395, %shift_right_logical3A_397 : vector<16xi32>
    %shift_left3A_399 = arith.constant 10 : i32
    %shift_left3A_400 = vector.broadcast %shift_left3A_399 : i32 to vector<16xi32>
    %shift_left3A_401 = arith.shli %shift_right_logical3A_398, %shift_left3A_400 : vector<16xi32>
    %and3A_402 = arith.constant 127 : i32
    %and3A_403 = vector.broadcast %and3A_402 : i32 to vector<16xi32>
    %and3A_404 = arith.andi %get3A_395, %and3A_403 : vector<16xi32>
    %add3A_405 = arith.addi %shift_left3A_401, %and3A_404 : vector<16xi32>
    %get3A_406 = arith.constant 480 : index
    %get3A_407 = tpu.vector_load %arg6[%get3A_406] {strides = array<i32>} : memref<512xi32, #tpu.memory_space<vmem>>, vector<16xi32>,
    %shift_right_logical3A_408 = arith.constant 7 : i32
    %shift_right_logical3A_409 = vector.broadcast %shift_right_logical3A_408 : i32 to vector<16xi32>
    %shift_right_logical3A_410 = arith.shrui %get3A_407, %shift_right_logical3A_409 : vector<16xi32>
    %shift_left3A_411 = arith.constant 10 : i32
    %shift_left3A_412 = vector.broadcast %shift_left3A_411 : i32 to vector<16xi32>
    %shift_left3A_413 = arith.shli %shift_right_logical3A_410, %shift_left3A_412 : vector<16xi32>
    %and3A_414 = arith.constant 127 : i32
    %and3A_415 = vector.broadcast %and3A_414 : i32 to vector<16xi32>
    %and3A_416 = arith.andi %get3A_407, %and3A_415 : vector<16xi32>
    %add3A_417 = arith.addi %shift_left3A_413, %and3A_416 : vector<16xi32>
    %get3A_418 = arith.constant 496 : index
    %get3A_419 = tpu.vector_load %arg6[%get3A_418] {strides = array<i32>} : memref<512xi32, #tpu.memory_space<vmem>>, vector<16xi32>,
    %shift_right_logical3A_420 = arith.constant 7 : i32
    %shift_right_logical3A_421 = vector.broadcast %shift_right_logical3A_420 : i32 to vector<16xi32>
    %shift_right_logical3A_422 = arith.shrui %get3A_419, %shift_right_logical3A_421 : vector<16xi32>
    %shift_left3A_423 = arith.constant 10 : i32
    %shift_left3A_424 = vector.broadcast %shift_left3A_423 : i32 to vector<16xi32>
    %shift_left3A_425 = arith.shli %shift_right_logical3A_422, %shift_left3A_424 : vector<16xi32>
    %and3A_426 = arith.constant 127 : i32
    %and3A_427 = vector.broadcast %and3A_426 : i32 to vector<16xi32>
    %and3A_428 = arith.andi %get3A_419, %and3A_427 : vector<16xi32>
    %add3A_429 = arith.addi %shift_left3A_425, %and3A_428 : vector<16xi32>
    %add3A_430 = arith.constant 0 : i32
    %add3A_431 = vector.broadcast %add3A_430 : i32 to vector<16xi32>
    %add3A_432 = arith.addi %add3A_57, %add3A_431 : vector<16xi32>
    %swap3A = arith.constant 0 : index
    %swap3A_433 = tpu.vector_load %arg7[%swap3A] {strides = array<i32>} : memref<4096xi32, #tpu.memory_space<vmem>>, vector<16xi32>,
    tpu.vector_store %arg7[%swap3A], %add3A_432 {strides = array<i32>} : memref<4096xi32, #tpu.memory_space<vmem>>, vector<16xi32>,
    %add3A_434 = arith.constant 0 : i32
    %add3A_435 = vector.broadcast %add3A_434 : i32 to vector<16xi32>
    %add3A_436 = arith.addi %add3A_69, %add3A_435 : vector<16xi32>
    %swap3A_437 = arith.constant 16 : index
    %swap3A_438 = tpu.vector_load %arg7[%swap3A_437] {strides = array<i32>} : memref<4096xi32, #tpu.memory_space<vmem>>, vector<16xi32>,
    tpu.vector_store %arg7[%swap3A_437], %add3A_436 {strides = array<i32>} : memref<4096xi32, #tpu.memory_space<vmem>>, vector<16xi32>,
    %add3A_439 = arith.constant 0 : i32
    %add3A_440 = vector.broadcast %add3A_439 : i32 to vector<16xi32>
    %add3A_441 = arith.addi %add3A_81, %add3A_440 : vector<16xi32>
    %swap3A_442 = arith.constant 32 : index
    %swap3A_443 = tpu.vector_load %arg7[%swap3A_442] {strides = array<i32>} : memref<4096xi32, #tpu.memory_space<vmem>>, vector<16xi32>,
    tpu.vector_store %arg7[%swap3A_442], %add3A_441 {strides = array<i32>} : memref<4096xi32, #tpu.memory_space<vmem>>, vector<16xi32>,
    %add3A_444 = arith.constant 0 : i32
    %add3A_445 = vector.broadcast %add3A_444 : i32 to vector<16xi32>
    %add3A_446 = arith.addi %add3A_93, %add3A_445 : vector<16xi32>
    %swap3A_447 = arith.constant 48 : index
    %swap3A_448 = tpu.vector_load %arg7[%swap3A_447] {strides = array<i32>} : memref<4096xi32, #tpu.memory_space<vmem>>, vector<16xi32>,
    tpu.vector_store %arg7[%swap3A_447], %add3A_446 {strides = array<i32>} : memref<4096xi32, #tpu.memory_space<vmem>>, vector<16xi32>,
    %add3A_449 = arith.constant 0 : i32
    %add3A_450 = vector.broadcast %add3A_449 : i32 to vector<16xi32>
    %add3A_451 = arith.addi %add3A_105, %add3A_450 : vector<16xi32>
    %swap3A_452 = arith.constant 64 : index
    %swap3A_453 = tpu.vector_load %arg7[%swap3A_452] {strides = array<i32>} : memref<4096xi32, #tpu.memory_space<vmem>>, vector<16xi32>,
    tpu.vector_store %arg7[%swap3A_452], %add3A_451 {strides = array<i32>} : memref<4096xi32, #tpu.memory_space<vmem>>, vector<16xi32>,
    %add3A_454 = arith.constant 0 : i32
    %add3A_455 = vector.broadcast %add3A_454 : i32 to vector<16xi32>
    %add3A_456 = arith.addi %add3A_117, %add3A_455 : vector<16xi32>
    %swap3A_457 = arith.constant 80 : index
    %swap3A_458 = tpu.vector_load %arg7[%swap3A_457] {strides = array<i32>} : memref<4096xi32, #tpu.memory_space<vmem>>, vector<16xi32>,
    tpu.vector_store %arg7[%swap3A_457], %add3A_456 {strides = array<i32>} : memref<4096xi32, #tpu.memory_space<vmem>>, vector<16xi32>,
    %add3A_459 = arith.constant 0 : i32
    %add3A_460 = vector.broadcast %add3A_459 : i32 to vector<16xi32>
    %add3A_461 = arith.addi %add3A_129, %add3A_460 : vector<16xi32>
    %swap3A_462 = arith.constant 96 : index
    %swap3A_463 = tpu.vector_load %arg7[%swap3A_462] {strides = array<i32>} : memref<4096xi32, #tpu.memory_space<vmem>>, vector<16xi32>,
    tpu.vector_store %arg7[%swap3A_462], %add3A_461 {strides = array<i32>} : memref<4096xi32, #tpu.memory_space<vmem>>, vector<16xi32>,
    %add3A_464 = arith.constant 0 : i32
    %add3A_465 = vector.broadcast %add3A_464 : i32 to vector<16xi32>
    %add3A_466 = arith.addi %add3A_141, %add3A_465 : vector<16xi32>
    %swap3A_467 = arith.constant 112 : index
    %swap3A_468 = tpu.vector_load %arg7[%swap3A_467] {strides = array<i32>} : memref<4096xi32, #tpu.memory_space<vmem>>, vector<16xi32>,
    tpu.vector_store %arg7[%swap3A_467], %add3A_466 {strides = array<i32>} : memref<4096xi32, #tpu.memory_space<vmem>>, vector<16xi32>,
    %dma_start3A_469 = arith.constant 0 : i32
    %dma_start3A_470 = tpu.memref_slice %arg8[%dma_start3A_469] : memref<4096xf32, #tpu.memory_space<vmem>> -> memref<128xf32, #tpu.memory_space<vmem>>
    %dma_start3A_471 = arith.constant 0 : i32
    %dma_start3A_472 = tpu.memref_slice %arg7[%dma_start3A_471] : memref<4096xi32, #tpu.memory_space<vmem>> -> memref<128xi32, #tpu.memory_space<vmem>>
    %dma_start3A_473 = arith.constant 0 : i32
    %dma_start3A_474 = tpu.memref_slice %arg4[%dma_start3A_473] : memref<8000512xf32, #tpu.memory_space<hbm>> -> memref<8000512xf32, #tpu.memory_space<hbm>>
    tpu.enqueue_indirect_dma source(%dma_start3A_474 : memref<8000512xf32, #tpu.memory_space<hbm>>) target(%dma_start3A_470 : memref<128xf32, #tpu.memory_space<vmem>>) offsets(%dma_start3A_472 : memref<128xi32, #tpu.memory_space<vmem>>) semaphore(%arg11 : memref<!tpu.dma_semaphore, #tpu.memory_space<semaphore_mem>>)
    %add3A_475 = arith.constant 0 : i32
    %add3A_476 = vector.broadcast %add3A_475 : i32 to vector<16xi32>
    %add3A_477 = arith.addi %add3A_153, %add3A_476 : vector<16xi32>
    %swap3A_478 = arith.constant 128 : index
    %swap3A_479 = tpu.vector_load %arg7[%swap3A_478] {strides = array<i32>} : memref<4096xi32, #tpu.memory_space<vmem>>, vector<16xi32>,
    tpu.vector_store %arg7[%swap3A_478], %add3A_477 {strides = array<i32>} : memref<4096xi32, #tpu.memory_space<vmem>>, vector<16xi32>,
    %add3A_480 = arith.constant 0 : i32
    %add3A_481 = vector.broadcast %add3A_480 : i32 to vector<16xi32>
    %add3A_482 = arith.addi %add3A_165, %add3A_481 : vector<16xi32>
    %swap3A_483 = arith.constant 144 : index
    %swap3A_484 = tpu.vector_load %arg7[%swap3A_483] {strides = array<i32>} : memref<4096xi32, #tpu.memory_space<vmem>>, vector<16xi32>,
    tpu.vector_store %arg7[%swap3A_483], %add3A_482 {strides = array<i32>} : memref<4096xi32, #tpu.memory_space<vmem>>, vector<16xi32>,
    %add3A_485 = arith.constant 0 : i32
    %add3A_486 = vector.broadcast %add3A_485 : i32 to vector<16xi32>
    %add3A_487 = arith.addi %add3A_177, %add3A_486 : vector<16xi32>
    %swap3A_488 = arith.constant 160 : index
    %swap3A_489 = tpu.vector_load %arg7[%swap3A_488] {strides = array<i32>} : memref<4096xi32, #tpu.memory_space<vmem>>, vector<16xi32>,
    tpu.vector_store %arg7[%swap3A_488], %add3A_487 {strides = array<i32>} : memref<4096xi32, #tpu.memory_space<vmem>>, vector<16xi32>,
    %add3A_490 = arith.constant 0 : i32
    %add3A_491 = vector.broadcast %add3A_490 : i32 to vector<16xi32>
    %add3A_492 = arith.addi %add3A_189, %add3A_491 : vector<16xi32>
    %swap3A_493 = arith.constant 176 : index
    %swap3A_494 = tpu.vector_load %arg7[%swap3A_493] {strides = array<i32>} : memref<4096xi32, #tpu.memory_space<vmem>>, vector<16xi32>,
    tpu.vector_store %arg7[%swap3A_493], %add3A_492 {strides = array<i32>} : memref<4096xi32, #tpu.memory_space<vmem>>, vector<16xi32>,
    %add3A_495 = arith.constant 0 : i32
    %add3A_496 = vector.broadcast %add3A_495 : i32 to vector<16xi32>
    %add3A_497 = arith.addi %add3A_201, %add3A_496 : vector<16xi32>
    %swap3A_498 = arith.constant 192 : index
    %swap3A_499 = tpu.vector_load %arg7[%swap3A_498] {strides = array<i32>} : memref<4096xi32, #tpu.memory_space<vmem>>, vector<16xi32>,
    tpu.vector_store %arg7[%swap3A_498], %add3A_497 {strides = array<i32>} : memref<4096xi32, #tpu.memory_space<vmem>>, vector<16xi32>,
    %add3A_500 = arith.constant 0 : i32
    %add3A_501 = vector.broadcast %add3A_500 : i32 to vector<16xi32>
    %add3A_502 = arith.addi %add3A_213, %add3A_501 : vector<16xi32>
    %swap3A_503 = arith.constant 208 : index
    %swap3A_504 = tpu.vector_load %arg7[%swap3A_503] {strides = array<i32>} : memref<4096xi32, #tpu.memory_space<vmem>>, vector<16xi32>,
    tpu.vector_store %arg7[%swap3A_503], %add3A_502 {strides = array<i32>} : memref<4096xi32, #tpu.memory_space<vmem>>, vector<16xi32>,
    %add3A_505 = arith.constant 0 : i32
    %add3A_506 = vector.broadcast %add3A_505 : i32 to vector<16xi32>
    %add3A_507 = arith.addi %add3A_225, %add3A_506 : vector<16xi32>
    %swap3A_508 = arith.constant 224 : index
    %swap3A_509 = tpu.vector_load %arg7[%swap3A_508] {strides = array<i32>} : memref<4096xi32, #tpu.memory_space<vmem>>, vector<16xi32>,
    tpu.vector_store %arg7[%swap3A_508], %add3A_507 {strides = array<i32>} : memref<4096xi32, #tpu.memory_space<vmem>>, vector<16xi32>,
    %add3A_510 = arith.constant 0 : i32
    %add3A_511 = vector.broadcast %add3A_510 : i32 to vector<16xi32>
    %add3A_512 = arith.addi %add3A_237, %add3A_511 : vector<16xi32>
    %swap3A_513 = arith.constant 240 : index
    %swap3A_514 = tpu.vector_load %arg7[%swap3A_513] {strides = array<i32>} : memref<4096xi32, #tpu.memory_space<vmem>>, vector<16xi32>,
    tpu.vector_store %arg7[%swap3A_513], %add3A_512 {strides = array<i32>} : memref<4096xi32, #tpu.memory_space<vmem>>, vector<16xi32>,
    %dma_start3A_515 = arith.constant 128 : i32
    %dma_start3A_516 = tpu.memref_slice %arg8[%dma_start3A_515] : memref<4096xf32, #tpu.memory_space<vmem>> -> memref<128xf32, #tpu.memory_space<vmem>>
    %dma_start3A_517 = arith.constant 128 : i32
    %dma_start3A_518 = tpu.memref_slice %arg7[%dma_start3A_517] : memref<4096xi32, #tpu.memory_space<vmem>> -> memref<128xi32, #tpu.memory_space<vmem>>
    %dma_start3A_519 = arith.constant 0 : i32
    %dma_start3A_520 = tpu.memref_slice %arg4[%dma_start3A_519] : memref<8000512xf32, #tpu.memory_space<hbm>> -> memref<8000512xf32, #tpu.memory_space<hbm>>
    tpu.enqueue_indirect_dma source(%dma_start3A_520 : memref<8000512xf32, #tpu.memory_space<hbm>>) target(%dma_start3A_516 : memref<128xf32, #tpu.memory_space<vmem>>) offsets(%dma_start3A_518 : memref<128xi32, #tpu.memory_space<vmem>>) semaphore(%arg11 : memref<!tpu.dma_semaphore, #tpu.memory_space<semaphore_mem>>)
    %add3A_521 = arith.constant 0 : i32
    %add3A_522 = vector.broadcast %add3A_521 : i32 to vector<16xi32>
    %add3A_523 = arith.addi %add3A_249, %add3A_522 : vector<16xi32>
    %swap3A_524 = arith.constant 256 : index
    %swap3A_525 = tpu.vector_load %arg7[%swap3A_524] {strides = array<i32>} : memref<4096xi32, #tpu.memory_space<vmem>>, vector<16xi32>,
    tpu.vector_store %arg7[%swap3A_524], %add3A_523 {strides = array<i32>} : memref<4096xi32, #tpu.memory_space<vmem>>, vector<16xi32>,
    %add3A_526 = arith.constant 0 : i32
    %add3A_527 = vector.broadcast %add3A_526 : i32 to vector<16xi32>
    %add3A_528 = arith.addi %add3A_261, %add3A_527 : vector<16xi32>
    %swap3A_529 = arith.constant 272 : index
    %swap3A_530 = tpu.vector_load %arg7[%swap3A_529] {strides = array<i32>} : memref<4096xi32, #tpu.memory_space<vmem>>, vector<16xi32>,
    tpu.vector_store %arg7[%swap3A_529], %add3A_528 {strides = array<i32>} : memref<4096xi32, #tpu.memory_space<vmem>>, vector<16xi32>,
    %add3A_531 = arith.constant 0 : i32
    %add3A_532 = vector.broadcast %add3A_531 : i32 to vector<16xi32>
    %add3A_533 = arith.addi %add3A_273, %add3A_532 : vector<16xi32>
    %swap3A_534 = arith.constant 288 : index
    %swap3A_535 = tpu.vector_load %arg7[%swap3A_534] {strides = array<i32>} : memref<4096xi32, #tpu.memory_space<vmem>>, vector<16xi32>,
    tpu.vector_store %arg7[%swap3A_534], %add3A_533 {strides = array<i32>} : memref<4096xi32, #tpu.memory_space<vmem>>, vector<16xi32>,
    %add3A_536 = arith.constant 0 : i32
    %add3A_537 = vector.broadcast %add3A_536 : i32 to vector<16xi32>
    %add3A_538 = arith.addi %add3A_285, %add3A_537 : vector<16xi32>
    %swap3A_539 = arith.constant 304 : index
    %swap3A_540 = tpu.vector_load %arg7[%swap3A_539] {strides = array<i32>} : memref<4096xi32, #tpu.memory_space<vmem>>, vector<16xi32>,
    tpu.vector_store %arg7[%swap3A_539], %add3A_538 {strides = array<i32>} : memref<4096xi32, #tpu.memory_space<vmem>>, vector<16xi32>,
    %add3A_541 = arith.constant 0 : i32
    %add3A_542 = vector.broadcast %add3A_541 : i32 to vector<16xi32>
    %add3A_543 = arith.addi %add3A_297, %add3A_542 : vector<16xi32>
    %swap3A_544 = arith.constant 320 : index
    %swap3A_545 = tpu.vector_load %arg7[%swap3A_544] {strides = array<i32>} : memref<4096xi32, #tpu.memory_space<vmem>>, vector<16xi32>,
    tpu.vector_store %arg7[%swap3A_544], %add3A_543 {strides = array<i32>} : memref<4096xi32, #tpu.memory_space<vmem>>, vector<16xi32>,
    %add3A_546 = arith.constant 0 : i32
    %add3A_547 = vector.broadcast %add3A_546 : i32 to vector<16xi32>
    %add3A_548 = arith.addi %add3A_309, %add3A_547 : vector<16xi32>
    %swap3A_549 = arith.constant 336 : index
    %swap3A_550 = tpu.vector_load %arg7[%swap3A_549] {strides = array<i32>} : memref<4096xi32, #tpu.memory_space<vmem>>, vector<16xi32>,
    tpu.vector_store %arg7[%swap3A_549], %add3A_548 {strides = array<i32>} : memref<4096xi32, #tpu.memory_space<vmem>>, vector<16xi32>,
    %add3A_551 = arith.constant 0 : i32
    %add3A_552 = vector.broadcast %add3A_551 : i32 to vector<16xi32>
    %add3A_553 = arith.addi %add3A_321, %add3A_552 : vector<16xi32>
    %swap3A_554 = arith.constant 352 : index
    %swap3A_555 = tpu.vector_load %arg7[%swap3A_554] {strides = array<i32>} : memref<4096xi32, #tpu.memory_space<vmem>>, vector<16xi32>,
    tpu.vector_store %arg7[%swap3A_554], %add3A_553 {strides = array<i32>} : memref<4096xi32, #tpu.memory_space<vmem>>, vector<16xi32>,
    %add3A_556 = arith.constant 0 : i32
    %add3A_557 = vector.broadcast %add3A_556 : i32 to vector<16xi32>
    %add3A_558 = arith.addi %add3A_333, %add3A_557 : vector<16xi32>
    %swap3A_559 = arith.constant 368 : index
    %swap3A_560 = tpu.vector_load %arg7[%swap3A_559] {strides = array<i32>} : memref<4096xi32, #tpu.memory_space<vmem>>, vector<16xi32>,
    tpu.vector_store %arg7[%swap3A_559], %add3A_558 {strides = array<i32>} : memref<4096xi32, #tpu.memory_space<vmem>>, vector<16xi32>,
    %dma_start3A_561 = arith.constant 256 : i32
    %dma_start3A_562 = tpu.memref_slice %arg8[%dma_start3A_561] : memref<4096xf32, #tpu.memory_space<vmem>> -> memref<128xf32, #tpu.memory_space<vmem>>
    %dma_start3A_563 = arith.constant 256 : i32
    %dma_start3A_564 = tpu.memref_slice %arg7[%dma_start3A_563] : memref<4096xi32, #tpu.memory_space<vmem>> -> memref<128xi32, #tpu.memory_space<vmem>>
    %dma_start3A_565 = arith.constant 0 : i32
    %dma_start3A_566 = tpu.memref_slice %arg4[%dma_start3A_565] : memref<8000512xf32, #tpu.memory_space<hbm>> -> memref<8000512xf32, #tpu.memory_space<hbm>>
    tpu.enqueue_indirect_dma source(%dma_start3A_566 : memref<8000512xf32, #tpu.memory_space<hbm>>) target(%dma_start3A_562 : memref<128xf32, #tpu.memory_space<vmem>>) offsets(%dma_start3A_564 : memref<128xi32, #tpu.memory_space<vmem>>) semaphore(%arg11 : memref<!tpu.dma_semaphore, #tpu.memory_space<semaphore_mem>>)
    %add3A_567 = arith.constant 0 : i32
    %add3A_568 = vector.broadcast %add3A_567 : i32 to vector<16xi32>
    %add3A_569 = arith.addi %add3A_345, %add3A_568 : vector<16xi32>
    %swap3A_570 = arith.constant 384 : index
    %swap3A_571 = tpu.vector_load %arg7[%swap3A_570] {strides = array<i32>} : memref<4096xi32, #tpu.memory_space<vmem>>, vector<16xi32>,
    tpu.vector_store %arg7[%swap3A_570], %add3A_569 {strides = array<i32>} : memref<4096xi32, #tpu.memory_space<vmem>>, vector<16xi32>,
    %add3A_572 = arith.constant 0 : i32
    %add3A_573 = vector.broadcast %add3A_572 : i32 to vector<16xi32>
    %add3A_574 = arith.addi %add3A_357, %add3A_573 : vector<16xi32>
    %swap3A_575 = arith.constant 400 : index
    %swap3A_576 = tpu.vector_load %arg7[%swap3A_575] {strides = array<i32>} : memref<4096xi32, #tpu.memory_space<vmem>>, vector<16xi32>,
    tpu.vector_store %arg7[%swap3A_575], %add3A_574 {strides = array<i32>} : memref<4096xi32, #tpu.memory_space<vmem>>, vector<16xi32>,
    %add3A_577 = arith.constant 0 : i32
    %add3A_578 = vector.broadcast %add3A_577 : i32 to vector<16xi32>
    %add3A_579 = arith.addi %add3A_369, %add3A_578 : vector<16xi32>
    %swap3A_580 = arith.constant 416 : index
    %swap3A_581 = tpu.vector_load %arg7[%swap3A_580] {strides = array<i32>} : memref<4096xi32, #tpu.memory_space<vmem>>, vector<16xi32>,
    tpu.vector_store %arg7[%swap3A_580], %add3A_579 {strides = array<i32>} : memref<4096xi32, #tpu.memory_space<vmem>>, vector<16xi32>,
    %add3A_582 = arith.constant 0 : i32
    %add3A_583 = vector.broadcast %add3A_582 : i32 to vector<16xi32>
    %add3A_584 = arith.addi %add3A_381, %add3A_583 : vector<16xi32>
    %swap3A_585 = arith.constant 432 : index
    %swap3A_586 = tpu.vector_load %arg7[%swap3A_585] {strides = array<i32>} : memref<4096xi32, #tpu.memory_space<vmem>>, vector<16xi32>,
    tpu.vector_store %arg7[%swap3A_585], %add3A_584 {strides = array<i32>} : memref<4096xi32, #tpu.memory_space<vmem>>, vector<16xi32>,
    %add3A_587 = arith.constant 0 : i32
    %add3A_588 = vector.broadcast %add3A_587 : i32 to vector<16xi32>
    %add3A_589 = arith.addi %add3A_393, %add3A_588 : vector<16xi32>
    %swap3A_590 = arith.constant 448 : index
    %swap3A_591 = tpu.vector_load %arg7[%swap3A_590] {strides = array<i32>} : memref<4096xi32, #tpu.memory_space<vmem>>, vector<16xi32>,
    tpu.vector_store %arg7[%swap3A_590], %add3A_589 {strides = array<i32>} : memref<4096xi32, #tpu.memory_space<vmem>>, vector<16xi32>,
    %add3A_592 = arith.constant 0 : i32
    %add3A_593 = vector.broadcast %add3A_592 : i32 to vector<16xi32>
    %add3A_594 = arith.addi %add3A_405, %add3A_593 : vector<16xi32>
    %swap3A_595 = arith.constant 464 : index
    %swap3A_596 = tpu.vector_load %arg7[%swap3A_595] {strides = array<i32>} : memref<4096xi32, #tpu.memory_space<vmem>>, vector<16xi32>,
    tpu.vector_store %arg7[%swap3A_595], %add3A_594 {strides = array<i32>} : memref<4096xi32, #tpu.memory_space<vmem>>, vector<16xi32>,
    %add3A_597 = arith.constant 0 : i32
    %add3A_598 = vector.broadcast %add3A_597 : i32 to vector<16xi32>
    %add3A_599 = arith.addi %add3A_417, %add3A_598 : vector<16xi32>
    %swap3A_600 = arith.constant 480 : index
    %swap3A_601 = tpu.vector_load %arg7[%swap3A_600] {strides = array<i32>} : memref<4096xi32, #tpu.memory_space<vmem>>, vector<16xi32>,
    tpu.vector_store %arg7[%swap3A_600], %add3A_599 {strides = array<i32>} : memref<4096xi32, #tpu.memory_space<vmem>>, vector<16xi32>,
    %add3A_602 = arith.constant 0 : i32
    %add3A_603 = vector.broadcast %add3A_602 : i32 to vector<16xi32>
    %add3A_604 = arith.addi %add3A_429, %add3A_603 : vector<16xi32>
    %swap3A_605 = arith.constant 496 : index
    %swap3A_606 = tpu.vector_load %arg7[%swap3A_605] {strides = array<i32>} : memref<4096xi32, #tpu.memory_space<vmem>>, vector<16xi32>,
    tpu.vector_store %arg7[%swap3A_605], %add3A_604 {strides = array<i32>} : memref<4096xi32, #tpu.memory_space<vmem>>, vector<16xi32>,
    %dma_start3A_607 = arith.constant 384 : i32
    %dma_start3A_608 = tpu.memref_slice %arg8[%dma_start3A_607] : memref<4096xf32, #tpu.memory_space<vmem>> -> memref<128xf32, #tpu.memory_space<vmem>>
    %dma_start3A_609 = arith.constant 384 : i32
    %dma_start3A_610 = tpu.memref_slice %arg7[%dma_start3A_609] : memref<4096xi32, #tpu.memory_space<vmem>> -> memref<128xi32, #tpu.memory_space<vmem>>
    %dma_start3A_611 = arith.constant 0 : i32
    %dma_start3A_612 = tpu.memref_slice %arg4[%dma_start3A_611] : memref<8000512xf32, #tpu.memory_space<hbm>> -> memref<8000512xf32, #tpu.memory_space<hbm>>
    tpu.enqueue_indirect_dma source(%dma_start3A_612 : memref<8000512xf32, #tpu.memory_space<hbm>>) target(%dma_start3A_608 : memref<128xf32, #tpu.memory_space<vmem>>) offsets(%dma_start3A_610 : memref<128xi32, #tpu.memory_space<vmem>>) semaphore(%arg11 : memref<!tpu.dma_semaphore, #tpu.memory_space<semaphore_mem>>)
    %add3A_613 = arith.constant 128 : i32
    %add3A_614 = vector.broadcast %add3A_613 : i32 to vector<16xi32>
    %add3A_615 = arith.addi %add3A_57, %add3A_614 : vector<16xi32>
    %swap3A_616 = arith.constant 512 : index
    %swap3A_617 = tpu.vector_load %arg7[%swap3A_616] {strides = array<i32>} : memref<4096xi32, #tpu.memory_space<vmem>>, vector<16xi32>,
    tpu.vector_store %arg7[%swap3A_616], %add3A_615 {strides = array<i32>} : memref<4096xi32, #tpu.memory_space<vmem>>, vector<16xi32>,
    %add3A_618 = arith.constant 128 : i32
    %add3A_619 = vector.broadcast %add3A_618 : i32 to vector<16xi32>
    %add3A_620 = arith.addi %add3A_69, %add3A_619 : vector<16xi32>
    %swap3A_621 = arith.constant 528 : index
    %swap3A_622 = tpu.vector_load %arg7[%swap3A_621] {strides = array<i32>} : memref<4096xi32, #tpu.memory_space<vmem>>, vector<16xi32>,
    tpu.vector_store %arg7[%swap3A_621], %add3A_620 {strides = array<i32>} : memref<4096xi32, #tpu.memory_space<vmem>>, vector<16xi32>,
    %add3A_623 = arith.constant 128 : i32
    %add3A_624 = vector.broadcast %add3A_623 : i32 to vector<16xi32>
    %add3A_625 = arith.addi %add3A_81, %add3A_624 : vector<16xi32>
    %swap3A_626 = arith.constant 544 : index
    %swap3A_627 = tpu.vector_load %arg7[%swap3A_626] {strides = array<i32>} : memref<4096xi32, #tpu.memory_space<vmem>>, vector<16xi32>,
    tpu.vector_store %arg7[%swap3A_626], %add3A_625 {strides = array<i32>} : memref<4096xi32, #tpu.memory_space<vmem>>, vector<16xi32>,
    %add3A_628 = arith.constant 128 : i32
    %add3A_629 = vector.broadcast %add3A_628 : i32 to vector<16xi32>
    %add3A_630 = arith.addi %add3A_93, %add3A_629 : vector<16xi32>
    %swap3A_631 = arith.constant 560 : index
    %swap3A_632 = tpu.vector_load %arg7[%swap3A_631] {strides = array<i32>} : memref<4096xi32, #tpu.memory_space<vmem>>, vector<16xi32>,
    tpu.vector_store %arg7[%swap3A_631], %add3A_630 {strides = array<i32>} : memref<4096xi32, #tpu.memory_space<vmem>>, vector<16xi32>,
    %add3A_633 = arith.constant 128 : i32
    %add3A_634 = vector.broadcast %add3A_633 : i32 to vector<16xi32>
    %add3A_635 = arith.addi %add3A_105, %add3A_634 : vector<16xi32>
    %swap3A_636 = arith.constant 576 : index
    %swap3A_637 = tpu.vector_load %arg7[%swap3A_636] {strides = array<i32>} : memref<4096xi32, #tpu.memory_space<vmem>>, vector<16xi32>,
    tpu.vector_store %arg7[%swap3A_636], %add3A_635 {strides = array<i32>} : memref<4096xi32, #tpu.memory_space<vmem>>, vector<16xi32>,
    %add3A_638 = arith.constant 128 : i32
    %add3A_639 = vector.broadcast %add3A_638 : i32 to vector<16xi32>
    %add3A_640 = arith.addi %add3A_117, %add3A_639 : vector<16xi32>
    %swap3A_641 = arith.constant 592 : index
    %swap3A_642 = tpu.vector_load %arg7[%swap3A_641] {strides = array<i32>} : memref<4096xi32, #tpu.memory_space<vmem>>, vector<16xi32>,
    tpu.vector_store %arg7[%swap3A_641], %add3A_640 {strides = array<i32>} : memref<4096xi32, #tpu.memory_space<vmem>>, vector<16xi32>,
    %add3A_643 = arith.constant 128 : i32
    %add3A_644 = vector.broadcast %add3A_643 : i32 to vector<16xi32>
    %add3A_645 = arith.addi %add3A_129, %add3A_644 : vector<16xi32>
    %swap3A_646 = arith.constant 608 : index
    %swap3A_647 = tpu.vector_load %arg7[%swap3A_646] {strides = array<i32>} : memref<4096xi32, #tpu.memory_space<vmem>>, vector<16xi32>,
    tpu.vector_store %arg7[%swap3A_646], %add3A_645 {strides = array<i32>} : memref<4096xi32, #tpu.memory_space<vmem>>, vector<16xi32>,
    %add3A_648 = arith.constant 128 : i32
    %add3A_649 = vector.broadcast %add3A_648 : i32 to vector<16xi32>
    %add3A_650 = arith.addi %add3A_141, %add3A_649 : vector<16xi32>
    %swap3A_651 = arith.constant 624 : index
    %swap3A_652 = tpu.vector_load %arg7[%swap3A_651] {strides = array<i32>} : memref<4096xi32, #tpu.memory_space<vmem>>, vector<16xi32>,
    tpu.vector_store %arg7[%swap3A_651], %add3A_650 {strides = array<i32>} : memref<4096xi32, #tpu.memory_space<vmem>>, vector<16xi32>,
    %dma_start3A_653 = arith.constant 512 : i32
    %dma_start3A_654 = tpu.memref_slice %arg8[%dma_start3A_653] : memref<4096xf32, #tpu.memory_space<vmem>> -> memref<128xf32, #tpu.memory_space<vmem>>
    %dma_start3A_655 = arith.constant 512 : i32
    %dma_start3A_656 = tpu.memref_slice %arg7[%dma_start3A_655] : memref<4096xi32, #tpu.memory_space<vmem>> -> memref<128xi32, #tpu.memory_space<vmem>>
    %dma_start3A_657 = arith.constant 0 : i32
    %dma_start3A_658 = tpu.memref_slice %arg4[%dma_start3A_657] : memref<8000512xf32, #tpu.memory_space<hbm>> -> memref<8000512xf32, #tpu.memory_space<hbm>>
    tpu.enqueue_indirect_dma source(%dma_start3A_658 : memref<8000512xf32, #tpu.memory_space<hbm>>) target(%dma_start3A_654 : memref<128xf32, #tpu.memory_space<vmem>>) offsets(%dma_start3A_656 : memref<128xi32, #tpu.memory_space<vmem>>) semaphore(%arg11 : memref<!tpu.dma_semaphore, #tpu.memory_space<semaphore_mem>>)
    %add3A_659 = arith.constant 128 : i32
    %add3A_660 = vector.broadcast %add3A_659 : i32 to vector<16xi32>
    %add3A_661 = arith.addi %add3A_153, %add3A_660 : vector<16xi32>
    %swap3A_662 = arith.constant 640 : index
    %swap3A_663 = tpu.vector_load %arg7[%swap3A_662] {strides = array<i32>} : memref<4096xi32, #tpu.memory_space<vmem>>, vector<16xi32>,
    tpu.vector_store %arg7[%swap3A_662], %add3A_661 {strides = array<i32>} : memref<4096xi32, #tpu.memory_space<vmem>>, vector<16xi32>,
    %add3A_664 = arith.constant 128 : i32
    %add3A_665 = vector.broadcast %add3A_664 : i32 to vector<16xi32>
    %add3A_666 = arith.addi %add3A_165, %add3A_665 : vector<16xi32>
    %swap3A_667 = arith.constant 656 : index
    %swap3A_668 = tpu.vector_load %arg7[%swap3A_667] {strides = array<i32>} : memref<4096xi32, #tpu.memory_space<vmem>>, vector<16xi32>,
    tpu.vector_store %arg7[%swap3A_667], %add3A_666 {strides = array<i32>} : memref<4096xi32, #tpu.memory_space<vmem>>, vector<16xi32>,
    %add3A_669 = arith.constant 128 : i32
    %add3A_670 = vector.broadcast %add3A_669 : i32 to vector<16xi32>
    %add3A_671 = arith.addi %add3A_177, %add3A_670 : vector<16xi32>
    %swap3A_672 = arith.constant 672 : index
    %swap3A_673 = tpu.vector_load %arg7[%swap3A_672] {strides = array<i32>} : memref<4096xi32, #tpu.memory_space<vmem>>, vector<16xi32>,
    tpu.vector_store %arg7[%swap3A_672], %add3A_671 {strides = array<i32>} : memref<4096xi32, #tpu.memory_space<vmem>>, vector<16xi32>,
    %add3A_674 = arith.constant 128 : i32
    %add3A_675 = vector.broadcast %add3A_674 : i32 to vector<16xi32>
    %add3A_676 = arith.addi %add3A_189, %add3A_675 : vector<16xi32>
    %swap3A_677 = arith.constant 688 : index
    %swap3A_678 = tpu.vector_load %arg7[%swap3A_677] {strides = array<i32>} : memref<4096xi32, #tpu.memory_space<vmem>>, vector<16xi32>,
    tpu.vector_store %arg7[%swap3A_677], %add3A_676 {strides = array<i32>} : memref<4096xi32, #tpu.memory_space<vmem>>, vector<16xi32>,
    %add3A_679 = arith.constant 128 : i32
    %add3A_680 = vector.broadcast %add3A_679 : i32 to vector<16xi32>
    %add3A_681 = arith.addi %add3A_201, %add3A_680 : vector<16xi32>
    %swap3A_682 = arith.constant 704 : index
    %swap3A_683 = tpu.vector_load %arg7[%swap3A_682] {strides = array<i32>} : memref<4096xi32, #tpu.memory_space<vmem>>, vector<16xi32>,
    tpu.vector_store %arg7[%swap3A_682], %add3A_681 {strides = array<i32>} : memref<4096xi32, #tpu.memory_space<vmem>>, vector<16xi32>,
    %add3A_684 = arith.constant 128 : i32
    %add3A_685 = vector.broadcast %add3A_684 : i32 to vector<16xi32>
    %add3A_686 = arith.addi %add3A_213, %add3A_685 : vector<16xi32>
    %swap3A_687 = arith.constant 720 : index
    %swap3A_688 = tpu.vector_load %arg7[%swap3A_687] {strides = array<i32>} : memref<4096xi32, #tpu.memory_space<vmem>>, vector<16xi32>,
    tpu.vector_store %arg7[%swap3A_687], %add3A_686 {strides = array<i32>} : memref<4096xi32, #tpu.memory_space<vmem>>, vector<16xi32>,
    %add3A_689 = arith.constant 128 : i32
    %add3A_690 = vector.broadcast %add3A_689 : i32 to vector<16xi32>
    %add3A_691 = arith.addi %add3A_225, %add3A_690 : vector<16xi32>
    %swap3A_692 = arith.constant 736 : index
    %swap3A_693 = tpu.vector_load %arg7[%swap3A_692] {strides = array<i32>} : memref<4096xi32, #tpu.memory_space<vmem>>, vector<16xi32>,
    tpu.vector_store %arg7[%swap3A_692], %add3A_691 {strides = array<i32>} : memref<4096xi32, #tpu.memory_space<vmem>>, vector<16xi32>,
    %add3A_694 = arith.constant 128 : i32
    %add3A_695 = vector.broadcast %add3A_694 : i32 to vector<16xi32>
    %add3A_696 = arith.addi %add3A_237, %add3A_695 : vector<16xi32>
    %swap3A_697 = arith.constant 752 : index
    %swap3A_698 = tpu.vector_load %arg7[%swap3A_697] {strides = array<i32>} : memref<4096xi32, #tpu.memory_space<vmem>>, vector<16xi32>,
    tpu.vector_store %arg7[%swap3A_697], %add3A_696 {strides = array<i32>} : memref<4096xi32, #tpu.memory_space<vmem>>, vector<16xi32>,
    %dma_start3A_699 = arith.constant 640 : i32
    %dma_start3A_700 = tpu.memref_slice %arg8[%dma_start3A_699] : memref<4096xf32, #tpu.memory_space<vmem>> -> memref<128xf32, #tpu.memory_space<vmem>>
    %dma_start3A_701 = arith.constant 640 : i32
    %dma_start3A_702 = tpu.memref_slice %arg7[%dma_start3A_701] : memref<4096xi32, #tpu.memory_space<vmem>> -> memref<128xi32, #tpu.memory_space<vmem>>
    %dma_start3A_703 = arith.constant 0 : i32
    %dma_start3A_704 = tpu.memref_slice %arg4[%dma_start3A_703] : memref<8000512xf32, #tpu.memory_space<hbm>> -> memref<8000512xf32, #tpu.memory_space<hbm>>
    tpu.enqueue_indirect_dma source(%dma_start3A_704 : memref<8000512xf32, #tpu.memory_space<hbm>>) target(%dma_start3A_700 : memref<128xf32, #tpu.memory_space<vmem>>) offsets(%dma_start3A_702 : memref<128xi32, #tpu.memory_space<vmem>>) semaphore(%arg11 : memref<!tpu.dma_semaphore, #tpu.memory_space<semaphore_mem>>)
    %add3A_705 = arith.constant 128 : i32
    %add3A_706 = vector.broadcast %add3A_705 : i32 to vector<16xi32>
    %add3A_707 = arith.addi %add3A_249, %add3A_706 : vector<16xi32>
    %swap3A_708 = arith.constant 768 : index
    %swap3A_709 = tpu.vector_load %arg7[%swap3A_708] {strides = array<i32>} : memref<4096xi32, #tpu.memory_space<vmem>>, vector<16xi32>,
    tpu.vector_store %arg7[%swap3A_708], %add3A_707 {strides = array<i32>} : memref<4096xi32, #tpu.memory_space<vmem>>, vector<16xi32>,
    %add3A_710 = arith.constant 128 : i32
    %add3A_711 = vector.broadcast %add3A_710 : i32 to vector<16xi32>
    %add3A_712 = arith.addi %add3A_261, %add3A_711 : vector<16xi32>
    %swap3A_713 = arith.constant 784 : index
    %swap3A_714 = tpu.vector_load %arg7[%swap3A_713] {strides = array<i32>} : memref<4096xi32, #tpu.memory_space<vmem>>, vector<16xi32>,
    tpu.vector_store %arg7[%swap3A_713], %add3A_712 {strides = array<i32>} : memref<4096xi32, #tpu.memory_space<vmem>>, vector<16xi32>,
    %add3A_715 = arith.constant 128 : i32
    %add3A_716 = vector.broadcast %add3A_715 : i32 to vector<16xi32>
    %add3A_717 = arith.addi %add3A_273, %add3A_716 : vector<16xi32>
    %swap3A_718 = arith.constant 800 : index
    %swap3A_719 = tpu.vector_load %arg7[%swap3A_718] {strides = array<i32>} : memref<4096xi32, #tpu.memory_space<vmem>>, vector<16xi32>,
    tpu.vector_store %arg7[%swap3A_718], %add3A_717 {strides = array<i32>} : memref<4096xi32, #tpu.memory_space<vmem>>, vector<16xi32>,
    %add3A_720 = arith.constant 128 : i32
    %add3A_721 = vector.broadcast %add3A_720 : i32 to vector<16xi32>
    %add3A_722 = arith.addi %add3A_285, %add3A_721 : vector<16xi32>
    %swap3A_723 = arith.constant 816 : index
    %swap3A_724 = tpu.vector_load %arg7[%swap3A_723] {strides = array<i32>} : memref<4096xi32, #tpu.memory_space<vmem>>, vector<16xi32>,
    tpu.vector_store %arg7[%swap3A_723], %add3A_722 {strides = array<i32>} : memref<4096xi32, #tpu.memory_space<vmem>>, vector<16xi32>,
    %add3A_725 = arith.constant 128 : i32
    %add3A_726 = vector.broadcast %add3A_725 : i32 to vector<16xi32>
    %add3A_727 = arith.addi %add3A_297, %add3A_726 : vector<16xi32>
    %swap3A_728 = arith.constant 832 : index
    %swap3A_729 = tpu.vector_load %arg7[%swap3A_728] {strides = array<i32>} : memref<4096xi32, #tpu.memory_space<vmem>>, vector<16xi32>,
    tpu.vector_store %arg7[%swap3A_728], %add3A_727 {strides = array<i32>} : memref<4096xi32, #tpu.memory_space<vmem>>, vector<16xi32>,
    %add3A_730 = arith.constant 128 : i32
    %add3A_731 = vector.broadcast %add3A_730 : i32 to vector<16xi32>
    %add3A_732 = arith.addi %add3A_309, %add3A_731 : vector<16xi32>
    %swap3A_733 = arith.constant 848 : index
    %swap3A_734 = tpu.vector_load %arg7[%swap3A_733] {strides = array<i32>} : memref<4096xi32, #tpu.memory_space<vmem>>, vector<16xi32>,
    tpu.vector_store %arg7[%swap3A_733], %add3A_732 {strides = array<i32>} : memref<4096xi32, #tpu.memory_space<vmem>>, vector<16xi32>,
    %add3A_735 = arith.constant 128 : i32
    %add3A_736 = vector.broadcast %add3A_735 : i32 to vector<16xi32>
    %add3A_737 = arith.addi %add3A_321, %add3A_736 : vector<16xi32>
    %swap3A_738 = arith.constant 864 : index
    %swap3A_739 = tpu.vector_load %arg7[%swap3A_738] {strides = array<i32>} : memref<4096xi32, #tpu.memory_space<vmem>>, vector<16xi32>,
    tpu.vector_store %arg7[%swap3A_738], %add3A_737 {strides = array<i32>} : memref<4096xi32, #tpu.memory_space<vmem>>, vector<16xi32>,
    %add3A_740 = arith.constant 128 : i32
    %add3A_741 = vector.broadcast %add3A_740 : i32 to vector<16xi32>
    %add3A_742 = arith.addi %add3A_333, %add3A_741 : vector<16xi32>
    %swap3A_743 = arith.constant 880 : index
    %swap3A_744 = tpu.vector_load %arg7[%swap3A_743] {strides = array<i32>} : memref<4096xi32, #tpu.memory_space<vmem>>, vector<16xi32>,
    tpu.vector_store %arg7[%swap3A_743], %add3A_742 {strides = array<i32>} : memref<4096xi32, #tpu.memory_space<vmem>>, vector<16xi32>,
    %dma_start3A_745 = arith.constant 768 : i32
    %dma_start3A_746 = tpu.memref_slice %arg8[%dma_start3A_745] : memref<4096xf32, #tpu.memory_space<vmem>> -> memref<128xf32, #tpu.memory_space<vmem>>
    %dma_start3A_747 = arith.constant 768 : i32
    %dma_start3A_748 = tpu.memref_slice %arg7[%dma_start3A_747] : memref<4096xi32, #tpu.memory_space<vmem>> -> memref<128xi32, #tpu.memory_space<vmem>>
    %dma_start3A_749 = arith.constant 0 : i32
    %dma_start3A_750 = tpu.memref_slice %arg4[%dma_start3A_749] : memref<8000512xf32, #tpu.memory_space<hbm>> -> memref<8000512xf32, #tpu.memory_space<hbm>>
    tpu.enqueue_indirect_dma source(%dma_start3A_750 : memref<8000512xf32, #tpu.memory_space<hbm>>) target(%dma_start3A_746 : memref<128xf32, #tpu.memory_space<vmem>>) offsets(%dma_start3A_748 : memref<128xi32, #tpu.memory_space<vmem>>) semaphore(%arg11 : memref<!tpu.dma_semaphore, #tpu.memory_space<semaphore_mem>>)
    %add3A_751 = arith.constant 128 : i32
    %add3A_752 = vector.broadcast %add3A_751 : i32 to vector<16xi32>
    %add3A_753 = arith.addi %add3A_345, %add3A_752 : vector<16xi32>
    %swap3A_754 = arith.constant 896 : index
    %swap3A_755 = tpu.vector_load %arg7[%swap3A_754] {strides = array<i32>} : memref<4096xi32, #tpu.memory_space<vmem>>, vector<16xi32>,
    tpu.vector_store %arg7[%swap3A_754], %add3A_753 {strides = array<i32>} : memref<4096xi32, #tpu.memory_space<vmem>>, vector<16xi32>,
    %add3A_756 = arith.constant 128 : i32
    %add3A_757 = vector.broadcast %add3A_756 : i32 to vector<16xi32>
    %add3A_758 = arith.addi %add3A_357, %add3A_757 : vector<16xi32>
    %swap3A_759 = arith.constant 912 : index
    %swap3A_760 = tpu.vector_load %arg7[%swap3A_759] {strides = array<i32>} : memref<4096xi32, #tpu.memory_space<vmem>>, vector<16xi32>,
    tpu.vector_store %arg7[%swap3A_759], %add3A_758 {strides = array<i32>} : memref<4096xi32, #tpu.memory_space<vmem>>, vector<16xi32>,
    %add3A_761 = arith.constant 128 : i32
    %add3A_762 = vector.broadcast %add3A_761 : i32 to vector<16xi32>
    %add3A_763 = arith.addi %add3A_369, %add3A_762 : vector<16xi32>
    %swap3A_764 = arith.constant 928 : index
    %swap3A_765 = tpu.vector_load %arg7[%swap3A_764] {strides = array<i32>} : memref<4096xi32, #tpu.memory_space<vmem>>, vector<16xi32>,
    tpu.vector_store %arg7[%swap3A_764], %add3A_763 {strides = array<i32>} : memref<4096xi32, #tpu.memory_space<vmem>>, vector<16xi32>,
    %add3A_766 = arith.constant 128 : i32
    %add3A_767 = vector.broadcast %add3A_766 : i32 to vector<16xi32>
    %add3A_768 = arith.addi %add3A_381, %add3A_767 : vector<16xi32>
    %swap3A_769 = arith.constant 944 : index
    %swap3A_770 = tpu.vector_load %arg7[%swap3A_769] {strides = array<i32>} : memref<4096xi32, #tpu.memory_space<vmem>>, vector<16xi32>,
    tpu.vector_store %arg7[%swap3A_769], %add3A_768 {strides = array<i32>} : memref<4096xi32, #tpu.memory_space<vmem>>, vector<16xi32>,
    %add3A_771 = arith.constant 128 : i32
    %add3A_772 = vector.broadcast %add3A_771 : i32 to vector<16xi32>
    %add3A_773 = arith.addi %add3A_393, %add3A_772 : vector<16xi32>
    %swap3A_774 = arith.constant 960 : index
    %swap3A_775 = tpu.vector_load %arg7[%swap3A_774] {strides = array<i32>} : memref<4096xi32, #tpu.memory_space<vmem>>, vector<16xi32>,
    tpu.vector_store %arg7[%swap3A_774], %add3A_773 {strides = array<i32>} : memref<4096xi32, #tpu.memory_space<vmem>>, vector<16xi32>,
    %add3A_776 = arith.constant 128 : i32
    %add3A_777 = vector.broadcast %add3A_776 : i32 to vector<16xi32>
    %add3A_778 = arith.addi %add3A_405, %add3A_777 : vector<16xi32>
    %swap3A_779 = arith.constant 976 : index
    %swap3A_780 = tpu.vector_load %arg7[%swap3A_779] {strides = array<i32>} : memref<4096xi32, #tpu.memory_space<vmem>>, vector<16xi32>,
    tpu.vector_store %arg7[%swap3A_779], %add3A_778 {strides = array<i32>} : memref<4096xi32, #tpu.memory_space<vmem>>, vector<16xi32>,
    %add3A_781 = arith.constant 128 : i32
    %add3A_782 = vector.broadcast %add3A_781 : i32 to vector<16xi32>
    %add3A_783 = arith.addi %add3A_417, %add3A_782 : vector<16xi32>
    %swap3A_784 = arith.constant 992 : index
    %swap3A_785 = tpu.vector_load %arg7[%swap3A_784] {strides = array<i32>} : memref<4096xi32, #tpu.memory_space<vmem>>, vector<16xi32>,
    tpu.vector_store %arg7[%swap3A_784], %add3A_783 {strides = array<i32>} : memref<4096xi32, #tpu.memory_space<vmem>>, vector<16xi32>,
    %add3A_786 = arith.constant 128 : i32
    %add3A_787 = vector.broadcast %add3A_786 : i32 to vector<16xi32>
    %add3A_788 = arith.addi %add3A_429, %add3A_787 : vector<16xi32>
    %swap3A_789 = arith.constant 1008 : index
    %swap3A_790 = tpu.vector_load %arg7[%swap3A_789] {strides = array<i32>} : memref<4096xi32, #tpu.memory_space<vmem>>, vector<16xi32>,
    tpu.vector_store %arg7[%swap3A_789], %add3A_788 {strides = array<i32>} : memref<4096xi32, #tpu.memory_space<vmem>>, vector<16xi32>,
    %dma_start3A_791 = arith.constant 896 : i32
    %dma_start3A_792 = tpu.memref_slice %arg8[%dma_start3A_791] : memref<4096xf32, #tpu.memory_space<vmem>> -> memref<128xf32, #tpu.memory_space<vmem>>
    %dma_start3A_793 = arith.constant 896 : i32
    %dma_start3A_794 = tpu.memref_slice %arg7[%dma_start3A_793] : memref<4096xi32, #tpu.memory_space<vmem>> -> memref<128xi32, #tpu.memory_space<vmem>>
    %dma_start3A_795 = arith.constant 0 : i32
    %dma_start3A_796 = tpu.memref_slice %arg4[%dma_start3A_795] : memref<8000512xf32, #tpu.memory_space<hbm>> -> memref<8000512xf32, #tpu.memory_space<hbm>>
    tpu.enqueue_indirect_dma source(%dma_start3A_796 : memref<8000512xf32, #tpu.memory_space<hbm>>) target(%dma_start3A_792 : memref<128xf32, #tpu.memory_space<vmem>>) offsets(%dma_start3A_794 : memref<128xi32, #tpu.memory_space<vmem>>) semaphore(%arg11 : memref<!tpu.dma_semaphore, #tpu.memory_space<semaphore_mem>>)
    %add3A_797 = arith.constant 256 : i32
    %add3A_798 = vector.broadcast %add3A_797 : i32 to vector<16xi32>
    %add3A_799 = arith.addi %add3A_57, %add3A_798 : vector<16xi32>
    %swap3A_800 = arith.constant 1024 : index
    %swap3A_801 = tpu.vector_load %arg7[%swap3A_800] {strides = array<i32>} : memref<4096xi32, #tpu.memory_space<vmem>>, vector<16xi32>,
    tpu.vector_store %arg7[%swap3A_800], %add3A_799 {strides = array<i32>} : memref<4096xi32, #tpu.memory_space<vmem>>, vector<16xi32>,
    %add3A_802 = arith.constant 256 : i32
    %add3A_803 = vector.broadcast %add3A_802 : i32 to vector<16xi32>
    %add3A_804 = arith.addi %add3A_69, %add3A_803 : vector<16xi32>
    %swap3A_805 = arith.constant 1040 : index
    %swap3A_806 = tpu.vector_load %arg7[%swap3A_805] {strides = array<i32>} : memref<4096xi32, #tpu.memory_space<vmem>>, vector<16xi32>,
    tpu.vector_store %arg7[%swap3A_805], %add3A_804 {strides = array<i32>} : memref<4096xi32, #tpu.memory_space<vmem>>, vector<16xi32>,
    %add3A_807 = arith.constant 256 : i32
    %add3A_808 = vector.broadcast %add3A_807 : i32 to vector<16xi32>
    %add3A_809 = arith.addi %add3A_81, %add3A_808 : vector<16xi32>
    %swap3A_810 = arith.constant 1056 : index
    %swap3A_811 = tpu.vector_load %arg7[%swap3A_810] {strides = array<i32>} : memref<4096xi32, #tpu.memory_space<vmem>>, vector<16xi32>,
    tpu.vector_store %arg7[%swap3A_810], %add3A_809 {strides = array<i32>} : memref<4096xi32, #tpu.memory_space<vmem>>, vector<16xi32>,
    %add3A_812 = arith.constant 256 : i32
    %add3A_813 = vector.broadcast %add3A_812 : i32 to vector<16xi32>
    %add3A_814 = arith.addi %add3A_93, %add3A_813 : vector<16xi32>
    %swap3A_815 = arith.constant 1072 : index
    %swap3A_816 = tpu.vector_load %arg7[%swap3A_815] {strides = array<i32>} : memref<4096xi32, #tpu.memory_space<vmem>>, vector<16xi32>,
    tpu.vector_store %arg7[%swap3A_815], %add3A_814 {strides = array<i32>} : memref<4096xi32, #tpu.memory_space<vmem>>, vector<16xi32>,
    %add3A_817 = arith.constant 256 : i32
    %add3A_818 = vector.broadcast %add3A_817 : i32 to vector<16xi32>
    %add3A_819 = arith.addi %add3A_105, %add3A_818 : vector<16xi32>
    %swap3A_820 = arith.constant 1088 : index
    %swap3A_821 = tpu.vector_load %arg7[%swap3A_820] {strides = array<i32>} : memref<4096xi32, #tpu.memory_space<vmem>>, vector<16xi32>,
    tpu.vector_store %arg7[%swap3A_820], %add3A_819 {strides = array<i32>} : memref<4096xi32, #tpu.memory_space<vmem>>, vector<16xi32>,
    %add3A_822 = arith.constant 256 : i32
    %add3A_823 = vector.broadcast %add3A_822 : i32 to vector<16xi32>
    %add3A_824 = arith.addi %add3A_117, %add3A_823 : vector<16xi32>
    %swap3A_825 = arith.constant 1104 : index
    %swap3A_826 = tpu.vector_load %arg7[%swap3A_825] {strides = array<i32>} : memref<4096xi32, #tpu.memory_space<vmem>>, vector<16xi32>,
    tpu.vector_store %arg7[%swap3A_825], %add3A_824 {strides = array<i32>} : memref<4096xi32, #tpu.memory_space<vmem>>, vector<16xi32>,
    %add3A_827 = arith.constant 256 : i32
    %add3A_828 = vector.broadcast %add3A_827 : i32 to vector<16xi32>
    %add3A_829 = arith.addi %add3A_129, %add3A_828 : vector<16xi32>
    %swap3A_830 = arith.constant 1120 : index
    %swap3A_831 = tpu.vector_load %arg7[%swap3A_830] {strides = array<i32>} : memref<4096xi32, #tpu.memory_space<vmem>>, vector<16xi32>,
    tpu.vector_store %arg7[%swap3A_830], %add3A_829 {strides = array<i32>} : memref<4096xi32, #tpu.memory_space<vmem>>, vector<16xi32>,
    %add3A_832 = arith.constant 256 : i32
    %add3A_833 = vector.broadcast %add3A_832 : i32 to vector<16xi32>
    %add3A_834 = arith.addi %add3A_141, %add3A_833 : vector<16xi32>
    %swap3A_835 = arith.constant 1136 : index
    %swap3A_836 = tpu.vector_load %arg7[%swap3A_835] {strides = array<i32>} : memref<4096xi32, #tpu.memory_space<vmem>>, vector<16xi32>,
    tpu.vector_store %arg7[%swap3A_835], %add3A_834 {strides = array<i32>} : memref<4096xi32, #tpu.memory_space<vmem>>, vector<16xi32>,
    %dma_start3A_837 = arith.constant 1024 : i32
    %dma_start3A_838 = tpu.memref_slice %arg8[%dma_start3A_837] : memref<4096xf32, #tpu.memory_space<vmem>> -> memref<128xf32, #tpu.memory_space<vmem>>
    %dma_start3A_839 = arith.constant 1024 : i32
    %dma_start3A_840 = tpu.memref_slice %arg7[%dma_start3A_839] : memref<4096xi32, #tpu.memory_space<vmem>> -> memref<128xi32, #tpu.memory_space<vmem>>
    %dma_start3A_841 = arith.constant 0 : i32
    %dma_start3A_842 = tpu.memref_slice %arg4[%dma_start3A_841] : memref<8000512xf32, #tpu.memory_space<hbm>> -> memref<8000512xf32, #tpu.memory_space<hbm>>
    tpu.enqueue_indirect_dma source(%dma_start3A_842 : memref<8000512xf32, #tpu.memory_space<hbm>>) target(%dma_start3A_838 : memref<128xf32, #tpu.memory_space<vmem>>) offsets(%dma_start3A_840 : memref<128xi32, #tpu.memory_space<vmem>>) semaphore(%arg11 : memref<!tpu.dma_semaphore, #tpu.memory_space<semaphore_mem>>)
    %add3A_843 = arith.constant 256 : i32
    %add3A_844 = vector.broadcast %add3A_843 : i32 to vector<16xi32>
    %add3A_845 = arith.addi %add3A_153, %add3A_844 : vector<16xi32>
    %swap3A_846 = arith.constant 1152 : index
    %swap3A_847 = tpu.vector_load %arg7[%swap3A_846] {strides = array<i32>} : memref<4096xi32, #tpu.memory_space<vmem>>, vector<16xi32>,
    tpu.vector_store %arg7[%swap3A_846], %add3A_845 {strides = array<i32>} : memref<4096xi32, #tpu.memory_space<vmem>>, vector<16xi32>,
    %add3A_848 = arith.constant 256 : i32
    %add3A_849 = vector.broadcast %add3A_848 : i32 to vector<16xi32>
    %add3A_850 = arith.addi %add3A_165, %add3A_849 : vector<16xi32>
    %swap3A_851 = arith.constant 1168 : index
    %swap3A_852 = tpu.vector_load %arg7[%swap3A_851] {strides = array<i32>} : memref<4096xi32, #tpu.memory_space<vmem>>, vector<16xi32>,
    tpu.vector_store %arg7[%swap3A_851], %add3A_850 {strides = array<i32>} : memref<4096xi32, #tpu.memory_space<vmem>>, vector<16xi32>,
    %add3A_853 = arith.constant 256 : i32
    %add3A_854 = vector.broadcast %add3A_853 : i32 to vector<16xi32>
    %add3A_855 = arith.addi %add3A_177, %add3A_854 : vector<16xi32>
    %swap3A_856 = arith.constant 1184 : index
    %swap3A_857 = tpu.vector_load %arg7[%swap3A_856] {strides = array<i32>} : memref<4096xi32, #tpu.memory_space<vmem>>, vector<16xi32>,
    tpu.vector_store %arg7[%swap3A_856], %add3A_855 {strides = array<i32>} : memref<4096xi32, #tpu.memory_space<vmem>>, vector<16xi32>,
    %add3A_858 = arith.constant 256 : i32
    %add3A_859 = vector.broadcast %add3A_858 : i32 to vector<16xi32>
    %add3A_860 = arith.addi %add3A_189, %add3A_859 : vector<16xi32>
    %swap3A_861 = arith.constant 1200 : index
    %swap3A_862 = tpu.vector_load %arg7[%swap3A_861] {strides = array<i32>} : memref<4096xi32, #tpu.memory_space<vmem>>, vector<16xi32>,
    tpu.vector_store %arg7[%swap3A_861], %add3A_860 {strides = array<i32>} : memref<4096xi32, #tpu.memory_space<vmem>>, vector<16xi32>,
    %add3A_863 = arith.constant 256 : i32
    %add3A_864 = vector.broadcast %add3A_863 : i32 to vector<16xi32>
    %add3A_865 = arith.addi %add3A_201, %add3A_864 : vector<16xi32>
    %swap3A_866 = arith.constant 1216 : index
    %swap3A_867 = tpu.vector_load %arg7[%swap3A_866] {strides = array<i32>} : memref<4096xi32, #tpu.memory_space<vmem>>, vector<16xi32>,
    tpu.vector_store %arg7[%swap3A_866], %add3A_865 {strides = array<i32>} : memref<4096xi32, #tpu.memory_space<vmem>>, vector<16xi32>,
    %add3A_868 = arith.constant 256 : i32
    %add3A_869 = vector.broadcast %add3A_868 : i32 to vector<16xi32>
    %add3A_870 = arith.addi %add3A_213, %add3A_869 : vector<16xi32>
    %swap3A_871 = arith.constant 1232 : index
    %swap3A_872 = tpu.vector_load %arg7[%swap3A_871] {strides = array<i32>} : memref<4096xi32, #tpu.memory_space<vmem>>, vector<16xi32>,
    tpu.vector_store %arg7[%swap3A_871], %add3A_870 {strides = array<i32>} : memref<4096xi32, #tpu.memory_space<vmem>>, vector<16xi32>,
    %add3A_873 = arith.constant 256 : i32
    %add3A_874 = vector.broadcast %add3A_873 : i32 to vector<16xi32>
    %add3A_875 = arith.addi %add3A_225, %add3A_874 : vector<16xi32>
    %swap3A_876 = arith.constant 1248 : index
    %swap3A_877 = tpu.vector_load %arg7[%swap3A_876] {strides = array<i32>} : memref<4096xi32, #tpu.memory_space<vmem>>, vector<16xi32>,
    tpu.vector_store %arg7[%swap3A_876], %add3A_875 {strides = array<i32>} : memref<4096xi32, #tpu.memory_space<vmem>>, vector<16xi32>,
    %add3A_878 = arith.constant 256 : i32
    %add3A_879 = vector.broadcast %add3A_878 : i32 to vector<16xi32>
    %add3A_880 = arith.addi %add3A_237, %add3A_879 : vector<16xi32>
    %swap3A_881 = arith.constant 1264 : index
    %swap3A_882 = tpu.vector_load %arg7[%swap3A_881] {strides = array<i32>} : memref<4096xi32, #tpu.memory_space<vmem>>, vector<16xi32>,
    tpu.vector_store %arg7[%swap3A_881], %add3A_880 {strides = array<i32>} : memref<4096xi32, #tpu.memory_space<vmem>>, vector<16xi32>,
    %dma_start3A_883 = arith.constant 1152 : i32
    %dma_start3A_884 = tpu.memref_slice %arg8[%dma_start3A_883] : memref<4096xf32, #tpu.memory_space<vmem>> -> memref<128xf32, #tpu.memory_space<vmem>>
    %dma_start3A_885 = arith.constant 1152 : i32
    %dma_start3A_886 = tpu.memref_slice %arg7[%dma_start3A_885] : memref<4096xi32, #tpu.memory_space<vmem>> -> memref<128xi32, #tpu.memory_space<vmem>>
    %dma_start3A_887 = arith.constant 0 : i32
    %dma_start3A_888 = tpu.memref_slice %arg4[%dma_start3A_887] : memref<8000512xf32, #tpu.memory_space<hbm>> -> memref<8000512xf32, #tpu.memory_space<hbm>>
    tpu.enqueue_indirect_dma source(%dma_start3A_888 : memref<8000512xf32, #tpu.memory_space<hbm>>) target(%dma_start3A_884 : memref<128xf32, #tpu.memory_space<vmem>>) offsets(%dma_start3A_886 : memref<128xi32, #tpu.memory_space<vmem>>) semaphore(%arg11 : memref<!tpu.dma_semaphore, #tpu.memory_space<semaphore_mem>>)
    %add3A_889 = arith.constant 256 : i32
    %add3A_890 = vector.broadcast %add3A_889 : i32 to vector<16xi32>
    %add3A_891 = arith.addi %add3A_249, %add3A_890 : vector<16xi32>
    %swap3A_892 = arith.constant 1280 : index
    %swap3A_893 = tpu.vector_load %arg7[%swap3A_892] {strides = array<i32>} : memref<4096xi32, #tpu.memory_space<vmem>>, vector<16xi32>,
    tpu.vector_store %arg7[%swap3A_892], %add3A_891 {strides = array<i32>} : memref<4096xi32, #tpu.memory_space<vmem>>, vector<16xi32>,
    %add3A_894 = arith.constant 256 : i32
    %add3A_895 = vector.broadcast %add3A_894 : i32 to vector<16xi32>
    %add3A_896 = arith.addi %add3A_261, %add3A_895 : vector<16xi32>
    %swap3A_897 = arith.constant 1296 : index
    %swap3A_898 = tpu.vector_load %arg7[%swap3A_897] {strides = array<i32>} : memref<4096xi32, #tpu.memory_space<vmem>>, vector<16xi32>,
    tpu.vector_store %arg7[%swap3A_897], %add3A_896 {strides = array<i32>} : memref<4096xi32, #tpu.memory_space<vmem>>, vector<16xi32>,
    %add3A_899 = arith.constant 256 : i32
    %add3A_900 = vector.broadcast %add3A_899 : i32 to vector<16xi32>
    %add3A_901 = arith.addi %add3A_273, %add3A_900 : vector<16xi32>
    %swap3A_902 = arith.constant 1312 : index
    %swap3A_903 = tpu.vector_load %arg7[%swap3A_902] {strides = array<i32>} : memref<4096xi32, #tpu.memory_space<vmem>>, vector<16xi32>,
    tpu.vector_store %arg7[%swap3A_902], %add3A_901 {strides = array<i32>} : memref<4096xi32, #tpu.memory_space<vmem>>, vector<16xi32>,
    %add3A_904 = arith.constant 256 : i32
    %add3A_905 = vector.broadcast %add3A_904 : i32 to vector<16xi32>
    %add3A_906 = arith.addi %add3A_285, %add3A_905 : vector<16xi32>
    %swap3A_907 = arith.constant 1328 : index
    %swap3A_908 = tpu.vector_load %arg7[%swap3A_907] {strides = array<i32>} : memref<4096xi32, #tpu.memory_space<vmem>>, vector<16xi32>,
    tpu.vector_store %arg7[%swap3A_907], %add3A_906 {strides = array<i32>} : memref<4096xi32, #tpu.memory_space<vmem>>, vector<16xi32>,
    %add3A_909 = arith.constant 256 : i32
    %add3A_910 = vector.broadcast %add3A_909 : i32 to vector<16xi32>
    %add3A_911 = arith.addi %add3A_297, %add3A_910 : vector<16xi32>
    %swap3A_912 = arith.constant 1344 : index
    %swap3A_913 = tpu.vector_load %arg7[%swap3A_912] {strides = array<i32>} : memref<4096xi32, #tpu.memory_space<vmem>>, vector<16xi32>,
    tpu.vector_store %arg7[%swap3A_912], %add3A_911 {strides = array<i32>} : memref<4096xi32, #tpu.memory_space<vmem>>, vector<16xi32>,
    %add3A_914 = arith.constant 256 : i32
    %add3A_915 = vector.broadcast %add3A_914 : i32 to vector<16xi32>
    %add3A_916 = arith.addi %add3A_309, %add3A_915 : vector<16xi32>
    %swap3A_917 = arith.constant 1360 : index
    %swap3A_918 = tpu.vector_load %arg7[%swap3A_917] {strides = array<i32>} : memref<4096xi32, #tpu.memory_space<vmem>>, vector<16xi32>,
    tpu.vector_store %arg7[%swap3A_917], %add3A_916 {strides = array<i32>} : memref<4096xi32, #tpu.memory_space<vmem>>, vector<16xi32>,
    %add3A_919 = arith.constant 256 : i32
    %add3A_920 = vector.broadcast %add3A_919 : i32 to vector<16xi32>
    %add3A_921 = arith.addi %add3A_321, %add3A_920 : vector<16xi32>
    %swap3A_922 = arith.constant 1376 : index
    %swap3A_923 = tpu.vector_load %arg7[%swap3A_922] {strides = array<i32>} : memref<4096xi32, #tpu.memory_space<vmem>>, vector<16xi32>,
    tpu.vector_store %arg7[%swap3A_922], %add3A_921 {strides = array<i32>} : memref<4096xi32, #tpu.memory_space<vmem>>, vector<16xi32>,
    %add3A_924 = arith.constant 256 : i32
    %add3A_925 = vector.broadcast %add3A_924 : i32 to vector<16xi32>
    %add3A_926 = arith.addi %add3A_333, %add3A_925 : vector<16xi32>
    %swap3A_927 = arith.constant 1392 : index
    %swap3A_928 = tpu.vector_load %arg7[%swap3A_927] {strides = array<i32>} : memref<4096xi32, #tpu.memory_space<vmem>>, vector<16xi32>,
    tpu.vector_store %arg7[%swap3A_927], %add3A_926 {strides = array<i32>} : memref<4096xi32, #tpu.memory_space<vmem>>, vector<16xi32>,
    %dma_start3A_929 = arith.constant 1280 : i32
    %dma_start3A_930 = tpu.memref_slice %arg8[%dma_start3A_929] : memref<4096xf32, #tpu.memory_space<vmem>> -> memref<128xf32, #tpu.memory_space<vmem>>
    %dma_start3A_931 = arith.constant 1280 : i32
    %dma_start3A_932 = tpu.memref_slice %arg7[%dma_start3A_931] : memref<4096xi32, #tpu.memory_space<vmem>> -> memref<128xi32, #tpu.memory_space<vmem>>
    %dma_start3A_933 = arith.constant 0 : i32
    %dma_start3A_934 = tpu.memref_slice %arg4[%dma_start3A_933] : memref<8000512xf32, #tpu.memory_space<hbm>> -> memref<8000512xf32, #tpu.memory_space<hbm>>
    tpu.enqueue_indirect_dma source(%dma_start3A_934 : memref<8000512xf32, #tpu.memory_space<hbm>>) target(%dma_start3A_930 : memref<128xf32, #tpu.memory_space<vmem>>) offsets(%dma_start3A_932 : memref<128xi32, #tpu.memory_space<vmem>>) semaphore(%arg11 : memref<!tpu.dma_semaphore, #tpu.memory_space<semaphore_mem>>)
    %add3A_935 = arith.constant 256 : i32
    %add3A_936 = vector.broadcast %add3A_935 : i32 to vector<16xi32>
    %add3A_937 = arith.addi %add3A_345, %add3A_936 : vector<16xi32>
    %swap3A_938 = arith.constant 1408 : index
    %swap3A_939 = tpu.vector_load %arg7[%swap3A_938] {strides = array<i32>} : memref<4096xi32, #tpu.memory_space<vmem>>, vector<16xi32>,
    tpu.vector_store %arg7[%swap3A_938], %add3A_937 {strides = array<i32>} : memref<4096xi32, #tpu.memory_space<vmem>>, vector<16xi32>,
    %add3A_940 = arith.constant 256 : i32
    %add3A_941 = vector.broadcast %add3A_940 : i32 to vector<16xi32>
    %add3A_942 = arith.addi %add3A_357, %add3A_941 : vector<16xi32>
    %swap3A_943 = arith.constant 1424 : index
    %swap3A_944 = tpu.vector_load %arg7[%swap3A_943] {strides = array<i32>} : memref<4096xi32, #tpu.memory_space<vmem>>, vector<16xi32>,
    tpu.vector_store %arg7[%swap3A_943], %add3A_942 {strides = array<i32>} : memref<4096xi32, #tpu.memory_space<vmem>>, vector<16xi32>,
    %add3A_945 = arith.constant 256 : i32
    %add3A_946 = vector.broadcast %add3A_945 : i32 to vector<16xi32>
    %add3A_947 = arith.addi %add3A_369, %add3A_946 : vector<16xi32>
    %swap3A_948 = arith.constant 1440 : index
    %swap3A_949 = tpu.vector_load %arg7[%swap3A_948] {strides = array<i32>} : memref<4096xi32, #tpu.memory_space<vmem>>, vector<16xi32>,
    tpu.vector_store %arg7[%swap3A_948], %add3A_947 {strides = array<i32>} : memref<4096xi32, #tpu.memory_space<vmem>>, vector<16xi32>,
    %add3A_950 = arith.constant 256 : i32
    %add3A_951 = vector.broadcast %add3A_950 : i32 to vector<16xi32>
    %add3A_952 = arith.addi %add3A_381, %add3A_951 : vector<16xi32>
    %swap3A_953 = arith.constant 1456 : index
    %swap3A_954 = tpu.vector_load %arg7[%swap3A_953] {strides = array<i32>} : memref<4096xi32, #tpu.memory_space<vmem>>, vector<16xi32>,
    tpu.vector_store %arg7[%swap3A_953], %add3A_952 {strides = array<i32>} : memref<4096xi32, #tpu.memory_space<vmem>>, vector<16xi32>,
    %add3A_955 = arith.constant 256 : i32
    %add3A_956 = vector.broadcast %add3A_955 : i32 to vector<16xi32>
    %add3A_957 = arith.addi %add3A_393, %add3A_956 : vector<16xi32>
    %swap3A_958 = arith.constant 1472 : index
    %swap3A_959 = tpu.vector_load %arg7[%swap3A_958] {strides = array<i32>} : memref<4096xi32, #tpu.memory_space<vmem>>, vector<16xi32>,
    tpu.vector_store %arg7[%swap3A_958], %add3A_957 {strides = array<i32>} : memref<4096xi32, #tpu.memory_space<vmem>>, vector<16xi32>,
    %add3A_960 = arith.constant 256 : i32
    %add3A_961 = vector.broadcast %add3A_960 : i32 to vector<16xi32>
    %add3A_962 = arith.addi %add3A_405, %add3A_961 : vector<16xi32>
    %swap3A_963 = arith.constant 1488 : index
    %swap3A_964 = tpu.vector_load %arg7[%swap3A_963] {strides = array<i32>} : memref<4096xi32, #tpu.memory_space<vmem>>, vector<16xi32>,
    tpu.vector_store %arg7[%swap3A_963], %add3A_962 {strides = array<i32>} : memref<4096xi32, #tpu.memory_space<vmem>>, vector<16xi32>,
    %add3A_965 = arith.constant 256 : i32
    %add3A_966 = vector.broadcast %add3A_965 : i32 to vector<16xi32>
    %add3A_967 = arith.addi %add3A_417, %add3A_966 : vector<16xi32>
    %swap3A_968 = arith.constant 1504 : index
    %swap3A_969 = tpu.vector_load %arg7[%swap3A_968] {strides = array<i32>} : memref<4096xi32, #tpu.memory_space<vmem>>, vector<16xi32>,
    tpu.vector_store %arg7[%swap3A_968], %add3A_967 {strides = array<i32>} : memref<4096xi32, #tpu.memory_space<vmem>>, vector<16xi32>,
    %add3A_970 = arith.constant 256 : i32
    %add3A_971 = vector.broadcast %add3A_970 : i32 to vector<16xi32>
    %add3A_972 = arith.addi %add3A_429, %add3A_971 : vector<16xi32>
    %swap3A_973 = arith.constant 1520 : index
    %swap3A_974 = tpu.vector_load %arg7[%swap3A_973] {strides = array<i32>} : memref<4096xi32, #tpu.memory_space<vmem>>, vector<16xi32>,
    tpu.vector_store %arg7[%swap3A_973], %add3A_972 {strides = array<i32>} : memref<4096xi32, #tpu.memory_space<vmem>>, vector<16xi32>,
    %dma_start3A_975 = arith.constant 1408 : i32
    %dma_start3A_976 = tpu.memref_slice %arg8[%dma_start3A_975] : memref<4096xf32, #tpu.memory_space<vmem>> -> memref<128xf32, #tpu.memory_space<vmem>>
    %dma_start3A_977 = arith.constant 1408 : i32
    %dma_start3A_978 = tpu.memref_slice %arg7[%dma_start3A_977] : memref<4096xi32, #tpu.memory_space<vmem>> -> memref<128xi32, #tpu.memory_space<vmem>>
    %dma_start3A_979 = arith.constant 0 : i32
    %dma_start3A_980 = tpu.memref_slice %arg4[%dma_start3A_979] : memref<8000512xf32, #tpu.memory_space<hbm>> -> memref<8000512xf32, #tpu.memory_space<hbm>>
    tpu.enqueue_indirect_dma source(%dma_start3A_980 : memref<8000512xf32, #tpu.memory_space<hbm>>) target(%dma_start3A_976 : memref<128xf32, #tpu.memory_space<vmem>>) offsets(%dma_start3A_978 : memref<128xi32, #tpu.memory_space<vmem>>) semaphore(%arg11 : memref<!tpu.dma_semaphore, #tpu.memory_space<semaphore_mem>>)
    %add3A_981 = arith.constant 384 : i32
    %add3A_982 = vector.broadcast %add3A_981 : i32 to vector<16xi32>
    %add3A_983 = arith.addi %add3A_57, %add3A_982 : vector<16xi32>
    %swap3A_984 = arith.constant 1536 : index
    %swap3A_985 = tpu.vector_load %arg7[%swap3A_984] {strides = array<i32>} : memref<4096xi32, #tpu.memory_space<vmem>>, vector<16xi32>,
    tpu.vector_store %arg7[%swap3A_984], %add3A_983 {strides = array<i32>} : memref<4096xi32, #tpu.memory_space<vmem>>, vector<16xi32>,
    %add3A_986 = arith.constant 384 : i32
    %add3A_987 = vector.broadcast %add3A_986 : i32 to vector<16xi32>
    %add3A_988 = arith.addi %add3A_69, %add3A_987 : vector<16xi32>
    %swap3A_989 = arith.constant 1552 : index
    %swap3A_990 = tpu.vector_load %arg7[%swap3A_989] {strides = array<i32>} : memref<4096xi32, #tpu.memory_space<vmem>>, vector<16xi32>,
    tpu.vector_store %arg7[%swap3A_989], %add3A_988 {strides = array<i32>} : memref<4096xi32, #tpu.memory_space<vmem>>, vector<16xi32>,
    %add3A_991 = arith.constant 384 : i32
    %add3A_992 = vector.broadcast %add3A_991 : i32 to vector<16xi32>
    %add3A_993 = arith.addi %add3A_81, %add3A_992 : vector<16xi32>
    %swap3A_994 = arith.constant 1568 : index
    %swap3A_995 = tpu.vector_load %arg7[%swap3A_994] {strides = array<i32>} : memref<4096xi32, #tpu.memory_space<vmem>>, vector<16xi32>,
    tpu.vector_store %arg7[%swap3A_994], %add3A_993 {strides = array<i32>} : memref<4096xi32, #tpu.memory_space<vmem>>, vector<16xi32>,
    %add3A_996 = arith.constant 384 : i32
    %add3A_997 = vector.broadcast %add3A_996 : i32 to vector<16xi32>
    %add3A_998 = arith.addi %add3A_93, %add3A_997 : vector<16xi32>
    %swap3A_999 = arith.constant 1584 : index
    %swap3A_1000 = tpu.vector_load %arg7[%swap3A_999] {strides = array<i32>} : memref<4096xi32, #tpu.memory_space<vmem>>, vector<16xi32>,
    tpu.vector_store %arg7[%swap3A_999], %add3A_998 {strides = array<i32>} : memref<4096xi32, #tpu.memory_space<vmem>>, vector<16xi32>,
    %add3A_1001 = arith.constant 384 : i32
    %add3A_1002 = vector.broadcast %add3A_1001 : i32 to vector<16xi32>
    %add3A_1003 = arith.addi %add3A_105, %add3A_1002 : vector<16xi32>
    %swap3A_1004 = arith.constant 1600 : index
    %swap3A_1005 = tpu.vector_load %arg7[%swap3A_1004] {strides = array<i32>} : memref<4096xi32, #tpu.memory_space<vmem>>, vector<16xi32>,
    tpu.vector_store %arg7[%swap3A_1004], %add3A_1003 {strides = array<i32>} : memref<4096xi32, #tpu.memory_space<vmem>>, vector<16xi32>,
    %add3A_1006 = arith.constant 384 : i32
    %add3A_1007 = vector.broadcast %add3A_1006 : i32 to vector<16xi32>
    %add3A_1008 = arith.addi %add3A_117, %add3A_1007 : vector<16xi32>
    %swap3A_1009 = arith.constant 1616 : index
    %swap3A_1010 = tpu.vector_load %arg7[%swap3A_1009] {strides = array<i32>} : memref<4096xi32, #tpu.memory_space<vmem>>, vector<16xi32>,
    tpu.vector_store %arg7[%swap3A_1009], %add3A_1008 {strides = array<i32>} : memref<4096xi32, #tpu.memory_space<vmem>>, vector<16xi32>,
    %add3A_1011 = arith.constant 384 : i32
    %add3A_1012 = vector.broadcast %add3A_1011 : i32 to vector<16xi32>
    %add3A_1013 = arith.addi %add3A_129, %add3A_1012 : vector<16xi32>
    %swap3A_1014 = arith.constant 1632 : index
    %swap3A_1015 = tpu.vector_load %arg7[%swap3A_1014] {strides = array<i32>} : memref<4096xi32, #tpu.memory_space<vmem>>, vector<16xi32>,
    tpu.vector_store %arg7[%swap3A_1014], %add3A_1013 {strides = array<i32>} : memref<4096xi32, #tpu.memory_space<vmem>>, vector<16xi32>,
    %add3A_1016 = arith.constant 384 : i32
    %add3A_1017 = vector.broadcast %add3A_1016 : i32 to vector<16xi32>
    %add3A_1018 = arith.addi %add3A_141, %add3A_1017 : vector<16xi32>
    %swap3A_1019 = arith.constant 1648 : index
    %swap3A_1020 = tpu.vector_load %arg7[%swap3A_1019] {strides = array<i32>} : memref<4096xi32, #tpu.memory_space<vmem>>, vector<16xi32>,
    tpu.vector_store %arg7[%swap3A_1019], %add3A_1018 {strides = array<i32>} : memref<4096xi32, #tpu.memory_space<vmem>>, vector<16xi32>,
    %dma_start3A_1021 = arith.constant 1536 : i32
    %dma_start3A_1022 = tpu.memref_slice %arg8[%dma_start3A_1021] : memref<4096xf32, #tpu.memory_space<vmem>> -> memref<128xf32, #tpu.memory_space<vmem>>
    %dma_start3A_1023 = arith.constant 1536 : i32
    %dma_start3A_1024 = tpu.memref_slice %arg7[%dma_start3A_1023] : memref<4096xi32, #tpu.memory_space<vmem>> -> memref<128xi32, #tpu.memory_space<vmem>>
    %dma_start3A_1025 = arith.constant 0 : i32
    %dma_start3A_1026 = tpu.memref_slice %arg4[%dma_start3A_1025] : memref<8000512xf32, #tpu.memory_space<hbm>> -> memref<8000512xf32, #tpu.memory_space<hbm>>
    tpu.enqueue_indirect_dma source(%dma_start3A_1026 : memref<8000512xf32, #tpu.memory_space<hbm>>) target(%dma_start3A_1022 : memref<128xf32, #tpu.memory_space<vmem>>) offsets(%dma_start3A_1024 : memref<128xi32, #tpu.memory_space<vmem>>) semaphore(%arg11 : memref<!tpu.dma_semaphore, #tpu.memory_space<semaphore_mem>>)
    %add3A_1027 = arith.constant 384 : i32
    %add3A_1028 = vector.broadcast %add3A_1027 : i32 to vector<16xi32>
    %add3A_1029 = arith.addi %add3A_153, %add3A_1028 : vector<16xi32>
    %swap3A_1030 = arith.constant 1664 : index
    %swap3A_1031 = tpu.vector_load %arg7[%swap3A_1030] {strides = array<i32>} : memref<4096xi32, #tpu.memory_space<vmem>>, vector<16xi32>,
    tpu.vector_store %arg7[%swap3A_1030], %add3A_1029 {strides = array<i32>} : memref<4096xi32, #tpu.memory_space<vmem>>, vector<16xi32>,
    %add3A_1032 = arith.constant 384 : i32
    %add3A_1033 = vector.broadcast %add3A_1032 : i32 to vector<16xi32>
    %add3A_1034 = arith.addi %add3A_165, %add3A_1033 : vector<16xi32>
    %swap3A_1035 = arith.constant 1680 : index
    %swap3A_1036 = tpu.vector_load %arg7[%swap3A_1035] {strides = array<i32>} : memref<4096xi32, #tpu.memory_space<vmem>>, vector<16xi32>,
    tpu.vector_store %arg7[%swap3A_1035], %add3A_1034 {strides = array<i32>} : memref<4096xi32, #tpu.memory_space<vmem>>, vector<16xi32>,
    %add3A_1037 = arith.constant 384 : i32
    %add3A_1038 = vector.broadcast %add3A_1037 : i32 to vector<16xi32>
    %add3A_1039 = arith.addi %add3A_177, %add3A_1038 : vector<16xi32>
    %swap3A_1040 = arith.constant 1696 : index
    %swap3A_1041 = tpu.vector_load %arg7[%swap3A_1040] {strides = array<i32>} : memref<4096xi32, #tpu.memory_space<vmem>>, vector<16xi32>,
    tpu.vector_store %arg7[%swap3A_1040], %add3A_1039 {strides = array<i32>} : memref<4096xi32, #tpu.memory_space<vmem>>, vector<16xi32>,
    %add3A_1042 = arith.constant 384 : i32
    %add3A_1043 = vector.broadcast %add3A_1042 : i32 to vector<16xi32>
    %add3A_1044 = arith.addi %add3A_189, %add3A_1043 : vector<16xi32>
    %swap3A_1045 = arith.constant 1712 : index
    %swap3A_1046 = tpu.vector_load %arg7[%swap3A_1045] {strides = array<i32>} : memref<4096xi32, #tpu.memory_space<vmem>>, vector<16xi32>,
    tpu.vector_store %arg7[%swap3A_1045], %add3A_1044 {strides = array<i32>} : memref<4096xi32, #tpu.memory_space<vmem>>, vector<16xi32>,
    %add3A_1047 = arith.constant 384 : i32
    %add3A_1048 = vector.broadcast %add3A_1047 : i32 to vector<16xi32>
    %add3A_1049 = arith.addi %add3A_201, %add3A_1048 : vector<16xi32>
    %swap3A_1050 = arith.constant 1728 : index
    %swap3A_1051 = tpu.vector_load %arg7[%swap3A_1050] {strides = array<i32>} : memref<4096xi32, #tpu.memory_space<vmem>>, vector<16xi32>,
    tpu.vector_store %arg7[%swap3A_1050], %add3A_1049 {strides = array<i32>} : memref<4096xi32, #tpu.memory_space<vmem>>, vector<16xi32>,
    %add3A_1052 = arith.constant 384 : i32
    %add3A_1053 = vector.broadcast %add3A_1052 : i32 to vector<16xi32>
    %add3A_1054 = arith.addi %add3A_213, %add3A_1053 : vector<16xi32>
    %swap3A_1055 = arith.constant 1744 : index
    %swap3A_1056 = tpu.vector_load %arg7[%swap3A_1055] {strides = array<i32>} : memref<4096xi32, #tpu.memory_space<vmem>>, vector<16xi32>,
    tpu.vector_store %arg7[%swap3A_1055], %add3A_1054 {strides = array<i32>} : memref<4096xi32, #tpu.memory_space<vmem>>, vector<16xi32>,
    %add3A_1057 = arith.constant 384 : i32
    %add3A_1058 = vector.broadcast %add3A_1057 : i32 to vector<16xi32>
    %add3A_1059 = arith.addi %add3A_225, %add3A_1058 : vector<16xi32>
    %swap3A_1060 = arith.constant 1760 : index
    %swap3A_1061 = tpu.vector_load %arg7[%swap3A_1060] {strides = array<i32>} : memref<4096xi32, #tpu.memory_space<vmem>>, vector<16xi32>,
    tpu.vector_store %arg7[%swap3A_1060], %add3A_1059 {strides = array<i32>} : memref<4096xi32, #tpu.memory_space<vmem>>, vector<16xi32>,
    %add3A_1062 = arith.constant 384 : i32
    %add3A_1063 = vector.broadcast %add3A_1062 : i32 to vector<16xi32>
    %add3A_1064 = arith.addi %add3A_237, %add3A_1063 : vector<16xi32>
    %swap3A_1065 = arith.constant 1776 : index
    %swap3A_1066 = tpu.vector_load %arg7[%swap3A_1065] {strides = array<i32>} : memref<4096xi32, #tpu.memory_space<vmem>>, vector<16xi32>,
    tpu.vector_store %arg7[%swap3A_1065], %add3A_1064 {strides = array<i32>} : memref<4096xi32, #tpu.memory_space<vmem>>, vector<16xi32>,
    %dma_start3A_1067 = arith.constant 1664 : i32
    %dma_start3A_1068 = tpu.memref_slice %arg8[%dma_start3A_1067] : memref<4096xf32, #tpu.memory_space<vmem>> -> memref<128xf32, #tpu.memory_space<vmem>>
    %dma_start3A_1069 = arith.constant 1664 : i32
    %dma_start3A_1070 = tpu.memref_slice %arg7[%dma_start3A_1069] : memref<4096xi32, #tpu.memory_space<vmem>> -> memref<128xi32, #tpu.memory_space<vmem>>
    %dma_start3A_1071 = arith.constant 0 : i32
    %dma_start3A_1072 = tpu.memref_slice %arg4[%dma_start3A_1071] : memref<8000512xf32, #tpu.memory_space<hbm>> -> memref<8000512xf32, #tpu.memory_space<hbm>>
    tpu.enqueue_indirect_dma source(%dma_start3A_1072 : memref<8000512xf32, #tpu.memory_space<hbm>>) target(%dma_start3A_1068 : memref<128xf32, #tpu.memory_space<vmem>>) offsets(%dma_start3A_1070 : memref<128xi32, #tpu.memory_space<vmem>>) semaphore(%arg11 : memref<!tpu.dma_semaphore, #tpu.memory_space<semaphore_mem>>)
    %add3A_1073 = arith.constant 384 : i32
    %add3A_1074 = vector.broadcast %add3A_1073 : i32 to vector<16xi32>
    %add3A_1075 = arith.addi %add3A_249, %add3A_1074 : vector<16xi32>
    %swap3A_1076 = arith.constant 1792 : index
    %swap3A_1077 = tpu.vector_load %arg7[%swap3A_1076] {strides = array<i32>} : memref<4096xi32, #tpu.memory_space<vmem>>, vector<16xi32>,
    tpu.vector_store %arg7[%swap3A_1076], %add3A_1075 {strides = array<i32>} : memref<4096xi32, #tpu.memory_space<vmem>>, vector<16xi32>,
    %add3A_1078 = arith.constant 384 : i32
    %add3A_1079 = vector.broadcast %add3A_1078 : i32 to vector<16xi32>
    %add3A_1080 = arith.addi %add3A_261, %add3A_1079 : vector<16xi32>
    %swap3A_1081 = arith.constant 1808 : index
    %swap3A_1082 = tpu.vector_load %arg7[%swap3A_1081] {strides = array<i32>} : memref<4096xi32, #tpu.memory_space<vmem>>, vector<16xi32>,
    tpu.vector_store %arg7[%swap3A_1081], %add3A_1080 {strides = array<i32>} : memref<4096xi32, #tpu.memory_space<vmem>>, vector<16xi32>,
    %add3A_1083 = arith.constant 384 : i32
    %add3A_1084 = vector.broadcast %add3A_1083 : i32 to vector<16xi32>
    %add3A_1085 = arith.addi %add3A_273, %add3A_1084 : vector<16xi32>
    %swap3A_1086 = arith.constant 1824 : index
    %swap3A_1087 = tpu.vector_load %arg7[%swap3A_1086] {strides = array<i32>} : memref<4096xi32, #tpu.memory_space<vmem>>, vector<16xi32>,
    tpu.vector_store %arg7[%swap3A_1086], %add3A_1085 {strides = array<i32>} : memref<4096xi32, #tpu.memory_space<vmem>>, vector<16xi32>,
    %add3A_1088 = arith.constant 384 : i32
    %add3A_1089 = vector.broadcast %add3A_1088 : i32 to vector<16xi32>
    %add3A_1090 = arith.addi %add3A_285, %add3A_1089 : vector<16xi32>
    %swap3A_1091 = arith.constant 1840 : index
    %swap3A_1092 = tpu.vector_load %arg7[%swap3A_1091] {strides = array<i32>} : memref<4096xi32, #tpu.memory_space<vmem>>, vector<16xi32>,
    tpu.vector_store %arg7[%swap3A_1091], %add3A_1090 {strides = array<i32>} : memref<4096xi32, #tpu.memory_space<vmem>>, vector<16xi32>,
    %add3A_1093 = arith.constant 384 : i32
    %add3A_1094 = vector.broadcast %add3A_1093 : i32 to vector<16xi32>
    %add3A_1095 = arith.addi %add3A_297, %add3A_1094 : vector<16xi32>
    %swap3A_1096 = arith.constant 1856 : index
    %swap3A_1097 = tpu.vector_load %arg7[%swap3A_1096] {strides = array<i32>} : memref<4096xi32, #tpu.memory_space<vmem>>, vector<16xi32>,
    tpu.vector_store %arg7[%swap3A_1096], %add3A_1095 {strides = array<i32>} : memref<4096xi32, #tpu.memory_space<vmem>>, vector<16xi32>,
    %add3A_1098 = arith.constant 384 : i32
    %add3A_1099 = vector.broadcast %add3A_1098 : i32 to vector<16xi32>
    %add3A_1100 = arith.addi %add3A_309, %add3A_1099 : vector<16xi32>
    %swap3A_1101 = arith.constant 1872 : index
    %swap3A_1102 = tpu.vector_load %arg7[%swap3A_1101] {strides = array<i32>} : memref<4096xi32, #tpu.memory_space<vmem>>, vector<16xi32>,
    tpu.vector_store %arg7[%swap3A_1101], %add3A_1100 {strides = array<i32>} : memref<4096xi32, #tpu.memory_space<vmem>>, vector<16xi32>,
    %add3A_1103 = arith.constant 384 : i32
    %add3A_1104 = vector.broadcast %add3A_1103 : i32 to vector<16xi32>
    %add3A_1105 = arith.addi %add3A_321, %add3A_1104 : vector<16xi32>
    %swap3A_1106 = arith.constant 1888 : index
    %swap3A_1107 = tpu.vector_load %arg7[%swap3A_1106] {strides = array<i32>} : memref<4096xi32, #tpu.memory_space<vmem>>, vector<16xi32>,
    tpu.vector_store %arg7[%swap3A_1106], %add3A_1105 {strides = array<i32>} : memref<4096xi32, #tpu.memory_space<vmem>>, vector<16xi32>,
    %add3A_1108 = arith.constant 384 : i32
    %add3A_1109 = vector.broadcast %add3A_1108 : i32 to vector<16xi32>
    %add3A_1110 = arith.addi %add3A_333, %add3A_1109 : vector<16xi32>
    %swap3A_1111 = arith.constant 1904 : index
    %swap3A_1112 = tpu.vector_load %arg7[%swap3A_1111] {strides = array<i32>} : memref<4096xi32, #tpu.memory_space<vmem>>, vector<16xi32>,
    tpu.vector_store %arg7[%swap3A_1111], %add3A_1110 {strides = array<i32>} : memref<4096xi32, #tpu.memory_space<vmem>>, vector<16xi32>,
    %dma_start3A_1113 = arith.constant 1792 : i32
    %dma_start3A_1114 = tpu.memref_slice %arg8[%dma_start3A_1113] : memref<4096xf32, #tpu.memory_space<vmem>> -> memref<128xf32, #tpu.memory_space<vmem>>
    %dma_start3A_1115 = arith.constant 1792 : i32
    %dma_start3A_1116 = tpu.memref_slice %arg7[%dma_start3A_1115] : memref<4096xi32, #tpu.memory_space<vmem>> -> memref<128xi32, #tpu.memory_space<vmem>>
    %dma_start3A_1117 = arith.constant 0 : i32
    %dma_start3A_1118 = tpu.memref_slice %arg4[%dma_start3A_1117] : memref<8000512xf32, #tpu.memory_space<hbm>> -> memref<8000512xf32, #tpu.memory_space<hbm>>
    tpu.enqueue_indirect_dma source(%dma_start3A_1118 : memref<8000512xf32, #tpu.memory_space<hbm>>) target(%dma_start3A_1114 : memref<128xf32, #tpu.memory_space<vmem>>) offsets(%dma_start3A_1116 : memref<128xi32, #tpu.memory_space<vmem>>) semaphore(%arg11 : memref<!tpu.dma_semaphore, #tpu.memory_space<semaphore_mem>>)
    %add3A_1119 = arith.constant 384 : i32
    %add3A_1120 = vector.broadcast %add3A_1119 : i32 to vector<16xi32>
    %add3A_1121 = arith.addi %add3A_345, %add3A_1120 : vector<16xi32>
    %swap3A_1122 = arith.constant 1920 : index
    %swap3A_1123 = tpu.vector_load %arg7[%swap3A_1122] {strides = array<i32>} : memref<4096xi32, #tpu.memory_space<vmem>>, vector<16xi32>,
    tpu.vector_store %arg7[%swap3A_1122], %add3A_1121 {strides = array<i32>} : memref<4096xi32, #tpu.memory_space<vmem>>, vector<16xi32>,
    %add3A_1124 = arith.constant 384 : i32
    %add3A_1125 = vector.broadcast %add3A_1124 : i32 to vector<16xi32>
    %add3A_1126 = arith.addi %add3A_357, %add3A_1125 : vector<16xi32>
    %swap3A_1127 = arith.constant 1936 : index
    %swap3A_1128 = tpu.vector_load %arg7[%swap3A_1127] {strides = array<i32>} : memref<4096xi32, #tpu.memory_space<vmem>>, vector<16xi32>,
    tpu.vector_store %arg7[%swap3A_1127], %add3A_1126 {strides = array<i32>} : memref<4096xi32, #tpu.memory_space<vmem>>, vector<16xi32>,
    %add3A_1129 = arith.constant 384 : i32
    %add3A_1130 = vector.broadcast %add3A_1129 : i32 to vector<16xi32>
    %add3A_1131 = arith.addi %add3A_369, %add3A_1130 : vector<16xi32>
    %swap3A_1132 = arith.constant 1952 : index
    %swap3A_1133 = tpu.vector_load %arg7[%swap3A_1132] {strides = array<i32>} : memref<4096xi32, #tpu.memory_space<vmem>>, vector<16xi32>,
    tpu.vector_store %arg7[%swap3A_1132], %add3A_1131 {strides = array<i32>} : memref<4096xi32, #tpu.memory_space<vmem>>, vector<16xi32>,
    %add3A_1134 = arith.constant 384 : i32
    %add3A_1135 = vector.broadcast %add3A_1134 : i32 to vector<16xi32>
    %add3A_1136 = arith.addi %add3A_381, %add3A_1135 : vector<16xi32>
    %swap3A_1137 = arith.constant 1968 : index
    %swap3A_1138 = tpu.vector_load %arg7[%swap3A_1137] {strides = array<i32>} : memref<4096xi32, #tpu.memory_space<vmem>>, vector<16xi32>,
    tpu.vector_store %arg7[%swap3A_1137], %add3A_1136 {strides = array<i32>} : memref<4096xi32, #tpu.memory_space<vmem>>, vector<16xi32>,
    %add3A_1139 = arith.constant 384 : i32
    %add3A_1140 = vector.broadcast %add3A_1139 : i32 to vector<16xi32>
    %add3A_1141 = arith.addi %add3A_393, %add3A_1140 : vector<16xi32>
    %swap3A_1142 = arith.constant 1984 : index
    %swap3A_1143 = tpu.vector_load %arg7[%swap3A_1142] {strides = array<i32>} : memref<4096xi32, #tpu.memory_space<vmem>>, vector<16xi32>,
    tpu.vector_store %arg7[%swap3A_1142], %add3A_1141 {strides = array<i32>} : memref<4096xi32, #tpu.memory_space<vmem>>, vector<16xi32>,
    %add3A_1144 = arith.constant 384 : i32
    %add3A_1145 = vector.broadcast %add3A_1144 : i32 to vector<16xi32>
    %add3A_1146 = arith.addi %add3A_405, %add3A_1145 : vector<16xi32>
    %swap3A_1147 = arith.constant 2000 : index
    %swap3A_1148 = tpu.vector_load %arg7[%swap3A_1147] {strides = array<i32>} : memref<4096xi32, #tpu.memory_space<vmem>>, vector<16xi32>,
    tpu.vector_store %arg7[%swap3A_1147], %add3A_1146 {strides = array<i32>} : memref<4096xi32, #tpu.memory_space<vmem>>, vector<16xi32>,
    %add3A_1149 = arith.constant 384 : i32
    %add3A_1150 = vector.broadcast %add3A_1149 : i32 to vector<16xi32>
    %add3A_1151 = arith.addi %add3A_417, %add3A_1150 : vector<16xi32>
    %swap3A_1152 = arith.constant 2016 : index
    %swap3A_1153 = tpu.vector_load %arg7[%swap3A_1152] {strides = array<i32>} : memref<4096xi32, #tpu.memory_space<vmem>>, vector<16xi32>,
    tpu.vector_store %arg7[%swap3A_1152], %add3A_1151 {strides = array<i32>} : memref<4096xi32, #tpu.memory_space<vmem>>, vector<16xi32>,
    %add3A_1154 = arith.constant 384 : i32
    %add3A_1155 = vector.broadcast %add3A_1154 : i32 to vector<16xi32>
    %add3A_1156 = arith.addi %add3A_429, %add3A_1155 : vector<16xi32>
    %swap3A_1157 = arith.constant 2032 : index
    %swap3A_1158 = tpu.vector_load %arg7[%swap3A_1157] {strides = array<i32>} : memref<4096xi32, #tpu.memory_space<vmem>>, vector<16xi32>,
    tpu.vector_store %arg7[%swap3A_1157], %add3A_1156 {strides = array<i32>} : memref<4096xi32, #tpu.memory_space<vmem>>, vector<16xi32>,
    %dma_start3A_1159 = arith.constant 1920 : i32
    %dma_start3A_1160 = tpu.memref_slice %arg8[%dma_start3A_1159] : memref<4096xf32, #tpu.memory_space<vmem>> -> memref<128xf32, #tpu.memory_space<vmem>>
    %dma_start3A_1161 = arith.constant 1920 : i32
    %dma_start3A_1162 = tpu.memref_slice %arg7[%dma_start3A_1161] : memref<4096xi32, #tpu.memory_space<vmem>> -> memref<128xi32, #tpu.memory_space<vmem>>
    %dma_start3A_1163 = arith.constant 0 : i32
    %dma_start3A_1164 = tpu.memref_slice %arg4[%dma_start3A_1163] : memref<8000512xf32, #tpu.memory_space<hbm>> -> memref<8000512xf32, #tpu.memory_space<hbm>>
    tpu.enqueue_indirect_dma source(%dma_start3A_1164 : memref<8000512xf32, #tpu.memory_space<hbm>>) target(%dma_start3A_1160 : memref<128xf32, #tpu.memory_space<vmem>>) offsets(%dma_start3A_1162 : memref<128xi32, #tpu.memory_space<vmem>>) semaphore(%arg11 : memref<!tpu.dma_semaphore, #tpu.memory_space<semaphore_mem>>)
    %add3A_1165 = arith.constant 512 : i32
    %add3A_1166 = vector.broadcast %add3A_1165 : i32 to vector<16xi32>
    %add3A_1167 = arith.addi %add3A_57, %add3A_1166 : vector<16xi32>
    %swap3A_1168 = arith.constant 2048 : index
    %swap3A_1169 = tpu.vector_load %arg7[%swap3A_1168] {strides = array<i32>} : memref<4096xi32, #tpu.memory_space<vmem>>, vector<16xi32>,
    tpu.vector_store %arg7[%swap3A_1168], %add3A_1167 {strides = array<i32>} : memref<4096xi32, #tpu.memory_space<vmem>>, vector<16xi32>,
    %add3A_1170 = arith.constant 512 : i32
    %add3A_1171 = vector.broadcast %add3A_1170 : i32 to vector<16xi32>
    %add3A_1172 = arith.addi %add3A_69, %add3A_1171 : vector<16xi32>
    %swap3A_1173 = arith.constant 2064 : index
    %swap3A_1174 = tpu.vector_load %arg7[%swap3A_1173] {strides = array<i32>} : memref<4096xi32, #tpu.memory_space<vmem>>, vector<16xi32>,
    tpu.vector_store %arg7[%swap3A_1173], %add3A_1172 {strides = array<i32>} : memref<4096xi32, #tpu.memory_space<vmem>>, vector<16xi32>,
    %add3A_1175 = arith.constant 512 : i32
    %add3A_1176 = vector.broadcast %add3A_1175 : i32 to vector<16xi32>
    %add3A_1177 = arith.addi %add3A_81, %add3A_1176 : vector<16xi32>
    %swap3A_1178 = arith.constant 2080 : index
    %swap3A_1179 = tpu.vector_load %arg7[%swap3A_1178] {strides = array<i32>} : memref<4096xi32, #tpu.memory_space<vmem>>, vector<16xi32>,
    tpu.vector_store %arg7[%swap3A_1178], %add3A_1177 {strides = array<i32>} : memref<4096xi32, #tpu.memory_space<vmem>>, vector<16xi32>,
    %add3A_1180 = arith.constant 512 : i32
    %add3A_1181 = vector.broadcast %add3A_1180 : i32 to vector<16xi32>
    %add3A_1182 = arith.addi %add3A_93, %add3A_1181 : vector<16xi32>
    %swap3A_1183 = arith.constant 2096 : index
    %swap3A_1184 = tpu.vector_load %arg7[%swap3A_1183] {strides = array<i32>} : memref<4096xi32, #tpu.memory_space<vmem>>, vector<16xi32>,
    tpu.vector_store %arg7[%swap3A_1183], %add3A_1182 {strides = array<i32>} : memref<4096xi32, #tpu.memory_space<vmem>>, vector<16xi32>,
    %add3A_1185 = arith.constant 512 : i32
    %add3A_1186 = vector.broadcast %add3A_1185 : i32 to vector<16xi32>
    %add3A_1187 = arith.addi %add3A_105, %add3A_1186 : vector<16xi32>
    %swap3A_1188 = arith.constant 2112 : index
    %swap3A_1189 = tpu.vector_load %arg7[%swap3A_1188] {strides = array<i32>} : memref<4096xi32, #tpu.memory_space<vmem>>, vector<16xi32>,
    tpu.vector_store %arg7[%swap3A_1188], %add3A_1187 {strides = array<i32>} : memref<4096xi32, #tpu.memory_space<vmem>>, vector<16xi32>,
    %add3A_1190 = arith.constant 512 : i32
    %add3A_1191 = vector.broadcast %add3A_1190 : i32 to vector<16xi32>
    %add3A_1192 = arith.addi %add3A_117, %add3A_1191 : vector<16xi32>
    %swap3A_1193 = arith.constant 2128 : index
    %swap3A_1194 = tpu.vector_load %arg7[%swap3A_1193] {strides = array<i32>} : memref<4096xi32, #tpu.memory_space<vmem>>, vector<16xi32>,
    tpu.vector_store %arg7[%swap3A_1193], %add3A_1192 {strides = array<i32>} : memref<4096xi32, #tpu.memory_space<vmem>>, vector<16xi32>,
    %add3A_1195 = arith.constant 512 : i32
    %add3A_1196 = vector.broadcast %add3A_1195 : i32 to vector<16xi32>
    %add3A_1197 = arith.addi %add3A_129, %add3A_1196 : vector<16xi32>
    %swap3A_1198 = arith.constant 2144 : index
    %swap3A_1199 = tpu.vector_load %arg7[%swap3A_1198] {strides = array<i32>} : memref<4096xi32, #tpu.memory_space<vmem>>, vector<16xi32>,
    tpu.vector_store %arg7[%swap3A_1198], %add3A_1197 {strides = array<i32>} : memref<4096xi32, #tpu.memory_space<vmem>>, vector<16xi32>,
    %add3A_1200 = arith.constant 512 : i32
    %add3A_1201 = vector.broadcast %add3A_1200 : i32 to vector<16xi32>
    %add3A_1202 = arith.addi %add3A_141, %add3A_1201 : vector<16xi32>
    %swap3A_1203 = arith.constant 2160 : index
    %swap3A_1204 = tpu.vector_load %arg7[%swap3A_1203] {strides = array<i32>} : memref<4096xi32, #tpu.memory_space<vmem>>, vector<16xi32>,
    tpu.vector_store %arg7[%swap3A_1203], %add3A_1202 {strides = array<i32>} : memref<4096xi32, #tpu.memory_space<vmem>>, vector<16xi32>,
    %dma_start3A_1205 = arith.constant 2048 : i32
    %dma_start3A_1206 = tpu.memref_slice %arg8[%dma_start3A_1205] : memref<4096xf32, #tpu.memory_space<vmem>> -> memref<128xf32, #tpu.memory_space<vmem>>
    %dma_start3A_1207 = arith.constant 2048 : i32
    %dma_start3A_1208 = tpu.memref_slice %arg7[%dma_start3A_1207] : memref<4096xi32, #tpu.memory_space<vmem>> -> memref<128xi32, #tpu.memory_space<vmem>>
    %dma_start3A_1209 = arith.constant 0 : i32
    %dma_start3A_1210 = tpu.memref_slice %arg4[%dma_start3A_1209] : memref<8000512xf32, #tpu.memory_space<hbm>> -> memref<8000512xf32, #tpu.memory_space<hbm>>
    tpu.enqueue_indirect_dma source(%dma_start3A_1210 : memref<8000512xf32, #tpu.memory_space<hbm>>) target(%dma_start3A_1206 : memref<128xf32, #tpu.memory_space<vmem>>) offsets(%dma_start3A_1208 : memref<128xi32, #tpu.memory_space<vmem>>) semaphore(%arg11 : memref<!tpu.dma_semaphore, #tpu.memory_space<semaphore_mem>>)
    %add3A_1211 = arith.constant 512 : i32
    %add3A_1212 = vector.broadcast %add3A_1211 : i32 to vector<16xi32>
    %add3A_1213 = arith.addi %add3A_153, %add3A_1212 : vector<16xi32>
    %swap3A_1214 = arith.constant 2176 : index
    %swap3A_1215 = tpu.vector_load %arg7[%swap3A_1214] {strides = array<i32>} : memref<4096xi32, #tpu.memory_space<vmem>>, vector<16xi32>,
    tpu.vector_store %arg7[%swap3A_1214], %add3A_1213 {strides = array<i32>} : memref<4096xi32, #tpu.memory_space<vmem>>, vector<16xi32>,
    %add3A_1216 = arith.constant 512 : i32
    %add3A_1217 = vector.broadcast %add3A_1216 : i32 to vector<16xi32>
    %add3A_1218 = arith.addi %add3A_165, %add3A_1217 : vector<16xi32>
    %swap3A_1219 = arith.constant 2192 : index
    %swap3A_1220 = tpu.vector_load %arg7[%swap3A_1219] {strides = array<i32>} : memref<4096xi32, #tpu.memory_space<vmem>>, vector<16xi32>,
    tpu.vector_store %arg7[%swap3A_1219], %add3A_1218 {strides = array<i32>} : memref<4096xi32, #tpu.memory_space<vmem>>, vector<16xi32>,
    %add3A_1221 = arith.constant 512 : i32
    %add3A_1222 = vector.broadcast %add3A_1221 : i32 to vector<16xi32>
    %add3A_1223 = arith.addi %add3A_177, %add3A_1222 : vector<16xi32>
    %swap3A_1224 = arith.constant 2208 : index
    %swap3A_1225 = tpu.vector_load %arg7[%swap3A_1224] {strides = array<i32>} : memref<4096xi32, #tpu.memory_space<vmem>>, vector<16xi32>,
    tpu.vector_store %arg7[%swap3A_1224], %add3A_1223 {strides = array<i32>} : memref<4096xi32, #tpu.memory_space<vmem>>, vector<16xi32>,
    %add3A_1226 = arith.constant 512 : i32
    %add3A_1227 = vector.broadcast %add3A_1226 : i32 to vector<16xi32>
    %add3A_1228 = arith.addi %add3A_189, %add3A_1227 : vector<16xi32>
    %swap3A_1229 = arith.constant 2224 : index
    %swap3A_1230 = tpu.vector_load %arg7[%swap3A_1229] {strides = array<i32>} : memref<4096xi32, #tpu.memory_space<vmem>>, vector<16xi32>,
    tpu.vector_store %arg7[%swap3A_1229], %add3A_1228 {strides = array<i32>} : memref<4096xi32, #tpu.memory_space<vmem>>, vector<16xi32>,
    %add3A_1231 = arith.constant 512 : i32
    %add3A_1232 = vector.broadcast %add3A_1231 : i32 to vector<16xi32>
    %add3A_1233 = arith.addi %add3A_201, %add3A_1232 : vector<16xi32>
    %swap3A_1234 = arith.constant 2240 : index
    %swap3A_1235 = tpu.vector_load %arg7[%swap3A_1234] {strides = array<i32>} : memref<4096xi32, #tpu.memory_space<vmem>>, vector<16xi32>,
    tpu.vector_store %arg7[%swap3A_1234], %add3A_1233 {strides = array<i32>} : memref<4096xi32, #tpu.memory_space<vmem>>, vector<16xi32>,
    %add3A_1236 = arith.constant 512 : i32
    %add3A_1237 = vector.broadcast %add3A_1236 : i32 to vector<16xi32>
    %add3A_1238 = arith.addi %add3A_213, %add3A_1237 : vector<16xi32>
    %swap3A_1239 = arith.constant 2256 : index
    %swap3A_1240 = tpu.vector_load %arg7[%swap3A_1239] {strides = array<i32>} : memref<4096xi32, #tpu.memory_space<vmem>>, vector<16xi32>,
    tpu.vector_store %arg7[%swap3A_1239], %add3A_1238 {strides = array<i32>} : memref<4096xi32, #tpu.memory_space<vmem>>, vector<16xi32>,
    %add3A_1241 = arith.constant 512 : i32
    %add3A_1242 = vector.broadcast %add3A_1241 : i32 to vector<16xi32>
    %add3A_1243 = arith.addi %add3A_225, %add3A_1242 : vector<16xi32>
    %swap3A_1244 = arith.constant 2272 : index
    %swap3A_1245 = tpu.vector_load %arg7[%swap3A_1244] {strides = array<i32>} : memref<4096xi32, #tpu.memory_space<vmem>>, vector<16xi32>,
    tpu.vector_store %arg7[%swap3A_1244], %add3A_1243 {strides = array<i32>} : memref<4096xi32, #tpu.memory_space<vmem>>, vector<16xi32>,
    %add3A_1246 = arith.constant 512 : i32
    %add3A_1247 = vector.broadcast %add3A_1246 : i32 to vector<16xi32>
    %add3A_1248 = arith.addi %add3A_237, %add3A_1247 : vector<16xi32>
    %swap3A_1249 = arith.constant 2288 : index
    %swap3A_1250 = tpu.vector_load %arg7[%swap3A_1249] {strides = array<i32>} : memref<4096xi32, #tpu.memory_space<vmem>>, vector<16xi32>,
    tpu.vector_store %arg7[%swap3A_1249], %add3A_1248 {strides = array<i32>} : memref<4096xi32, #tpu.memory_space<vmem>>, vector<16xi32>,
    %dma_start3A_1251 = arith.constant 2176 : i32
    %dma_start3A_1252 = tpu.memref_slice %arg8[%dma_start3A_1251] : memref<4096xf32, #tpu.memory_space<vmem>> -> memref<128xf32, #tpu.memory_space<vmem>>
    %dma_start3A_1253 = arith.constant 2176 : i32
    %dma_start3A_1254 = tpu.memref_slice %arg7[%dma_start3A_1253] : memref<4096xi32, #tpu.memory_space<vmem>> -> memref<128xi32, #tpu.memory_space<vmem>>
    %dma_start3A_1255 = arith.constant 0 : i32
    %dma_start3A_1256 = tpu.memref_slice %arg4[%dma_start3A_1255] : memref<8000512xf32, #tpu.memory_space<hbm>> -> memref<8000512xf32, #tpu.memory_space<hbm>>
    tpu.enqueue_indirect_dma source(%dma_start3A_1256 : memref<8000512xf32, #tpu.memory_space<hbm>>) target(%dma_start3A_1252 : memref<128xf32, #tpu.memory_space<vmem>>) offsets(%dma_start3A_1254 : memref<128xi32, #tpu.memory_space<vmem>>) semaphore(%arg11 : memref<!tpu.dma_semaphore, #tpu.memory_space<semaphore_mem>>)
    %add3A_1257 = arith.constant 512 : i32
    %add3A_1258 = vector.broadcast %add3A_1257 : i32 to vector<16xi32>
    %add3A_1259 = arith.addi %add3A_249, %add3A_1258 : vector<16xi32>
    %swap3A_1260 = arith.constant 2304 : index
    %swap3A_1261 = tpu.vector_load %arg7[%swap3A_1260] {strides = array<i32>} : memref<4096xi32, #tpu.memory_space<vmem>>, vector<16xi32>,
    tpu.vector_store %arg7[%swap3A_1260], %add3A_1259 {strides = array<i32>} : memref<4096xi32, #tpu.memory_space<vmem>>, vector<16xi32>,
    %add3A_1262 = arith.constant 512 : i32
    %add3A_1263 = vector.broadcast %add3A_1262 : i32 to vector<16xi32>
    %add3A_1264 = arith.addi %add3A_261, %add3A_1263 : vector<16xi32>
    %swap3A_1265 = arith.constant 2320 : index
    %swap3A_1266 = tpu.vector_load %arg7[%swap3A_1265] {strides = array<i32>} : memref<4096xi32, #tpu.memory_space<vmem>>, vector<16xi32>,
    tpu.vector_store %arg7[%swap3A_1265], %add3A_1264 {strides = array<i32>} : memref<4096xi32, #tpu.memory_space<vmem>>, vector<16xi32>,
    %add3A_1267 = arith.constant 512 : i32
    %add3A_1268 = vector.broadcast %add3A_1267 : i32 to vector<16xi32>
    %add3A_1269 = arith.addi %add3A_273, %add3A_1268 : vector<16xi32>
    %swap3A_1270 = arith.constant 2336 : index
    %swap3A_1271 = tpu.vector_load %arg7[%swap3A_1270] {strides = array<i32>} : memref<4096xi32, #tpu.memory_space<vmem>>, vector<16xi32>,
    tpu.vector_store %arg7[%swap3A_1270], %add3A_1269 {strides = array<i32>} : memref<4096xi32, #tpu.memory_space<vmem>>, vector<16xi32>,
    %add3A_1272 = arith.constant 512 : i32
    %add3A_1273 = vector.broadcast %add3A_1272 : i32 to vector<16xi32>
    %add3A_1274 = arith.addi %add3A_285, %add3A_1273 : vector<16xi32>
    %swap3A_1275 = arith.constant 2352 : index
    %swap3A_1276 = tpu.vector_load %arg7[%swap3A_1275] {strides = array<i32>} : memref<4096xi32, #tpu.memory_space<vmem>>, vector<16xi32>,
    tpu.vector_store %arg7[%swap3A_1275], %add3A_1274 {strides = array<i32>} : memref<4096xi32, #tpu.memory_space<vmem>>, vector<16xi32>,
    %add3A_1277 = arith.constant 512 : i32
    %add3A_1278 = vector.broadcast %add3A_1277 : i32 to vector<16xi32>
    %add3A_1279 = arith.addi %add3A_297, %add3A_1278 : vector<16xi32>
    %swap3A_1280 = arith.constant 2368 : index
    %swap3A_1281 = tpu.vector_load %arg7[%swap3A_1280] {strides = array<i32>} : memref<4096xi32, #tpu.memory_space<vmem>>, vector<16xi32>,
    tpu.vector_store %arg7[%swap3A_1280], %add3A_1279 {strides = array<i32>} : memref<4096xi32, #tpu.memory_space<vmem>>, vector<16xi32>,
    %add3A_1282 = arith.constant 512 : i32
    %add3A_1283 = vector.broadcast %add3A_1282 : i32 to vector<16xi32>
    %add3A_1284 = arith.addi %add3A_309, %add3A_1283 : vector<16xi32>
    %swap3A_1285 = arith.constant 2384 : index
    %swap3A_1286 = tpu.vector_load %arg7[%swap3A_1285] {strides = array<i32>} : memref<4096xi32, #tpu.memory_space<vmem>>, vector<16xi32>,
    tpu.vector_store %arg7[%swap3A_1285], %add3A_1284 {strides = array<i32>} : memref<4096xi32, #tpu.memory_space<vmem>>, vector<16xi32>,
    %add3A_1287 = arith.constant 512 : i32
    %add3A_1288 = vector.broadcast %add3A_1287 : i32 to vector<16xi32>
    %add3A_1289 = arith.addi %add3A_321, %add3A_1288 : vector<16xi32>
    %swap3A_1290 = arith.constant 2400 : index
    %swap3A_1291 = tpu.vector_load %arg7[%swap3A_1290] {strides = array<i32>} : memref<4096xi32, #tpu.memory_space<vmem>>, vector<16xi32>,
    tpu.vector_store %arg7[%swap3A_1290], %add3A_1289 {strides = array<i32>} : memref<4096xi32, #tpu.memory_space<vmem>>, vector<16xi32>,
    %add3A_1292 = arith.constant 512 : i32
    %add3A_1293 = vector.broadcast %add3A_1292 : i32 to vector<16xi32>
    %add3A_1294 = arith.addi %add3A_333, %add3A_1293 : vector<16xi32>
    %swap3A_1295 = arith.constant 2416 : index
    %swap3A_1296 = tpu.vector_load %arg7[%swap3A_1295] {strides = array<i32>} : memref<4096xi32, #tpu.memory_space<vmem>>, vector<16xi32>,
    tpu.vector_store %arg7[%swap3A_1295], %add3A_1294 {strides = array<i32>} : memref<4096xi32, #tpu.memory_space<vmem>>, vector<16xi32>,
    %dma_start3A_1297 = arith.constant 2304 : i32
    %dma_start3A_1298 = tpu.memref_slice %arg8[%dma_start3A_1297] : memref<4096xf32, #tpu.memory_space<vmem>> -> memref<128xf32, #tpu.memory_space<vmem>>
    %dma_start3A_1299 = arith.constant 2304 : i32
    %dma_start3A_1300 = tpu.memref_slice %arg7[%dma_start3A_1299] : memref<4096xi32, #tpu.memory_space<vmem>> -> memref<128xi32, #tpu.memory_space<vmem>>
    %dma_start3A_1301 = arith.constant 0 : i32
    %dma_start3A_1302 = tpu.memref_slice %arg4[%dma_start3A_1301] : memref<8000512xf32, #tpu.memory_space<hbm>> -> memref<8000512xf32, #tpu.memory_space<hbm>>
    tpu.enqueue_indirect_dma source(%dma_start3A_1302 : memref<8000512xf32, #tpu.memory_space<hbm>>) target(%dma_start3A_1298 : memref<128xf32, #tpu.memory_space<vmem>>) offsets(%dma_start3A_1300 : memref<128xi32, #tpu.memory_space<vmem>>) semaphore(%arg11 : memref<!tpu.dma_semaphore, #tpu.memory_space<semaphore_mem>>)
    %add3A_1303 = arith.constant 512 : i32
    %add3A_1304 = vector.broadcast %add3A_1303 : i32 to vector<16xi32>
    %add3A_1305 = arith.addi %add3A_345, %add3A_1304 : vector<16xi32>
    %swap3A_1306 = arith.constant 2432 : index
    %swap3A_1307 = tpu.vector_load %arg7[%swap3A_1306] {strides = array<i32>} : memref<4096xi32, #tpu.memory_space<vmem>>, vector<16xi32>,
    tpu.vector_store %arg7[%swap3A_1306], %add3A_1305 {strides = array<i32>} : memref<4096xi32, #tpu.memory_space<vmem>>, vector<16xi32>,
    %add3A_1308 = arith.constant 512 : i32
    %add3A_1309 = vector.broadcast %add3A_1308 : i32 to vector<16xi32>
    %add3A_1310 = arith.addi %add3A_357, %add3A_1309 : vector<16xi32>
    %swap3A_1311 = arith.constant 2448 : index
    %swap3A_1312 = tpu.vector_load %arg7[%swap3A_1311] {strides = array<i32>} : memref<4096xi32, #tpu.memory_space<vmem>>, vector<16xi32>,
    tpu.vector_store %arg7[%swap3A_1311], %add3A_1310 {strides = array<i32>} : memref<4096xi32, #tpu.memory_space<vmem>>, vector<16xi32>,
    %add3A_1313 = arith.constant 512 : i32
    %add3A_1314 = vector.broadcast %add3A_1313 : i32 to vector<16xi32>
    %add3A_1315 = arith.addi %add3A_369, %add3A_1314 : vector<16xi32>
    %swap3A_1316 = arith.constant 2464 : index
    %swap3A_1317 = tpu.vector_load %arg7[%swap3A_1316] {strides = array<i32>} : memref<4096xi32, #tpu.memory_space<vmem>>, vector<16xi32>,
    tpu.vector_store %arg7[%swap3A_1316], %add3A_1315 {strides = array<i32>} : memref<4096xi32, #tpu.memory_space<vmem>>, vector<16xi32>,
    %add3A_1318 = arith.constant 512 : i32
    %add3A_1319 = vector.broadcast %add3A_1318 : i32 to vector<16xi32>
    %add3A_1320 = arith.addi %add3A_381, %add3A_1319 : vector<16xi32>
    %swap3A_1321 = arith.constant 2480 : index
    %swap3A_1322 = tpu.vector_load %arg7[%swap3A_1321] {strides = array<i32>} : memref<4096xi32, #tpu.memory_space<vmem>>, vector<16xi32>,
    tpu.vector_store %arg7[%swap3A_1321], %add3A_1320 {strides = array<i32>} : memref<4096xi32, #tpu.memory_space<vmem>>, vector<16xi32>,
    %add3A_1323 = arith.constant 512 : i32
    %add3A_1324 = vector.broadcast %add3A_1323 : i32 to vector<16xi32>
    %add3A_1325 = arith.addi %add3A_393, %add3A_1324 : vector<16xi32>
    %swap3A_1326 = arith.constant 2496 : index
    %swap3A_1327 = tpu.vector_load %arg7[%swap3A_1326] {strides = array<i32>} : memref<4096xi32, #tpu.memory_space<vmem>>, vector<16xi32>,
    tpu.vector_store %arg7[%swap3A_1326], %add3A_1325 {strides = array<i32>} : memref<4096xi32, #tpu.memory_space<vmem>>, vector<16xi32>,
    %add3A_1328 = arith.constant 512 : i32
    %add3A_1329 = vector.broadcast %add3A_1328 : i32 to vector<16xi32>
    %add3A_1330 = arith.addi %add3A_405, %add3A_1329 : vector<16xi32>
    %swap3A_1331 = arith.constant 2512 : index
    %swap3A_1332 = tpu.vector_load %arg7[%swap3A_1331] {strides = array<i32>} : memref<4096xi32, #tpu.memory_space<vmem>>, vector<16xi32>,
    tpu.vector_store %arg7[%swap3A_1331], %add3A_1330 {strides = array<i32>} : memref<4096xi32, #tpu.memory_space<vmem>>, vector<16xi32>,
    %add3A_1333 = arith.constant 512 : i32
    %add3A_1334 = vector.broadcast %add3A_1333 : i32 to vector<16xi32>
    %add3A_1335 = arith.addi %add3A_417, %add3A_1334 : vector<16xi32>
    %swap3A_1336 = arith.constant 2528 : index
    %swap3A_1337 = tpu.vector_load %arg7[%swap3A_1336] {strides = array<i32>} : memref<4096xi32, #tpu.memory_space<vmem>>, vector<16xi32>,
    tpu.vector_store %arg7[%swap3A_1336], %add3A_1335 {strides = array<i32>} : memref<4096xi32, #tpu.memory_space<vmem>>, vector<16xi32>,
    %add3A_1338 = arith.constant 512 : i32
    %add3A_1339 = vector.broadcast %add3A_1338 : i32 to vector<16xi32>
    %add3A_1340 = arith.addi %add3A_429, %add3A_1339 : vector<16xi32>
    %swap3A_1341 = arith.constant 2544 : index
    %swap3A_1342 = tpu.vector_load %arg7[%swap3A_1341] {strides = array<i32>} : memref<4096xi32, #tpu.memory_space<vmem>>, vector<16xi32>,
    tpu.vector_store %arg7[%swap3A_1341], %add3A_1340 {strides = array<i32>} : memref<4096xi32, #tpu.memory_space<vmem>>, vector<16xi32>,
    %dma_start3A_1343 = arith.constant 2432 : i32
    %dma_start3A_1344 = tpu.memref_slice %arg8[%dma_start3A_1343] : memref<4096xf32, #tpu.memory_space<vmem>> -> memref<128xf32, #tpu.memory_space<vmem>>
    %dma_start3A_1345 = arith.constant 2432 : i32
    %dma_start3A_1346 = tpu.memref_slice %arg7[%dma_start3A_1345] : memref<4096xi32, #tpu.memory_space<vmem>> -> memref<128xi32, #tpu.memory_space<vmem>>
    %dma_start3A_1347 = arith.constant 0 : i32
    %dma_start3A_1348 = tpu.memref_slice %arg4[%dma_start3A_1347] : memref<8000512xf32, #tpu.memory_space<hbm>> -> memref<8000512xf32, #tpu.memory_space<hbm>>
    tpu.enqueue_indirect_dma source(%dma_start3A_1348 : memref<8000512xf32, #tpu.memory_space<hbm>>) target(%dma_start3A_1344 : memref<128xf32, #tpu.memory_space<vmem>>) offsets(%dma_start3A_1346 : memref<128xi32, #tpu.memory_space<vmem>>) semaphore(%arg11 : memref<!tpu.dma_semaphore, #tpu.memory_space<semaphore_mem>>)
    %add3A_1349 = arith.constant 640 : i32
    %add3A_1350 = vector.broadcast %add3A_1349 : i32 to vector<16xi32>
    %add3A_1351 = arith.addi %add3A_57, %add3A_1350 : vector<16xi32>
    %swap3A_1352 = arith.constant 2560 : index
    %swap3A_1353 = tpu.vector_load %arg7[%swap3A_1352] {strides = array<i32>} : memref<4096xi32, #tpu.memory_space<vmem>>, vector<16xi32>,
    tpu.vector_store %arg7[%swap3A_1352], %add3A_1351 {strides = array<i32>} : memref<4096xi32, #tpu.memory_space<vmem>>, vector<16xi32>,
    %add3A_1354 = arith.constant 640 : i32
    %add3A_1355 = vector.broadcast %add3A_1354 : i32 to vector<16xi32>
    %add3A_1356 = arith.addi %add3A_69, %add3A_1355 : vector<16xi32>
    %swap3A_1357 = arith.constant 2576 : index
    %swap3A_1358 = tpu.vector_load %arg7[%swap3A_1357] {strides = array<i32>} : memref<4096xi32, #tpu.memory_space<vmem>>, vector<16xi32>,
    tpu.vector_store %arg7[%swap3A_1357], %add3A_1356 {strides = array<i32>} : memref<4096xi32, #tpu.memory_space<vmem>>, vector<16xi32>,
    %add3A_1359 = arith.constant 640 : i32
    %add3A_1360 = vector.broadcast %add3A_1359 : i32 to vector<16xi32>
    %add3A_1361 = arith.addi %add3A_81, %add3A_1360 : vector<16xi32>
    %swap3A_1362 = arith.constant 2592 : index
    %swap3A_1363 = tpu.vector_load %arg7[%swap3A_1362] {strides = array<i32>} : memref<4096xi32, #tpu.memory_space<vmem>>, vector<16xi32>,
    tpu.vector_store %arg7[%swap3A_1362], %add3A_1361 {strides = array<i32>} : memref<4096xi32, #tpu.memory_space<vmem>>, vector<16xi32>,
    %add3A_1364 = arith.constant 640 : i32
    %add3A_1365 = vector.broadcast %add3A_1364 : i32 to vector<16xi32>
    %add3A_1366 = arith.addi %add3A_93, %add3A_1365 : vector<16xi32>
    %swap3A_1367 = arith.constant 2608 : index
    %swap3A_1368 = tpu.vector_load %arg7[%swap3A_1367] {strides = array<i32>} : memref<4096xi32, #tpu.memory_space<vmem>>, vector<16xi32>,
    tpu.vector_store %arg7[%swap3A_1367], %add3A_1366 {strides = array<i32>} : memref<4096xi32, #tpu.memory_space<vmem>>, vector<16xi32>,
    %add3A_1369 = arith.constant 640 : i32
    %add3A_1370 = vector.broadcast %add3A_1369 : i32 to vector<16xi32>
    %add3A_1371 = arith.addi %add3A_105, %add3A_1370 : vector<16xi32>
    %swap3A_1372 = arith.constant 2624 : index
    %swap3A_1373 = tpu.vector_load %arg7[%swap3A_1372] {strides = array<i32>} : memref<4096xi32, #tpu.memory_space<vmem>>, vector<16xi32>,
    tpu.vector_store %arg7[%swap3A_1372], %add3A_1371 {strides = array<i32>} : memref<4096xi32, #tpu.memory_space<vmem>>, vector<16xi32>,
    %add3A_1374 = arith.constant 640 : i32
    %add3A_1375 = vector.broadcast %add3A_1374 : i32 to vector<16xi32>
    %add3A_1376 = arith.addi %add3A_117, %add3A_1375 : vector<16xi32>
    %swap3A_1377 = arith.constant 2640 : index
    %swap3A_1378 = tpu.vector_load %arg7[%swap3A_1377] {strides = array<i32>} : memref<4096xi32, #tpu.memory_space<vmem>>, vector<16xi32>,
    tpu.vector_store %arg7[%swap3A_1377], %add3A_1376 {strides = array<i32>} : memref<4096xi32, #tpu.memory_space<vmem>>, vector<16xi32>,
    %add3A_1379 = arith.constant 640 : i32
    %add3A_1380 = vector.broadcast %add3A_1379 : i32 to vector<16xi32>
    %add3A_1381 = arith.addi %add3A_129, %add3A_1380 : vector<16xi32>
    %swap3A_1382 = arith.constant 2656 : index
    %swap3A_1383 = tpu.vector_load %arg7[%swap3A_1382] {strides = array<i32>} : memref<4096xi32, #tpu.memory_space<vmem>>, vector<16xi32>,
    tpu.vector_store %arg7[%swap3A_1382], %add3A_1381 {strides = array<i32>} : memref<4096xi32, #tpu.memory_space<vmem>>, vector<16xi32>,
    %add3A_1384 = arith.constant 640 : i32
    %add3A_1385 = vector.broadcast %add3A_1384 : i32 to vector<16xi32>
    %add3A_1386 = arith.addi %add3A_141, %add3A_1385 : vector<16xi32>
    %swap3A_1387 = arith.constant 2672 : index
    %swap3A_1388 = tpu.vector_load %arg7[%swap3A_1387] {strides = array<i32>} : memref<4096xi32, #tpu.memory_space<vmem>>, vector<16xi32>,
    tpu.vector_store %arg7[%swap3A_1387], %add3A_1386 {strides = array<i32>} : memref<4096xi32, #tpu.memory_space<vmem>>, vector<16xi32>,
    %dma_start3A_1389 = arith.constant 2560 : i32
    %dma_start3A_1390 = tpu.memref_slice %arg8[%dma_start3A_1389] : memref<4096xf32, #tpu.memory_space<vmem>> -> memref<128xf32, #tpu.memory_space<vmem>>
    %dma_start3A_1391 = arith.constant 2560 : i32
    %dma_start3A_1392 = tpu.memref_slice %arg7[%dma_start3A_1391] : memref<4096xi32, #tpu.memory_space<vmem>> -> memref<128xi32, #tpu.memory_space<vmem>>
    %dma_start3A_1393 = arith.constant 0 : i32
    %dma_start3A_1394 = tpu.memref_slice %arg4[%dma_start3A_1393] : memref<8000512xf32, #tpu.memory_space<hbm>> -> memref<8000512xf32, #tpu.memory_space<hbm>>
    tpu.enqueue_indirect_dma source(%dma_start3A_1394 : memref<8000512xf32, #tpu.memory_space<hbm>>) target(%dma_start3A_1390 : memref<128xf32, #tpu.memory_space<vmem>>) offsets(%dma_start3A_1392 : memref<128xi32, #tpu.memory_space<vmem>>) semaphore(%arg11 : memref<!tpu.dma_semaphore, #tpu.memory_space<semaphore_mem>>)
    %add3A_1395 = arith.constant 640 : i32
    %add3A_1396 = vector.broadcast %add3A_1395 : i32 to vector<16xi32>
    %add3A_1397 = arith.addi %add3A_153, %add3A_1396 : vector<16xi32>
    %swap3A_1398 = arith.constant 2688 : index
    %swap3A_1399 = tpu.vector_load %arg7[%swap3A_1398] {strides = array<i32>} : memref<4096xi32, #tpu.memory_space<vmem>>, vector<16xi32>,
    tpu.vector_store %arg7[%swap3A_1398], %add3A_1397 {strides = array<i32>} : memref<4096xi32, #tpu.memory_space<vmem>>, vector<16xi32>,
    %add3A_1400 = arith.constant 640 : i32
    %add3A_1401 = vector.broadcast %add3A_1400 : i32 to vector<16xi32>
    %add3A_1402 = arith.addi %add3A_165, %add3A_1401 : vector<16xi32>
    %swap3A_1403 = arith.constant 2704 : index
    %swap3A_1404 = tpu.vector_load %arg7[%swap3A_1403] {strides = array<i32>} : memref<4096xi32, #tpu.memory_space<vmem>>, vector<16xi32>,
    tpu.vector_store %arg7[%swap3A_1403], %add3A_1402 {strides = array<i32>} : memref<4096xi32, #tpu.memory_space<vmem>>, vector<16xi32>,
    %add3A_1405 = arith.constant 640 : i32
    %add3A_1406 = vector.broadcast %add3A_1405 : i32 to vector<16xi32>
    %add3A_1407 = arith.addi %add3A_177, %add3A_1406 : vector<16xi32>
    %swap3A_1408 = arith.constant 2720 : index
    %swap3A_1409 = tpu.vector_load %arg7[%swap3A_1408] {strides = array<i32>} : memref<4096xi32, #tpu.memory_space<vmem>>, vector<16xi32>,
    tpu.vector_store %arg7[%swap3A_1408], %add3A_1407 {strides = array<i32>} : memref<4096xi32, #tpu.memory_space<vmem>>, vector<16xi32>,
    %add3A_1410 = arith.constant 640 : i32
    %add3A_1411 = vector.broadcast %add3A_1410 : i32 to vector<16xi32>
    %add3A_1412 = arith.addi %add3A_189, %add3A_1411 : vector<16xi32>
    %swap3A_1413 = arith.constant 2736 : index
    %swap3A_1414 = tpu.vector_load %arg7[%swap3A_1413] {strides = array<i32>} : memref<4096xi32, #tpu.memory_space<vmem>>, vector<16xi32>,
    tpu.vector_store %arg7[%swap3A_1413], %add3A_1412 {strides = array<i32>} : memref<4096xi32, #tpu.memory_space<vmem>>, vector<16xi32>,
    %add3A_1415 = arith.constant 640 : i32
    %add3A_1416 = vector.broadcast %add3A_1415 : i32 to vector<16xi32>
    %add3A_1417 = arith.addi %add3A_201, %add3A_1416 : vector<16xi32>
    %swap3A_1418 = arith.constant 2752 : index
    %swap3A_1419 = tpu.vector_load %arg7[%swap3A_1418] {strides = array<i32>} : memref<4096xi32, #tpu.memory_space<vmem>>, vector<16xi32>,
    tpu.vector_store %arg7[%swap3A_1418], %add3A_1417 {strides = array<i32>} : memref<4096xi32, #tpu.memory_space<vmem>>, vector<16xi32>,
    %add3A_1420 = arith.constant 640 : i32
    %add3A_1421 = vector.broadcast %add3A_1420 : i32 to vector<16xi32>
    %add3A_1422 = arith.addi %add3A_213, %add3A_1421 : vector<16xi32>
    %swap3A_1423 = arith.constant 2768 : index
    %swap3A_1424 = tpu.vector_load %arg7[%swap3A_1423] {strides = array<i32>} : memref<4096xi32, #tpu.memory_space<vmem>>, vector<16xi32>,
    tpu.vector_store %arg7[%swap3A_1423], %add3A_1422 {strides = array<i32>} : memref<4096xi32, #tpu.memory_space<vmem>>, vector<16xi32>,
    %add3A_1425 = arith.constant 640 : i32
    %add3A_1426 = vector.broadcast %add3A_1425 : i32 to vector<16xi32>
    %add3A_1427 = arith.addi %add3A_225, %add3A_1426 : vector<16xi32>
    %swap3A_1428 = arith.constant 2784 : index
    %swap3A_1429 = tpu.vector_load %arg7[%swap3A_1428] {strides = array<i32>} : memref<4096xi32, #tpu.memory_space<vmem>>, vector<16xi32>,
    tpu.vector_store %arg7[%swap3A_1428], %add3A_1427 {strides = array<i32>} : memref<4096xi32, #tpu.memory_space<vmem>>, vector<16xi32>,
    %add3A_1430 = arith.constant 640 : i32
    %add3A_1431 = vector.broadcast %add3A_1430 : i32 to vector<16xi32>
    %add3A_1432 = arith.addi %add3A_237, %add3A_1431 : vector<16xi32>
    %swap3A_1433 = arith.constant 2800 : index
    %swap3A_1434 = tpu.vector_load %arg7[%swap3A_1433] {strides = array<i32>} : memref<4096xi32, #tpu.memory_space<vmem>>, vector<16xi32>,
    tpu.vector_store %arg7[%swap3A_1433], %add3A_1432 {strides = array<i32>} : memref<4096xi32, #tpu.memory_space<vmem>>, vector<16xi32>,
    %dma_start3A_1435 = arith.constant 2688 : i32
    %dma_start3A_1436 = tpu.memref_slice %arg8[%dma_start3A_1435] : memref<4096xf32, #tpu.memory_space<vmem>> -> memref<128xf32, #tpu.memory_space<vmem>>
    %dma_start3A_1437 = arith.constant 2688 : i32
    %dma_start3A_1438 = tpu.memref_slice %arg7[%dma_start3A_1437] : memref<4096xi32, #tpu.memory_space<vmem>> -> memref<128xi32, #tpu.memory_space<vmem>>
    %dma_start3A_1439 = arith.constant 0 : i32
    %dma_start3A_1440 = tpu.memref_slice %arg4[%dma_start3A_1439] : memref<8000512xf32, #tpu.memory_space<hbm>> -> memref<8000512xf32, #tpu.memory_space<hbm>>
    tpu.enqueue_indirect_dma source(%dma_start3A_1440 : memref<8000512xf32, #tpu.memory_space<hbm>>) target(%dma_start3A_1436 : memref<128xf32, #tpu.memory_space<vmem>>) offsets(%dma_start3A_1438 : memref<128xi32, #tpu.memory_space<vmem>>) semaphore(%arg11 : memref<!tpu.dma_semaphore, #tpu.memory_space<semaphore_mem>>)
    %add3A_1441 = arith.constant 640 : i32
    %add3A_1442 = vector.broadcast %add3A_1441 : i32 to vector<16xi32>
    %add3A_1443 = arith.addi %add3A_249, %add3A_1442 : vector<16xi32>
    %swap3A_1444 = arith.constant 2816 : index
    %swap3A_1445 = tpu.vector_load %arg7[%swap3A_1444] {strides = array<i32>} : memref<4096xi32, #tpu.memory_space<vmem>>, vector<16xi32>,
    tpu.vector_store %arg7[%swap3A_1444], %add3A_1443 {strides = array<i32>} : memref<4096xi32, #tpu.memory_space<vmem>>, vector<16xi32>,
    %add3A_1446 = arith.constant 640 : i32
    %add3A_1447 = vector.broadcast %add3A_1446 : i32 to vector<16xi32>
    %add3A_1448 = arith.addi %add3A_261, %add3A_1447 : vector<16xi32>
    %swap3A_1449 = arith.constant 2832 : index
    %swap3A_1450 = tpu.vector_load %arg7[%swap3A_1449] {strides = array<i32>} : memref<4096xi32, #tpu.memory_space<vmem>>, vector<16xi32>,
    tpu.vector_store %arg7[%swap3A_1449], %add3A_1448 {strides = array<i32>} : memref<4096xi32, #tpu.memory_space<vmem>>, vector<16xi32>,
    %add3A_1451 = arith.constant 640 : i32
    %add3A_1452 = vector.broadcast %add3A_1451 : i32 to vector<16xi32>
    %add3A_1453 = arith.addi %add3A_273, %add3A_1452 : vector<16xi32>
    %swap3A_1454 = arith.constant 2848 : index
    %swap3A_1455 = tpu.vector_load %arg7[%swap3A_1454] {strides = array<i32>} : memref<4096xi32, #tpu.memory_space<vmem>>, vector<16xi32>,
    tpu.vector_store %arg7[%swap3A_1454], %add3A_1453 {strides = array<i32>} : memref<4096xi32, #tpu.memory_space<vmem>>, vector<16xi32>,
    %add3A_1456 = arith.constant 640 : i32
    %add3A_1457 = vector.broadcast %add3A_1456 : i32 to vector<16xi32>
    %add3A_1458 = arith.addi %add3A_285, %add3A_1457 : vector<16xi32>
    %swap3A_1459 = arith.constant 2864 : index
    %swap3A_1460 = tpu.vector_load %arg7[%swap3A_1459] {strides = array<i32>} : memref<4096xi32, #tpu.memory_space<vmem>>, vector<16xi32>,
    tpu.vector_store %arg7[%swap3A_1459], %add3A_1458 {strides = array<i32>} : memref<4096xi32, #tpu.memory_space<vmem>>, vector<16xi32>,
    %add3A_1461 = arith.constant 640 : i32
    %add3A_1462 = vector.broadcast %add3A_1461 : i32 to vector<16xi32>
    %add3A_1463 = arith.addi %add3A_297, %add3A_1462 : vector<16xi32>
    %swap3A_1464 = arith.constant 2880 : index
    %swap3A_1465 = tpu.vector_load %arg7[%swap3A_1464] {strides = array<i32>} : memref<4096xi32, #tpu.memory_space<vmem>>, vector<16xi32>,
    tpu.vector_store %arg7[%swap3A_1464], %add3A_1463 {strides = array<i32>} : memref<4096xi32, #tpu.memory_space<vmem>>, vector<16xi32>,
    %add3A_1466 = arith.constant 640 : i32
    %add3A_1467 = vector.broadcast %add3A_1466 : i32 to vector<16xi32>
    %add3A_1468 = arith.addi %add3A_309, %add3A_1467 : vector<16xi32>
    %swap3A_1469 = arith.constant 2896 : index
    %swap3A_1470 = tpu.vector_load %arg7[%swap3A_1469] {strides = array<i32>} : memref<4096xi32, #tpu.memory_space<vmem>>, vector<16xi32>,
    tpu.vector_store %arg7[%swap3A_1469], %add3A_1468 {strides = array<i32>} : memref<4096xi32, #tpu.memory_space<vmem>>, vector<16xi32>,
    %add3A_1471 = arith.constant 640 : i32
    %add3A_1472 = vector.broadcast %add3A_1471 : i32 to vector<16xi32>
    %add3A_1473 = arith.addi %add3A_321, %add3A_1472 : vector<16xi32>
    %swap3A_1474 = arith.constant 2912 : index
    %swap3A_1475 = tpu.vector_load %arg7[%swap3A_1474] {strides = array<i32>} : memref<4096xi32, #tpu.memory_space<vmem>>, vector<16xi32>,
    tpu.vector_store %arg7[%swap3A_1474], %add3A_1473 {strides = array<i32>} : memref<4096xi32, #tpu.memory_space<vmem>>, vector<16xi32>,
    %add3A_1476 = arith.constant 640 : i32
    %add3A_1477 = vector.broadcast %add3A_1476 : i32 to vector<16xi32>
    %add3A_1478 = arith.addi %add3A_333, %add3A_1477 : vector<16xi32>
    %swap3A_1479 = arith.constant 2928 : index
    %swap3A_1480 = tpu.vector_load %arg7[%swap3A_1479] {strides = array<i32>} : memref<4096xi32, #tpu.memory_space<vmem>>, vector<16xi32>,
    tpu.vector_store %arg7[%swap3A_1479], %add3A_1478 {strides = array<i32>} : memref<4096xi32, #tpu.memory_space<vmem>>, vector<16xi32>,
    %dma_start3A_1481 = arith.constant 2816 : i32
    %dma_start3A_1482 = tpu.memref_slice %arg8[%dma_start3A_1481] : memref<4096xf32, #tpu.memory_space<vmem>> -> memref<128xf32, #tpu.memory_space<vmem>>
    %dma_start3A_1483 = arith.constant 2816 : i32
    %dma_start3A_1484 = tpu.memref_slice %arg7[%dma_start3A_1483] : memref<4096xi32, #tpu.memory_space<vmem>> -> memref<128xi32, #tpu.memory_space<vmem>>
    %dma_start3A_1485 = arith.constant 0 : i32
    %dma_start3A_1486 = tpu.memref_slice %arg4[%dma_start3A_1485] : memref<8000512xf32, #tpu.memory_space<hbm>> -> memref<8000512xf32, #tpu.memory_space<hbm>>
    tpu.enqueue_indirect_dma source(%dma_start3A_1486 : memref<8000512xf32, #tpu.memory_space<hbm>>) target(%dma_start3A_1482 : memref<128xf32, #tpu.memory_space<vmem>>) offsets(%dma_start3A_1484 : memref<128xi32, #tpu.memory_space<vmem>>) semaphore(%arg11 : memref<!tpu.dma_semaphore, #tpu.memory_space<semaphore_mem>>)
    %add3A_1487 = arith.constant 640 : i32
    %add3A_1488 = vector.broadcast %add3A_1487 : i32 to vector<16xi32>
    %add3A_1489 = arith.addi %add3A_345, %add3A_1488 : vector<16xi32>
    %swap3A_1490 = arith.constant 2944 : index
    %swap3A_1491 = tpu.vector_load %arg7[%swap3A_1490] {strides = array<i32>} : memref<4096xi32, #tpu.memory_space<vmem>>, vector<16xi32>,
    tpu.vector_store %arg7[%swap3A_1490], %add3A_1489 {strides = array<i32>} : memref<4096xi32, #tpu.memory_space<vmem>>, vector<16xi32>,
    %add3A_1492 = arith.constant 640 : i32
    %add3A_1493 = vector.broadcast %add3A_1492 : i32 to vector<16xi32>
    %add3A_1494 = arith.addi %add3A_357, %add3A_1493 : vector<16xi32>
    %swap3A_1495 = arith.constant 2960 : index
    %swap3A_1496 = tpu.vector_load %arg7[%swap3A_1495] {strides = array<i32>} : memref<4096xi32, #tpu.memory_space<vmem>>, vector<16xi32>,
    tpu.vector_store %arg7[%swap3A_1495], %add3A_1494 {strides = array<i32>} : memref<4096xi32, #tpu.memory_space<vmem>>, vector<16xi32>,
    %add3A_1497 = arith.constant 640 : i32
    %add3A_1498 = vector.broadcast %add3A_1497 : i32 to vector<16xi32>
    %add3A_1499 = arith.addi %add3A_369, %add3A_1498 : vector<16xi32>
    %swap3A_1500 = arith.constant 2976 : index
    %swap3A_1501 = tpu.vector_load %arg7[%swap3A_1500] {strides = array<i32>} : memref<4096xi32, #tpu.memory_space<vmem>>, vector<16xi32>,
    tpu.vector_store %arg7[%swap3A_1500], %add3A_1499 {strides = array<i32>} : memref<4096xi32, #tpu.memory_space<vmem>>, vector<16xi32>,
    %add3A_1502 = arith.constant 640 : i32
    %add3A_1503 = vector.broadcast %add3A_1502 : i32 to vector<16xi32>
    %add3A_1504 = arith.addi %add3A_381, %add3A_1503 : vector<16xi32>
    %swap3A_1505 = arith.constant 2992 : index
    %swap3A_1506 = tpu.vector_load %arg7[%swap3A_1505] {strides = array<i32>} : memref<4096xi32, #tpu.memory_space<vmem>>, vector<16xi32>,
    tpu.vector_store %arg7[%swap3A_1505], %add3A_1504 {strides = array<i32>} : memref<4096xi32, #tpu.memory_space<vmem>>, vector<16xi32>,
    %add3A_1507 = arith.constant 640 : i32
    %add3A_1508 = vector.broadcast %add3A_1507 : i32 to vector<16xi32>
    %add3A_1509 = arith.addi %add3A_393, %add3A_1508 : vector<16xi32>
    %swap3A_1510 = arith.constant 3008 : index
    %swap3A_1511 = tpu.vector_load %arg7[%swap3A_1510] {strides = array<i32>} : memref<4096xi32, #tpu.memory_space<vmem>>, vector<16xi32>,
    tpu.vector_store %arg7[%swap3A_1510], %add3A_1509 {strides = array<i32>} : memref<4096xi32, #tpu.memory_space<vmem>>, vector<16xi32>,
    %add3A_1512 = arith.constant 640 : i32
    %add3A_1513 = vector.broadcast %add3A_1512 : i32 to vector<16xi32>
    %add3A_1514 = arith.addi %add3A_405, %add3A_1513 : vector<16xi32>
    %swap3A_1515 = arith.constant 3024 : index
    %swap3A_1516 = tpu.vector_load %arg7[%swap3A_1515] {strides = array<i32>} : memref<4096xi32, #tpu.memory_space<vmem>>, vector<16xi32>,
    tpu.vector_store %arg7[%swap3A_1515], %add3A_1514 {strides = array<i32>} : memref<4096xi32, #tpu.memory_space<vmem>>, vector<16xi32>,
    %add3A_1517 = arith.constant 640 : i32
    %add3A_1518 = vector.broadcast %add3A_1517 : i32 to vector<16xi32>
    %add3A_1519 = arith.addi %add3A_417, %add3A_1518 : vector<16xi32>
    %swap3A_1520 = arith.constant 3040 : index
    %swap3A_1521 = tpu.vector_load %arg7[%swap3A_1520] {strides = array<i32>} : memref<4096xi32, #tpu.memory_space<vmem>>, vector<16xi32>,
    tpu.vector_store %arg7[%swap3A_1520], %add3A_1519 {strides = array<i32>} : memref<4096xi32, #tpu.memory_space<vmem>>, vector<16xi32>,
    %add3A_1522 = arith.constant 640 : i32
    %add3A_1523 = vector.broadcast %add3A_1522 : i32 to vector<16xi32>
    %add3A_1524 = arith.addi %add3A_429, %add3A_1523 : vector<16xi32>
    %swap3A_1525 = arith.constant 3056 : index
    %swap3A_1526 = tpu.vector_load %arg7[%swap3A_1525] {strides = array<i32>} : memref<4096xi32, #tpu.memory_space<vmem>>, vector<16xi32>,
    tpu.vector_store %arg7[%swap3A_1525], %add3A_1524 {strides = array<i32>} : memref<4096xi32, #tpu.memory_space<vmem>>, vector<16xi32>,
    %dma_start3A_1527 = arith.constant 2944 : i32
    %dma_start3A_1528 = tpu.memref_slice %arg8[%dma_start3A_1527] : memref<4096xf32, #tpu.memory_space<vmem>> -> memref<128xf32, #tpu.memory_space<vmem>>
    %dma_start3A_1529 = arith.constant 2944 : i32
    %dma_start3A_1530 = tpu.memref_slice %arg7[%dma_start3A_1529] : memref<4096xi32, #tpu.memory_space<vmem>> -> memref<128xi32, #tpu.memory_space<vmem>>
    %dma_start3A_1531 = arith.constant 0 : i32
    %dma_start3A_1532 = tpu.memref_slice %arg4[%dma_start3A_1531] : memref<8000512xf32, #tpu.memory_space<hbm>> -> memref<8000512xf32, #tpu.memory_space<hbm>>
    tpu.enqueue_indirect_dma source(%dma_start3A_1532 : memref<8000512xf32, #tpu.memory_space<hbm>>) target(%dma_start3A_1528 : memref<128xf32, #tpu.memory_space<vmem>>) offsets(%dma_start3A_1530 : memref<128xi32, #tpu.memory_space<vmem>>) semaphore(%arg11 : memref<!tpu.dma_semaphore, #tpu.memory_space<semaphore_mem>>)
    %add3A_1533 = arith.constant 768 : i32
    %add3A_1534 = vector.broadcast %add3A_1533 : i32 to vector<16xi32>
    %add3A_1535 = arith.addi %add3A_57, %add3A_1534 : vector<16xi32>
    %swap3A_1536 = arith.constant 3072 : index
    %swap3A_1537 = tpu.vector_load %arg7[%swap3A_1536] {strides = array<i32>} : memref<4096xi32, #tpu.memory_space<vmem>>, vector<16xi32>,
    tpu.vector_store %arg7[%swap3A_1536], %add3A_1535 {strides = array<i32>} : memref<4096xi32, #tpu.memory_space<vmem>>, vector<16xi32>,
    %add3A_1538 = arith.constant 768 : i32
    %add3A_1539 = vector.broadcast %add3A_1538 : i32 to vector<16xi32>
    %add3A_1540 = arith.addi %add3A_69, %add3A_1539 : vector<16xi32>
    %swap3A_1541 = arith.constant 3088 : index
    %swap3A_1542 = tpu.vector_load %arg7[%swap3A_1541] {strides = array<i32>} : memref<4096xi32, #tpu.memory_space<vmem>>, vector<16xi32>,
    tpu.vector_store %arg7[%swap3A_1541], %add3A_1540 {strides = array<i32>} : memref<4096xi32, #tpu.memory_space<vmem>>, vector<16xi32>,
    %add3A_1543 = arith.constant 768 : i32
    %add3A_1544 = vector.broadcast %add3A_1543 : i32 to vector<16xi32>
    %add3A_1545 = arith.addi %add3A_81, %add3A_1544 : vector<16xi32>
    %swap3A_1546 = arith.constant 3104 : index
    %swap3A_1547 = tpu.vector_load %arg7[%swap3A_1546] {strides = array<i32>} : memref<4096xi32, #tpu.memory_space<vmem>>, vector<16xi32>,
    tpu.vector_store %arg7[%swap3A_1546], %add3A_1545 {strides = array<i32>} : memref<4096xi32, #tpu.memory_space<vmem>>, vector<16xi32>,
    %add3A_1548 = arith.constant 768 : i32
    %add3A_1549 = vector.broadcast %add3A_1548 : i32 to vector<16xi32>
    %add3A_1550 = arith.addi %add3A_93, %add3A_1549 : vector<16xi32>
    %swap3A_1551 = arith.constant 3120 : index
    %swap3A_1552 = tpu.vector_load %arg7[%swap3A_1551] {strides = array<i32>} : memref<4096xi32, #tpu.memory_space<vmem>>, vector<16xi32>,
    tpu.vector_store %arg7[%swap3A_1551], %add3A_1550 {strides = array<i32>} : memref<4096xi32, #tpu.memory_space<vmem>>, vector<16xi32>,
    %add3A_1553 = arith.constant 768 : i32
    %add3A_1554 = vector.broadcast %add3A_1553 : i32 to vector<16xi32>
    %add3A_1555 = arith.addi %add3A_105, %add3A_1554 : vector<16xi32>
    %swap3A_1556 = arith.constant 3136 : index
    %swap3A_1557 = tpu.vector_load %arg7[%swap3A_1556] {strides = array<i32>} : memref<4096xi32, #tpu.memory_space<vmem>>, vector<16xi32>,
    tpu.vector_store %arg7[%swap3A_1556], %add3A_1555 {strides = array<i32>} : memref<4096xi32, #tpu.memory_space<vmem>>, vector<16xi32>,
    %add3A_1558 = arith.constant 768 : i32
    %add3A_1559 = vector.broadcast %add3A_1558 : i32 to vector<16xi32>
    %add3A_1560 = arith.addi %add3A_117, %add3A_1559 : vector<16xi32>
    %swap3A_1561 = arith.constant 3152 : index
    %swap3A_1562 = tpu.vector_load %arg7[%swap3A_1561] {strides = array<i32>} : memref<4096xi32, #tpu.memory_space<vmem>>, vector<16xi32>,
    tpu.vector_store %arg7[%swap3A_1561], %add3A_1560 {strides = array<i32>} : memref<4096xi32, #tpu.memory_space<vmem>>, vector<16xi32>,
    %add3A_1563 = arith.constant 768 : i32
    %add3A_1564 = vector.broadcast %add3A_1563 : i32 to vector<16xi32>
    %add3A_1565 = arith.addi %add3A_129, %add3A_1564 : vector<16xi32>
    %swap3A_1566 = arith.constant 3168 : index
    %swap3A_1567 = tpu.vector_load %arg7[%swap3A_1566] {strides = array<i32>} : memref<4096xi32, #tpu.memory_space<vmem>>, vector<16xi32>,
    tpu.vector_store %arg7[%swap3A_1566], %add3A_1565 {strides = array<i32>} : memref<4096xi32, #tpu.memory_space<vmem>>, vector<16xi32>,
    %add3A_1568 = arith.constant 768 : i32
    %add3A_1569 = vector.broadcast %add3A_1568 : i32 to vector<16xi32>
    %add3A_1570 = arith.addi %add3A_141, %add3A_1569 : vector<16xi32>
    %swap3A_1571 = arith.constant 3184 : index
    %swap3A_1572 = tpu.vector_load %arg7[%swap3A_1571] {strides = array<i32>} : memref<4096xi32, #tpu.memory_space<vmem>>, vector<16xi32>,
    tpu.vector_store %arg7[%swap3A_1571], %add3A_1570 {strides = array<i32>} : memref<4096xi32, #tpu.memory_space<vmem>>, vector<16xi32>,
    %dma_start3A_1573 = arith.constant 3072 : i32
    %dma_start3A_1574 = tpu.memref_slice %arg8[%dma_start3A_1573] : memref<4096xf32, #tpu.memory_space<vmem>> -> memref<128xf32, #tpu.memory_space<vmem>>
    %dma_start3A_1575 = arith.constant 3072 : i32
    %dma_start3A_1576 = tpu.memref_slice %arg7[%dma_start3A_1575] : memref<4096xi32, #tpu.memory_space<vmem>> -> memref<128xi32, #tpu.memory_space<vmem>>
    %dma_start3A_1577 = arith.constant 0 : i32
    %dma_start3A_1578 = tpu.memref_slice %arg4[%dma_start3A_1577] : memref<8000512xf32, #tpu.memory_space<hbm>> -> memref<8000512xf32, #tpu.memory_space<hbm>>
    tpu.enqueue_indirect_dma source(%dma_start3A_1578 : memref<8000512xf32, #tpu.memory_space<hbm>>) target(%dma_start3A_1574 : memref<128xf32, #tpu.memory_space<vmem>>) offsets(%dma_start3A_1576 : memref<128xi32, #tpu.memory_space<vmem>>) semaphore(%arg11 : memref<!tpu.dma_semaphore, #tpu.memory_space<semaphore_mem>>)
    %add3A_1579 = arith.constant 768 : i32
    %add3A_1580 = vector.broadcast %add3A_1579 : i32 to vector<16xi32>
    %add3A_1581 = arith.addi %add3A_153, %add3A_1580 : vector<16xi32>
    %swap3A_1582 = arith.constant 3200 : index
    %swap3A_1583 = tpu.vector_load %arg7[%swap3A_1582] {strides = array<i32>} : memref<4096xi32, #tpu.memory_space<vmem>>, vector<16xi32>,
    tpu.vector_store %arg7[%swap3A_1582], %add3A_1581 {strides = array<i32>} : memref<4096xi32, #tpu.memory_space<vmem>>, vector<16xi32>,
    %add3A_1584 = arith.constant 768 : i32
    %add3A_1585 = vector.broadcast %add3A_1584 : i32 to vector<16xi32>
    %add3A_1586 = arith.addi %add3A_165, %add3A_1585 : vector<16xi32>
    %swap3A_1587 = arith.constant 3216 : index
    %swap3A_1588 = tpu.vector_load %arg7[%swap3A_1587] {strides = array<i32>} : memref<4096xi32, #tpu.memory_space<vmem>>, vector<16xi32>,
    tpu.vector_store %arg7[%swap3A_1587], %add3A_1586 {strides = array<i32>} : memref<4096xi32, #tpu.memory_space<vmem>>, vector<16xi32>,
    %add3A_1589 = arith.constant 768 : i32
    %add3A_1590 = vector.broadcast %add3A_1589 : i32 to vector<16xi32>
    %add3A_1591 = arith.addi %add3A_177, %add3A_1590 : vector<16xi32>
    %swap3A_1592 = arith.constant 3232 : index
    %swap3A_1593 = tpu.vector_load %arg7[%swap3A_1592] {strides = array<i32>} : memref<4096xi32, #tpu.memory_space<vmem>>, vector<16xi32>,
    tpu.vector_store %arg7[%swap3A_1592], %add3A_1591 {strides = array<i32>} : memref<4096xi32, #tpu.memory_space<vmem>>, vector<16xi32>,
    %add3A_1594 = arith.constant 768 : i32
    %add3A_1595 = vector.broadcast %add3A_1594 : i32 to vector<16xi32>
    %add3A_1596 = arith.addi %add3A_189, %add3A_1595 : vector<16xi32>
    %swap3A_1597 = arith.constant 3248 : index
    %swap3A_1598 = tpu.vector_load %arg7[%swap3A_1597] {strides = array<i32>} : memref<4096xi32, #tpu.memory_space<vmem>>, vector<16xi32>,
    tpu.vector_store %arg7[%swap3A_1597], %add3A_1596 {strides = array<i32>} : memref<4096xi32, #tpu.memory_space<vmem>>, vector<16xi32>,
    %add3A_1599 = arith.constant 768 : i32
    %add3A_1600 = vector.broadcast %add3A_1599 : i32 to vector<16xi32>
    %add3A_1601 = arith.addi %add3A_201, %add3A_1600 : vector<16xi32>
    %swap3A_1602 = arith.constant 3264 : index
    %swap3A_1603 = tpu.vector_load %arg7[%swap3A_1602] {strides = array<i32>} : memref<4096xi32, #tpu.memory_space<vmem>>, vector<16xi32>,
    tpu.vector_store %arg7[%swap3A_1602], %add3A_1601 {strides = array<i32>} : memref<4096xi32, #tpu.memory_space<vmem>>, vector<16xi32>,
    %add3A_1604 = arith.constant 768 : i32
    %add3A_1605 = vector.broadcast %add3A_1604 : i32 to vector<16xi32>
    %add3A_1606 = arith.addi %add3A_213, %add3A_1605 : vector<16xi32>
    %swap3A_1607 = arith.constant 3280 : index
    %swap3A_1608 = tpu.vector_load %arg7[%swap3A_1607] {strides = array<i32>} : memref<4096xi32, #tpu.memory_space<vmem>>, vector<16xi32>,
    tpu.vector_store %arg7[%swap3A_1607], %add3A_1606 {strides = array<i32>} : memref<4096xi32, #tpu.memory_space<vmem>>, vector<16xi32>,
    %add3A_1609 = arith.constant 768 : i32
    %add3A_1610 = vector.broadcast %add3A_1609 : i32 to vector<16xi32>
    %add3A_1611 = arith.addi %add3A_225, %add3A_1610 : vector<16xi32>
    %swap3A_1612 = arith.constant 3296 : index
    %swap3A_1613 = tpu.vector_load %arg7[%swap3A_1612] {strides = array<i32>} : memref<4096xi32, #tpu.memory_space<vmem>>, vector<16xi32>,
    tpu.vector_store %arg7[%swap3A_1612], %add3A_1611 {strides = array<i32>} : memref<4096xi32, #tpu.memory_space<vmem>>, vector<16xi32>,
    %add3A_1614 = arith.constant 768 : i32
    %add3A_1615 = vector.broadcast %add3A_1614 : i32 to vector<16xi32>
    %add3A_1616 = arith.addi %add3A_237, %add3A_1615 : vector<16xi32>
    %swap3A_1617 = arith.constant 3312 : index
    %swap3A_1618 = tpu.vector_load %arg7[%swap3A_1617] {strides = array<i32>} : memref<4096xi32, #tpu.memory_space<vmem>>, vector<16xi32>,
    tpu.vector_store %arg7[%swap3A_1617], %add3A_1616 {strides = array<i32>} : memref<4096xi32, #tpu.memory_space<vmem>>, vector<16xi32>,
    %dma_start3A_1619 = arith.constant 3200 : i32
    %dma_start3A_1620 = tpu.memref_slice %arg8[%dma_start3A_1619] : memref<4096xf32, #tpu.memory_space<vmem>> -> memref<128xf32, #tpu.memory_space<vmem>>
    %dma_start3A_1621 = arith.constant 3200 : i32
    %dma_start3A_1622 = tpu.memref_slice %arg7[%dma_start3A_1621] : memref<4096xi32, #tpu.memory_space<vmem>> -> memref<128xi32, #tpu.memory_space<vmem>>
    %dma_start3A_1623 = arith.constant 0 : i32
    %dma_start3A_1624 = tpu.memref_slice %arg4[%dma_start3A_1623] : memref<8000512xf32, #tpu.memory_space<hbm>> -> memref<8000512xf32, #tpu.memory_space<hbm>>
    tpu.enqueue_indirect_dma source(%dma_start3A_1624 : memref<8000512xf32, #tpu.memory_space<hbm>>) target(%dma_start3A_1620 : memref<128xf32, #tpu.memory_space<vmem>>) offsets(%dma_start3A_1622 : memref<128xi32, #tpu.memory_space<vmem>>) semaphore(%arg11 : memref<!tpu.dma_semaphore, #tpu.memory_space<semaphore_mem>>)
    %add3A_1625 = arith.constant 768 : i32
    %add3A_1626 = vector.broadcast %add3A_1625 : i32 to vector<16xi32>
    %add3A_1627 = arith.addi %add3A_249, %add3A_1626 : vector<16xi32>
    %swap3A_1628 = arith.constant 3328 : index
    %swap3A_1629 = tpu.vector_load %arg7[%swap3A_1628] {strides = array<i32>} : memref<4096xi32, #tpu.memory_space<vmem>>, vector<16xi32>,
    tpu.vector_store %arg7[%swap3A_1628], %add3A_1627 {strides = array<i32>} : memref<4096xi32, #tpu.memory_space<vmem>>, vector<16xi32>,
    %add3A_1630 = arith.constant 768 : i32
    %add3A_1631 = vector.broadcast %add3A_1630 : i32 to vector<16xi32>
    %add3A_1632 = arith.addi %add3A_261, %add3A_1631 : vector<16xi32>
    %swap3A_1633 = arith.constant 3344 : index
    %swap3A_1634 = tpu.vector_load %arg7[%swap3A_1633] {strides = array<i32>} : memref<4096xi32, #tpu.memory_space<vmem>>, vector<16xi32>,
    tpu.vector_store %arg7[%swap3A_1633], %add3A_1632 {strides = array<i32>} : memref<4096xi32, #tpu.memory_space<vmem>>, vector<16xi32>,
    %add3A_1635 = arith.constant 768 : i32
    %add3A_1636 = vector.broadcast %add3A_1635 : i32 to vector<16xi32>
    %add3A_1637 = arith.addi %add3A_273, %add3A_1636 : vector<16xi32>
    %swap3A_1638 = arith.constant 3360 : index
    %swap3A_1639 = tpu.vector_load %arg7[%swap3A_1638] {strides = array<i32>} : memref<4096xi32, #tpu.memory_space<vmem>>, vector<16xi32>,
    tpu.vector_store %arg7[%swap3A_1638], %add3A_1637 {strides = array<i32>} : memref<4096xi32, #tpu.memory_space<vmem>>, vector<16xi32>,
    %add3A_1640 = arith.constant 768 : i32
    %add3A_1641 = vector.broadcast %add3A_1640 : i32 to vector<16xi32>
    %add3A_1642 = arith.addi %add3A_285, %add3A_1641 : vector<16xi32>
    %swap3A_1643 = arith.constant 3376 : index
    %swap3A_1644 = tpu.vector_load %arg7[%swap3A_1643] {strides = array<i32>} : memref<4096xi32, #tpu.memory_space<vmem>>, vector<16xi32>,
    tpu.vector_store %arg7[%swap3A_1643], %add3A_1642 {strides = array<i32>} : memref<4096xi32, #tpu.memory_space<vmem>>, vector<16xi32>,
    %add3A_1645 = arith.constant 768 : i32
    %add3A_1646 = vector.broadcast %add3A_1645 : i32 to vector<16xi32>
    %add3A_1647 = arith.addi %add3A_297, %add3A_1646 : vector<16xi32>
    %swap3A_1648 = arith.constant 3392 : index
    %swap3A_1649 = tpu.vector_load %arg7[%swap3A_1648] {strides = array<i32>} : memref<4096xi32, #tpu.memory_space<vmem>>, vector<16xi32>,
    tpu.vector_store %arg7[%swap3A_1648], %add3A_1647 {strides = array<i32>} : memref<4096xi32, #tpu.memory_space<vmem>>, vector<16xi32>,
    %add3A_1650 = arith.constant 768 : i32
    %add3A_1651 = vector.broadcast %add3A_1650 : i32 to vector<16xi32>
    %add3A_1652 = arith.addi %add3A_309, %add3A_1651 : vector<16xi32>
    %swap3A_1653 = arith.constant 3408 : index
    %swap3A_1654 = tpu.vector_load %arg7[%swap3A_1653] {strides = array<i32>} : memref<4096xi32, #tpu.memory_space<vmem>>, vector<16xi32>,
    tpu.vector_store %arg7[%swap3A_1653], %add3A_1652 {strides = array<i32>} : memref<4096xi32, #tpu.memory_space<vmem>>, vector<16xi32>,
    %add3A_1655 = arith.constant 768 : i32
    %add3A_1656 = vector.broadcast %add3A_1655 : i32 to vector<16xi32>
    %add3A_1657 = arith.addi %add3A_321, %add3A_1656 : vector<16xi32>
    %swap3A_1658 = arith.constant 3424 : index
    %swap3A_1659 = tpu.vector_load %arg7[%swap3A_1658] {strides = array<i32>} : memref<4096xi32, #tpu.memory_space<vmem>>, vector<16xi32>,
    tpu.vector_store %arg7[%swap3A_1658], %add3A_1657 {strides = array<i32>} : memref<4096xi32, #tpu.memory_space<vmem>>, vector<16xi32>,
    %add3A_1660 = arith.constant 768 : i32
    %add3A_1661 = vector.broadcast %add3A_1660 : i32 to vector<16xi32>
    %add3A_1662 = arith.addi %add3A_333, %add3A_1661 : vector<16xi32>
    %swap3A_1663 = arith.constant 3440 : index
    %swap3A_1664 = tpu.vector_load %arg7[%swap3A_1663] {strides = array<i32>} : memref<4096xi32, #tpu.memory_space<vmem>>, vector<16xi32>,
    tpu.vector_store %arg7[%swap3A_1663], %add3A_1662 {strides = array<i32>} : memref<4096xi32, #tpu.memory_space<vmem>>, vector<16xi32>,
    %dma_start3A_1665 = arith.constant 3328 : i32
    %dma_start3A_1666 = tpu.memref_slice %arg8[%dma_start3A_1665] : memref<4096xf32, #tpu.memory_space<vmem>> -> memref<128xf32, #tpu.memory_space<vmem>>
    %dma_start3A_1667 = arith.constant 3328 : i32
    %dma_start3A_1668 = tpu.memref_slice %arg7[%dma_start3A_1667] : memref<4096xi32, #tpu.memory_space<vmem>> -> memref<128xi32, #tpu.memory_space<vmem>>
    %dma_start3A_1669 = arith.constant 0 : i32
    %dma_start3A_1670 = tpu.memref_slice %arg4[%dma_start3A_1669] : memref<8000512xf32, #tpu.memory_space<hbm>> -> memref<8000512xf32, #tpu.memory_space<hbm>>
    tpu.enqueue_indirect_dma source(%dma_start3A_1670 : memref<8000512xf32, #tpu.memory_space<hbm>>) target(%dma_start3A_1666 : memref<128xf32, #tpu.memory_space<vmem>>) offsets(%dma_start3A_1668 : memref<128xi32, #tpu.memory_space<vmem>>) semaphore(%arg11 : memref<!tpu.dma_semaphore, #tpu.memory_space<semaphore_mem>>)
    %add3A_1671 = arith.constant 768 : i32
    %add3A_1672 = vector.broadcast %add3A_1671 : i32 to vector<16xi32>
    %add3A_1673 = arith.addi %add3A_345, %add3A_1672 : vector<16xi32>
    %swap3A_1674 = arith.constant 3456 : index
    %swap3A_1675 = tpu.vector_load %arg7[%swap3A_1674] {strides = array<i32>} : memref<4096xi32, #tpu.memory_space<vmem>>, vector<16xi32>,
    tpu.vector_store %arg7[%swap3A_1674], %add3A_1673 {strides = array<i32>} : memref<4096xi32, #tpu.memory_space<vmem>>, vector<16xi32>,
    %add3A_1676 = arith.constant 768 : i32
    %add3A_1677 = vector.broadcast %add3A_1676 : i32 to vector<16xi32>
    %add3A_1678 = arith.addi %add3A_357, %add3A_1677 : vector<16xi32>
    %swap3A_1679 = arith.constant 3472 : index
    %swap3A_1680 = tpu.vector_load %arg7[%swap3A_1679] {strides = array<i32>} : memref<4096xi32, #tpu.memory_space<vmem>>, vector<16xi32>,
    tpu.vector_store %arg7[%swap3A_1679], %add3A_1678 {strides = array<i32>} : memref<4096xi32, #tpu.memory_space<vmem>>, vector<16xi32>,
    %add3A_1681 = arith.constant 768 : i32
    %add3A_1682 = vector.broadcast %add3A_1681 : i32 to vector<16xi32>
    %add3A_1683 = arith.addi %add3A_369, %add3A_1682 : vector<16xi32>
    %swap3A_1684 = arith.constant 3488 : index
    %swap3A_1685 = tpu.vector_load %arg7[%swap3A_1684] {strides = array<i32>} : memref<4096xi32, #tpu.memory_space<vmem>>, vector<16xi32>,
    tpu.vector_store %arg7[%swap3A_1684], %add3A_1683 {strides = array<i32>} : memref<4096xi32, #tpu.memory_space<vmem>>, vector<16xi32>,
    %add3A_1686 = arith.constant 768 : i32
    %add3A_1687 = vector.broadcast %add3A_1686 : i32 to vector<16xi32>
    %add3A_1688 = arith.addi %add3A_381, %add3A_1687 : vector<16xi32>
    %swap3A_1689 = arith.constant 3504 : index
    %swap3A_1690 = tpu.vector_load %arg7[%swap3A_1689] {strides = array<i32>} : memref<4096xi32, #tpu.memory_space<vmem>>, vector<16xi32>,
    tpu.vector_store %arg7[%swap3A_1689], %add3A_1688 {strides = array<i32>} : memref<4096xi32, #tpu.memory_space<vmem>>, vector<16xi32>,
    %add3A_1691 = arith.constant 768 : i32
    %add3A_1692 = vector.broadcast %add3A_1691 : i32 to vector<16xi32>
    %add3A_1693 = arith.addi %add3A_393, %add3A_1692 : vector<16xi32>
    %swap3A_1694 = arith.constant 3520 : index
    %swap3A_1695 = tpu.vector_load %arg7[%swap3A_1694] {strides = array<i32>} : memref<4096xi32, #tpu.memory_space<vmem>>, vector<16xi32>,
    tpu.vector_store %arg7[%swap3A_1694], %add3A_1693 {strides = array<i32>} : memref<4096xi32, #tpu.memory_space<vmem>>, vector<16xi32>,
    %add3A_1696 = arith.constant 768 : i32
    %add3A_1697 = vector.broadcast %add3A_1696 : i32 to vector<16xi32>
    %add3A_1698 = arith.addi %add3A_405, %add3A_1697 : vector<16xi32>
    %swap3A_1699 = arith.constant 3536 : index
    %swap3A_1700 = tpu.vector_load %arg7[%swap3A_1699] {strides = array<i32>} : memref<4096xi32, #tpu.memory_space<vmem>>, vector<16xi32>,
    tpu.vector_store %arg7[%swap3A_1699], %add3A_1698 {strides = array<i32>} : memref<4096xi32, #tpu.memory_space<vmem>>, vector<16xi32>,
    %add3A_1701 = arith.constant 768 : i32
    %add3A_1702 = vector.broadcast %add3A_1701 : i32 to vector<16xi32>
    %add3A_1703 = arith.addi %add3A_417, %add3A_1702 : vector<16xi32>
    %swap3A_1704 = arith.constant 3552 : index
    %swap3A_1705 = tpu.vector_load %arg7[%swap3A_1704] {strides = array<i32>} : memref<4096xi32, #tpu.memory_space<vmem>>, vector<16xi32>,
    tpu.vector_store %arg7[%swap3A_1704], %add3A_1703 {strides = array<i32>} : memref<4096xi32, #tpu.memory_space<vmem>>, vector<16xi32>,
    %add3A_1706 = arith.constant 768 : i32
    %add3A_1707 = vector.broadcast %add3A_1706 : i32 to vector<16xi32>
    %add3A_1708 = arith.addi %add3A_429, %add3A_1707 : vector<16xi32>
    %swap3A_1709 = arith.constant 3568 : index
    %swap3A_1710 = tpu.vector_load %arg7[%swap3A_1709] {strides = array<i32>} : memref<4096xi32, #tpu.memory_space<vmem>>, vector<16xi32>,
    tpu.vector_store %arg7[%swap3A_1709], %add3A_1708 {strides = array<i32>} : memref<4096xi32, #tpu.memory_space<vmem>>, vector<16xi32>,
    %dma_start3A_1711 = arith.constant 3456 : i32
    %dma_start3A_1712 = tpu.memref_slice %arg8[%dma_start3A_1711] : memref<4096xf32, #tpu.memory_space<vmem>> -> memref<128xf32, #tpu.memory_space<vmem>>
    %dma_start3A_1713 = arith.constant 3456 : i32
    %dma_start3A_1714 = tpu.memref_slice %arg7[%dma_start3A_1713] : memref<4096xi32, #tpu.memory_space<vmem>> -> memref<128xi32, #tpu.memory_space<vmem>>
    %dma_start3A_1715 = arith.constant 0 : i32
    %dma_start3A_1716 = tpu.memref_slice %arg4[%dma_start3A_1715] : memref<8000512xf32, #tpu.memory_space<hbm>> -> memref<8000512xf32, #tpu.memory_space<hbm>>
    tpu.enqueue_indirect_dma source(%dma_start3A_1716 : memref<8000512xf32, #tpu.memory_space<hbm>>) target(%dma_start3A_1712 : memref<128xf32, #tpu.memory_space<vmem>>) offsets(%dma_start3A_1714 : memref<128xi32, #tpu.memory_space<vmem>>) semaphore(%arg11 : memref<!tpu.dma_semaphore, #tpu.memory_space<semaphore_mem>>)
    %add3A_1717 = arith.constant 896 : i32
    %add3A_1718 = vector.broadcast %add3A_1717 : i32 to vector<16xi32>
    %add3A_1719 = arith.addi %add3A_57, %add3A_1718 : vector<16xi32>
    %swap3A_1720 = arith.constant 3584 : index
    %swap3A_1721 = tpu.vector_load %arg7[%swap3A_1720] {strides = array<i32>} : memref<4096xi32, #tpu.memory_space<vmem>>, vector<16xi32>,
    tpu.vector_store %arg7[%swap3A_1720], %add3A_1719 {strides = array<i32>} : memref<4096xi32, #tpu.memory_space<vmem>>, vector<16xi32>,
    %add3A_1722 = arith.constant 896 : i32
    %add3A_1723 = vector.broadcast %add3A_1722 : i32 to vector<16xi32>
    %add3A_1724 = arith.addi %add3A_69, %add3A_1723 : vector<16xi32>
    %swap3A_1725 = arith.constant 3600 : index
    %swap3A_1726 = tpu.vector_load %arg7[%swap3A_1725] {strides = array<i32>} : memref<4096xi32, #tpu.memory_space<vmem>>, vector<16xi32>,
    tpu.vector_store %arg7[%swap3A_1725], %add3A_1724 {strides = array<i32>} : memref<4096xi32, #tpu.memory_space<vmem>>, vector<16xi32>,
    %add3A_1727 = arith.constant 896 : i32
    %add3A_1728 = vector.broadcast %add3A_1727 : i32 to vector<16xi32>
    %add3A_1729 = arith.addi %add3A_81, %add3A_1728 : vector<16xi32>
    %swap3A_1730 = arith.constant 3616 : index
    %swap3A_1731 = tpu.vector_load %arg7[%swap3A_1730] {strides = array<i32>} : memref<4096xi32, #tpu.memory_space<vmem>>, vector<16xi32>,
    tpu.vector_store %arg7[%swap3A_1730], %add3A_1729 {strides = array<i32>} : memref<4096xi32, #tpu.memory_space<vmem>>, vector<16xi32>,
    %add3A_1732 = arith.constant 896 : i32
    %add3A_1733 = vector.broadcast %add3A_1732 : i32 to vector<16xi32>
    %add3A_1734 = arith.addi %add3A_93, %add3A_1733 : vector<16xi32>
    %swap3A_1735 = arith.constant 3632 : index
    %swap3A_1736 = tpu.vector_load %arg7[%swap3A_1735] {strides = array<i32>} : memref<4096xi32, #tpu.memory_space<vmem>>, vector<16xi32>,
    tpu.vector_store %arg7[%swap3A_1735], %add3A_1734 {strides = array<i32>} : memref<4096xi32, #tpu.memory_space<vmem>>, vector<16xi32>,
    %add3A_1737 = arith.constant 896 : i32
    %add3A_1738 = vector.broadcast %add3A_1737 : i32 to vector<16xi32>
    %add3A_1739 = arith.addi %add3A_105, %add3A_1738 : vector<16xi32>
    %swap3A_1740 = arith.constant 3648 : index
    %swap3A_1741 = tpu.vector_load %arg7[%swap3A_1740] {strides = array<i32>} : memref<4096xi32, #tpu.memory_space<vmem>>, vector<16xi32>,
    tpu.vector_store %arg7[%swap3A_1740], %add3A_1739 {strides = array<i32>} : memref<4096xi32, #tpu.memory_space<vmem>>, vector<16xi32>,
    %add3A_1742 = arith.constant 896 : i32
    %add3A_1743 = vector.broadcast %add3A_1742 : i32 to vector<16xi32>
    %add3A_1744 = arith.addi %add3A_117, %add3A_1743 : vector<16xi32>
    %swap3A_1745 = arith.constant 3664 : index
    %swap3A_1746 = tpu.vector_load %arg7[%swap3A_1745] {strides = array<i32>} : memref<4096xi32, #tpu.memory_space<vmem>>, vector<16xi32>,
    tpu.vector_store %arg7[%swap3A_1745], %add3A_1744 {strides = array<i32>} : memref<4096xi32, #tpu.memory_space<vmem>>, vector<16xi32>,
    %add3A_1747 = arith.constant 896 : i32
    %add3A_1748 = vector.broadcast %add3A_1747 : i32 to vector<16xi32>
    %add3A_1749 = arith.addi %add3A_129, %add3A_1748 : vector<16xi32>
    %swap3A_1750 = arith.constant 3680 : index
    %swap3A_1751 = tpu.vector_load %arg7[%swap3A_1750] {strides = array<i32>} : memref<4096xi32, #tpu.memory_space<vmem>>, vector<16xi32>,
    tpu.vector_store %arg7[%swap3A_1750], %add3A_1749 {strides = array<i32>} : memref<4096xi32, #tpu.memory_space<vmem>>, vector<16xi32>,
    %add3A_1752 = arith.constant 896 : i32
    %add3A_1753 = vector.broadcast %add3A_1752 : i32 to vector<16xi32>
    %add3A_1754 = arith.addi %add3A_141, %add3A_1753 : vector<16xi32>
    %swap3A_1755 = arith.constant 3696 : index
    %swap3A_1756 = tpu.vector_load %arg7[%swap3A_1755] {strides = array<i32>} : memref<4096xi32, #tpu.memory_space<vmem>>, vector<16xi32>,
    tpu.vector_store %arg7[%swap3A_1755], %add3A_1754 {strides = array<i32>} : memref<4096xi32, #tpu.memory_space<vmem>>, vector<16xi32>,
    %dma_start3A_1757 = arith.constant 3584 : i32
    %dma_start3A_1758 = tpu.memref_slice %arg8[%dma_start3A_1757] : memref<4096xf32, #tpu.memory_space<vmem>> -> memref<128xf32, #tpu.memory_space<vmem>>
    %dma_start3A_1759 = arith.constant 3584 : i32
    %dma_start3A_1760 = tpu.memref_slice %arg7[%dma_start3A_1759] : memref<4096xi32, #tpu.memory_space<vmem>> -> memref<128xi32, #tpu.memory_space<vmem>>
    %dma_start3A_1761 = arith.constant 0 : i32
    %dma_start3A_1762 = tpu.memref_slice %arg4[%dma_start3A_1761] : memref<8000512xf32, #tpu.memory_space<hbm>> -> memref<8000512xf32, #tpu.memory_space<hbm>>
    tpu.enqueue_indirect_dma source(%dma_start3A_1762 : memref<8000512xf32, #tpu.memory_space<hbm>>) target(%dma_start3A_1758 : memref<128xf32, #tpu.memory_space<vmem>>) offsets(%dma_start3A_1760 : memref<128xi32, #tpu.memory_space<vmem>>) semaphore(%arg11 : memref<!tpu.dma_semaphore, #tpu.memory_space<semaphore_mem>>)
    %add3A_1763 = arith.constant 896 : i32
    %add3A_1764 = vector.broadcast %add3A_1763 : i32 to vector<16xi32>
    %add3A_1765 = arith.addi %add3A_153, %add3A_1764 : vector<16xi32>
    %swap3A_1766 = arith.constant 3712 : index
    %swap3A_1767 = tpu.vector_load %arg7[%swap3A_1766] {strides = array<i32>} : memref<4096xi32, #tpu.memory_space<vmem>>, vector<16xi32>,
    tpu.vector_store %arg7[%swap3A_1766], %add3A_1765 {strides = array<i32>} : memref<4096xi32, #tpu.memory_space<vmem>>, vector<16xi32>,
    %add3A_1768 = arith.constant 896 : i32
    %add3A_1769 = vector.broadcast %add3A_1768 : i32 to vector<16xi32>
    %add3A_1770 = arith.addi %add3A_165, %add3A_1769 : vector<16xi32>
    %swap3A_1771 = arith.constant 3728 : index
    %swap3A_1772 = tpu.vector_load %arg7[%swap3A_1771] {strides = array<i32>} : memref<4096xi32, #tpu.memory_space<vmem>>, vector<16xi32>,
    tpu.vector_store %arg7[%swap3A_1771], %add3A_1770 {strides = array<i32>} : memref<4096xi32, #tpu.memory_space<vmem>>, vector<16xi32>,
    %add3A_1773 = arith.constant 896 : i32
    %add3A_1774 = vector.broadcast %add3A_1773 : i32 to vector<16xi32>
    %add3A_1775 = arith.addi %add3A_177, %add3A_1774 : vector<16xi32>
    %swap3A_1776 = arith.constant 3744 : index
    %swap3A_1777 = tpu.vector_load %arg7[%swap3A_1776] {strides = array<i32>} : memref<4096xi32, #tpu.memory_space<vmem>>, vector<16xi32>,
    tpu.vector_store %arg7[%swap3A_1776], %add3A_1775 {strides = array<i32>} : memref<4096xi32, #tpu.memory_space<vmem>>, vector<16xi32>,
    %add3A_1778 = arith.constant 896 : i32
    %add3A_1779 = vector.broadcast %add3A_1778 : i32 to vector<16xi32>
    %add3A_1780 = arith.addi %add3A_189, %add3A_1779 : vector<16xi32>
    %swap3A_1781 = arith.constant 3760 : index
    %swap3A_1782 = tpu.vector_load %arg7[%swap3A_1781] {strides = array<i32>} : memref<4096xi32, #tpu.memory_space<vmem>>, vector<16xi32>,
    tpu.vector_store %arg7[%swap3A_1781], %add3A_1780 {strides = array<i32>} : memref<4096xi32, #tpu.memory_space<vmem>>, vector<16xi32>,
    %add3A_1783 = arith.constant 896 : i32
    %add3A_1784 = vector.broadcast %add3A_1783 : i32 to vector<16xi32>
    %add3A_1785 = arith.addi %add3A_201, %add3A_1784 : vector<16xi32>
    %swap3A_1786 = arith.constant 3776 : index
    %swap3A_1787 = tpu.vector_load %arg7[%swap3A_1786] {strides = array<i32>} : memref<4096xi32, #tpu.memory_space<vmem>>, vector<16xi32>,
    tpu.vector_store %arg7[%swap3A_1786], %add3A_1785 {strides = array<i32>} : memref<4096xi32, #tpu.memory_space<vmem>>, vector<16xi32>,
    %add3A_1788 = arith.constant 896 : i32
    %add3A_1789 = vector.broadcast %add3A_1788 : i32 to vector<16xi32>
    %add3A_1790 = arith.addi %add3A_213, %add3A_1789 : vector<16xi32>
    %swap3A_1791 = arith.constant 3792 : index
    %swap3A_1792 = tpu.vector_load %arg7[%swap3A_1791] {strides = array<i32>} : memref<4096xi32, #tpu.memory_space<vmem>>, vector<16xi32>,
    tpu.vector_store %arg7[%swap3A_1791], %add3A_1790 {strides = array<i32>} : memref<4096xi32, #tpu.memory_space<vmem>>, vector<16xi32>,
    %add3A_1793 = arith.constant 896 : i32
    %add3A_1794 = vector.broadcast %add3A_1793 : i32 to vector<16xi32>
    %add3A_1795 = arith.addi %add3A_225, %add3A_1794 : vector<16xi32>
    %swap3A_1796 = arith.constant 3808 : index
    %swap3A_1797 = tpu.vector_load %arg7[%swap3A_1796] {strides = array<i32>} : memref<4096xi32, #tpu.memory_space<vmem>>, vector<16xi32>,
    tpu.vector_store %arg7[%swap3A_1796], %add3A_1795 {strides = array<i32>} : memref<4096xi32, #tpu.memory_space<vmem>>, vector<16xi32>,
    %add3A_1798 = arith.constant 896 : i32
    %add3A_1799 = vector.broadcast %add3A_1798 : i32 to vector<16xi32>
    %add3A_1800 = arith.addi %add3A_237, %add3A_1799 : vector<16xi32>
    %swap3A_1801 = arith.constant 3824 : index
    %swap3A_1802 = tpu.vector_load %arg7[%swap3A_1801] {strides = array<i32>} : memref<4096xi32, #tpu.memory_space<vmem>>, vector<16xi32>,
    tpu.vector_store %arg7[%swap3A_1801], %add3A_1800 {strides = array<i32>} : memref<4096xi32, #tpu.memory_space<vmem>>, vector<16xi32>,
    %dma_start3A_1803 = arith.constant 3712 : i32
    %dma_start3A_1804 = tpu.memref_slice %arg8[%dma_start3A_1803] : memref<4096xf32, #tpu.memory_space<vmem>> -> memref<128xf32, #tpu.memory_space<vmem>>
    %dma_start3A_1805 = arith.constant 3712 : i32
    %dma_start3A_1806 = tpu.memref_slice %arg7[%dma_start3A_1805] : memref<4096xi32, #tpu.memory_space<vmem>> -> memref<128xi32, #tpu.memory_space<vmem>>
    %dma_start3A_1807 = arith.constant 0 : i32
    %dma_start3A_1808 = tpu.memref_slice %arg4[%dma_start3A_1807] : memref<8000512xf32, #tpu.memory_space<hbm>> -> memref<8000512xf32, #tpu.memory_space<hbm>>
    tpu.enqueue_indirect_dma source(%dma_start3A_1808 : memref<8000512xf32, #tpu.memory_space<hbm>>) target(%dma_start3A_1804 : memref<128xf32, #tpu.memory_space<vmem>>) offsets(%dma_start3A_1806 : memref<128xi32, #tpu.memory_space<vmem>>) semaphore(%arg11 : memref<!tpu.dma_semaphore, #tpu.memory_space<semaphore_mem>>)
    %add3A_1809 = arith.constant 896 : i32
    %add3A_1810 = vector.broadcast %add3A_1809 : i32 to vector<16xi32>
    %add3A_1811 = arith.addi %add3A_249, %add3A_1810 : vector<16xi32>
    %swap3A_1812 = arith.constant 3840 : index
    %swap3A_1813 = tpu.vector_load %arg7[%swap3A_1812] {strides = array<i32>} : memref<4096xi32, #tpu.memory_space<vmem>>, vector<16xi32>,
    tpu.vector_store %arg7[%swap3A_1812], %add3A_1811 {strides = array<i32>} : memref<4096xi32, #tpu.memory_space<vmem>>, vector<16xi32>,
    %add3A_1814 = arith.constant 896 : i32
    %add3A_1815 = vector.broadcast %add3A_1814 : i32 to vector<16xi32>
    %add3A_1816 = arith.addi %add3A_261, %add3A_1815 : vector<16xi32>
    %swap3A_1817 = arith.constant 3856 : index
    %swap3A_1818 = tpu.vector_load %arg7[%swap3A_1817] {strides = array<i32>} : memref<4096xi32, #tpu.memory_space<vmem>>, vector<16xi32>,
    tpu.vector_store %arg7[%swap3A_1817], %add3A_1816 {strides = array<i32>} : memref<4096xi32, #tpu.memory_space<vmem>>, vector<16xi32>,
    %add3A_1819 = arith.constant 896 : i32
    %add3A_1820 = vector.broadcast %add3A_1819 : i32 to vector<16xi32>
    %add3A_1821 = arith.addi %add3A_273, %add3A_1820 : vector<16xi32>
    %swap3A_1822 = arith.constant 3872 : index
    %swap3A_1823 = tpu.vector_load %arg7[%swap3A_1822] {strides = array<i32>} : memref<4096xi32, #tpu.memory_space<vmem>>, vector<16xi32>,
    tpu.vector_store %arg7[%swap3A_1822], %add3A_1821 {strides = array<i32>} : memref<4096xi32, #tpu.memory_space<vmem>>, vector<16xi32>,
    %add3A_1824 = arith.constant 896 : i32
    %add3A_1825 = vector.broadcast %add3A_1824 : i32 to vector<16xi32>
    %add3A_1826 = arith.addi %add3A_285, %add3A_1825 : vector<16xi32>
    %swap3A_1827 = arith.constant 3888 : index
    %swap3A_1828 = tpu.vector_load %arg7[%swap3A_1827] {strides = array<i32>} : memref<4096xi32, #tpu.memory_space<vmem>>, vector<16xi32>,
    tpu.vector_store %arg7[%swap3A_1827], %add3A_1826 {strides = array<i32>} : memref<4096xi32, #tpu.memory_space<vmem>>, vector<16xi32>,
    %add3A_1829 = arith.constant 896 : i32
    %add3A_1830 = vector.broadcast %add3A_1829 : i32 to vector<16xi32>
    %add3A_1831 = arith.addi %add3A_297, %add3A_1830 : vector<16xi32>
    %swap3A_1832 = arith.constant 3904 : index
    %swap3A_1833 = tpu.vector_load %arg7[%swap3A_1832] {strides = array<i32>} : memref<4096xi32, #tpu.memory_space<vmem>>, vector<16xi32>,
    tpu.vector_store %arg7[%swap3A_1832], %add3A_1831 {strides = array<i32>} : memref<4096xi32, #tpu.memory_space<vmem>>, vector<16xi32>,
    %add3A_1834 = arith.constant 896 : i32
    %add3A_1835 = vector.broadcast %add3A_1834 : i32 to vector<16xi32>
    %add3A_1836 = arith.addi %add3A_309, %add3A_1835 : vector<16xi32>
    %swap3A_1837 = arith.constant 3920 : index
    %swap3A_1838 = tpu.vector_load %arg7[%swap3A_1837] {strides = array<i32>} : memref<4096xi32, #tpu.memory_space<vmem>>, vector<16xi32>,
    tpu.vector_store %arg7[%swap3A_1837], %add3A_1836 {strides = array<i32>} : memref<4096xi32, #tpu.memory_space<vmem>>, vector<16xi32>,
    %add3A_1839 = arith.constant 896 : i32
    %add3A_1840 = vector.broadcast %add3A_1839 : i32 to vector<16xi32>
    %add3A_1841 = arith.addi %add3A_321, %add3A_1840 : vector<16xi32>
    %swap3A_1842 = arith.constant 3936 : index
    %swap3A_1843 = tpu.vector_load %arg7[%swap3A_1842] {strides = array<i32>} : memref<4096xi32, #tpu.memory_space<vmem>>, vector<16xi32>,
    tpu.vector_store %arg7[%swap3A_1842], %add3A_1841 {strides = array<i32>} : memref<4096xi32, #tpu.memory_space<vmem>>, vector<16xi32>,
    %add3A_1844 = arith.constant 896 : i32
    %add3A_1845 = vector.broadcast %add3A_1844 : i32 to vector<16xi32>
    %add3A_1846 = arith.addi %add3A_333, %add3A_1845 : vector<16xi32>
    %swap3A_1847 = arith.constant 3952 : index
    %swap3A_1848 = tpu.vector_load %arg7[%swap3A_1847] {strides = array<i32>} : memref<4096xi32, #tpu.memory_space<vmem>>, vector<16xi32>,
    tpu.vector_store %arg7[%swap3A_1847], %add3A_1846 {strides = array<i32>} : memref<4096xi32, #tpu.memory_space<vmem>>, vector<16xi32>,
    %dma_start3A_1849 = arith.constant 3840 : i32
    %dma_start3A_1850 = tpu.memref_slice %arg8[%dma_start3A_1849] : memref<4096xf32, #tpu.memory_space<vmem>> -> memref<128xf32, #tpu.memory_space<vmem>>
    %dma_start3A_1851 = arith.constant 3840 : i32
    %dma_start3A_1852 = tpu.memref_slice %arg7[%dma_start3A_1851] : memref<4096xi32, #tpu.memory_space<vmem>> -> memref<128xi32, #tpu.memory_space<vmem>>
    %dma_start3A_1853 = arith.constant 0 : i32
    %dma_start3A_1854 = tpu.memref_slice %arg4[%dma_start3A_1853] : memref<8000512xf32, #tpu.memory_space<hbm>> -> memref<8000512xf32, #tpu.memory_space<hbm>>
    tpu.enqueue_indirect_dma source(%dma_start3A_1854 : memref<8000512xf32, #tpu.memory_space<hbm>>) target(%dma_start3A_1850 : memref<128xf32, #tpu.memory_space<vmem>>) offsets(%dma_start3A_1852 : memref<128xi32, #tpu.memory_space<vmem>>) semaphore(%arg11 : memref<!tpu.dma_semaphore, #tpu.memory_space<semaphore_mem>>)
    %add3A_1855 = arith.constant 896 : i32
    %add3A_1856 = vector.broadcast %add3A_1855 : i32 to vector<16xi32>
    %add3A_1857 = arith.addi %add3A_345, %add3A_1856 : vector<16xi32>
    %swap3A_1858 = arith.constant 3968 : index
    %swap3A_1859 = tpu.vector_load %arg7[%swap3A_1858] {strides = array<i32>} : memref<4096xi32, #tpu.memory_space<vmem>>, vector<16xi32>,
    tpu.vector_store %arg7[%swap3A_1858], %add3A_1857 {strides = array<i32>} : memref<4096xi32, #tpu.memory_space<vmem>>, vector<16xi32>,
    %add3A_1860 = arith.constant 896 : i32
    %add3A_1861 = vector.broadcast %add3A_1860 : i32 to vector<16xi32>
    %add3A_1862 = arith.addi %add3A_357, %add3A_1861 : vector<16xi32>
    %swap3A_1863 = arith.constant 3984 : index
    %swap3A_1864 = tpu.vector_load %arg7[%swap3A_1863] {strides = array<i32>} : memref<4096xi32, #tpu.memory_space<vmem>>, vector<16xi32>,
    tpu.vector_store %arg7[%swap3A_1863], %add3A_1862 {strides = array<i32>} : memref<4096xi32, #tpu.memory_space<vmem>>, vector<16xi32>,
    %add3A_1865 = arith.constant 896 : i32
    %add3A_1866 = vector.broadcast %add3A_1865 : i32 to vector<16xi32>
    %add3A_1867 = arith.addi %add3A_369, %add3A_1866 : vector<16xi32>
    %swap3A_1868 = arith.constant 4000 : index
    %swap3A_1869 = tpu.vector_load %arg7[%swap3A_1868] {strides = array<i32>} : memref<4096xi32, #tpu.memory_space<vmem>>, vector<16xi32>,
    tpu.vector_store %arg7[%swap3A_1868], %add3A_1867 {strides = array<i32>} : memref<4096xi32, #tpu.memory_space<vmem>>, vector<16xi32>,
    %add3A_1870 = arith.constant 896 : i32
    %add3A_1871 = vector.broadcast %add3A_1870 : i32 to vector<16xi32>
    %add3A_1872 = arith.addi %add3A_381, %add3A_1871 : vector<16xi32>
    %swap3A_1873 = arith.constant 4016 : index
    %swap3A_1874 = tpu.vector_load %arg7[%swap3A_1873] {strides = array<i32>} : memref<4096xi32, #tpu.memory_space<vmem>>, vector<16xi32>,
    tpu.vector_store %arg7[%swap3A_1873], %add3A_1872 {strides = array<i32>} : memref<4096xi32, #tpu.memory_space<vmem>>, vector<16xi32>,
    %add3A_1875 = arith.constant 896 : i32
    %add3A_1876 = vector.broadcast %add3A_1875 : i32 to vector<16xi32>
    %add3A_1877 = arith.addi %add3A_393, %add3A_1876 : vector<16xi32>
    %swap3A_1878 = arith.constant 4032 : index
    %swap3A_1879 = tpu.vector_load %arg7[%swap3A_1878] {strides = array<i32>} : memref<4096xi32, #tpu.memory_space<vmem>>, vector<16xi32>,
    tpu.vector_store %arg7[%swap3A_1878], %add3A_1877 {strides = array<i32>} : memref<4096xi32, #tpu.memory_space<vmem>>, vector<16xi32>,
    %add3A_1880 = arith.constant 896 : i32
    %add3A_1881 = vector.broadcast %add3A_1880 : i32 to vector<16xi32>
    %add3A_1882 = arith.addi %add3A_405, %add3A_1881 : vector<16xi32>
    %swap3A_1883 = arith.constant 4048 : index
    %swap3A_1884 = tpu.vector_load %arg7[%swap3A_1883] {strides = array<i32>} : memref<4096xi32, #tpu.memory_space<vmem>>, vector<16xi32>,
    tpu.vector_store %arg7[%swap3A_1883], %add3A_1882 {strides = array<i32>} : memref<4096xi32, #tpu.memory_space<vmem>>, vector<16xi32>,
    %add3A_1885 = arith.constant 896 : i32
    %add3A_1886 = vector.broadcast %add3A_1885 : i32 to vector<16xi32>
    %add3A_1887 = arith.addi %add3A_417, %add3A_1886 : vector<16xi32>
    %swap3A_1888 = arith.constant 4064 : index
    %swap3A_1889 = tpu.vector_load %arg7[%swap3A_1888] {strides = array<i32>} : memref<4096xi32, #tpu.memory_space<vmem>>, vector<16xi32>,
    tpu.vector_store %arg7[%swap3A_1888], %add3A_1887 {strides = array<i32>} : memref<4096xi32, #tpu.memory_space<vmem>>, vector<16xi32>,
    %add3A_1890 = arith.constant 896 : i32
    %add3A_1891 = vector.broadcast %add3A_1890 : i32 to vector<16xi32>
    %add3A_1892 = arith.addi %add3A_429, %add3A_1891 : vector<16xi32>
    %swap3A_1893 = arith.constant 4080 : index
    %swap3A_1894 = tpu.vector_load %arg7[%swap3A_1893] {strides = array<i32>} : memref<4096xi32, #tpu.memory_space<vmem>>, vector<16xi32>,
    tpu.vector_store %arg7[%swap3A_1893], %add3A_1892 {strides = array<i32>} : memref<4096xi32, #tpu.memory_space<vmem>>, vector<16xi32>,
    %dma_start3A_1895 = arith.constant 3968 : i32
    %dma_start3A_1896 = tpu.memref_slice %arg8[%dma_start3A_1895] : memref<4096xf32, #tpu.memory_space<vmem>> -> memref<128xf32, #tpu.memory_space<vmem>>
    %dma_start3A_1897 = arith.constant 3968 : i32
    %dma_start3A_1898 = tpu.memref_slice %arg7[%dma_start3A_1897] : memref<4096xi32, #tpu.memory_space<vmem>> -> memref<128xi32, #tpu.memory_space<vmem>>
    %dma_start3A_1899 = arith.constant 0 : i32
    %dma_start3A_1900 = tpu.memref_slice %arg4[%dma_start3A_1899] : memref<8000512xf32, #tpu.memory_space<hbm>> -> memref<8000512xf32, #tpu.memory_space<hbm>>
    tpu.enqueue_indirect_dma source(%dma_start3A_1900 : memref<8000512xf32, #tpu.memory_space<hbm>>) target(%dma_start3A_1896 : memref<128xf32, #tpu.memory_space<vmem>>) offsets(%dma_start3A_1898 : memref<128xi32, #tpu.memory_space<vmem>>) semaphore(%arg11 : memref<!tpu.dma_semaphore, #tpu.memory_space<semaphore_mem>>)
    %dma_wait3A = arith.constant 0 : i32
    %dma_wait3A_1901 = tpu.memref_slice %arg9[%dma_wait3A] : memref<4096xf32, #tpu.memory_space<vmem>> -> memref<1024xf32, #tpu.memory_space<vmem>>
    %dma_wait3A_1902 = tpu.memref_slice %arg3[%mul3A_8] : memref<131072xf32, #tpu.memory_space<hbm>> -> memref<1024xf32, #tpu.memory_space<hbm>>
    %dma_wait3A_1903 = arith.constant 0 : i32
    %dma_wait3A_1904 = tpu.memref_slice %arg9[%dma_wait3A_1903] : memref<4096xf32, #tpu.memory_space<vmem>> -> memref<1024xf32, #tpu.memory_space<vmem>>
    %dma_wait3A_1905 = tpu.memref_slice %arg3[%mul3A_8] : memref<131072xf32, #tpu.memory_space<hbm>> -> memref<1024xf32, #tpu.memory_space<hbm>>
    tpu.wait_dma2 semaphore(%arg11 : memref<!tpu.dma_semaphore, #tpu.memory_space<semaphore_mem>>) src(%dma_wait3A_1905 : memref<1024xf32, #tpu.memory_space<hbm>>) dst(%dma_wait3A_1904 : memref<1024xf32, #tpu.memory_space<vmem>>)
    %dma_wait3A_1906 = arith.constant 1024 : i32
    %dma_wait3A_1907 = tpu.memref_slice %arg9[%dma_wait3A_1906] : memref<4096xf32, #tpu.memory_space<vmem>> -> memref<1024xf32, #tpu.memory_space<vmem>>
    %dma_wait3A_1908 = tpu.memref_slice %arg3[%mul3A_19] : memref<131072xf32, #tpu.memory_space<hbm>> -> memref<1024xf32, #tpu.memory_space<hbm>>
    %dma_wait3A_1909 = arith.constant 1024 : i32
    %dma_wait3A_1910 = tpu.memref_slice %arg9[%dma_wait3A_1909] : memref<4096xf32, #tpu.memory_space<vmem>> -> memref<1024xf32, #tpu.memory_space<vmem>>
    %dma_wait3A_1911 = tpu.memref_slice %arg3[%mul3A_19] : memref<131072xf32, #tpu.memory_space<hbm>> -> memref<1024xf32, #tpu.memory_space<hbm>>
    tpu.wait_dma2 semaphore(%arg11 : memref<!tpu.dma_semaphore, #tpu.memory_space<semaphore_mem>>) src(%dma_wait3A_1911 : memref<1024xf32, #tpu.memory_space<hbm>>) dst(%dma_wait3A_1910 : memref<1024xf32, #tpu.memory_space<vmem>>)
    %dma_wait3A_1912 = arith.constant 2048 : i32
    %dma_wait3A_1913 = tpu.memref_slice %arg9[%dma_wait3A_1912] : memref<4096xf32, #tpu.memory_space<vmem>> -> memref<1024xf32, #tpu.memory_space<vmem>>
    %dma_wait3A_1914 = tpu.memref_slice %arg3[%mul3A_31] : memref<131072xf32, #tpu.memory_space<hbm>> -> memref<1024xf32, #tpu.memory_space<hbm>>
    %dma_wait3A_1915 = arith.constant 2048 : i32
    %dma_wait3A_1916 = tpu.memref_slice %arg9[%dma_wait3A_1915] : memref<4096xf32, #tpu.memory_space<vmem>> -> memref<1024xf32, #tpu.memory_space<vmem>>
    %dma_wait3A_1917 = tpu.memref_slice %arg3[%mul3A_31] : memref<131072xf32, #tpu.memory_space<hbm>> -> memref<1024xf32, #tpu.memory_space<hbm>>
    tpu.wait_dma2 semaphore(%arg11 : memref<!tpu.dma_semaphore, #tpu.memory_space<semaphore_mem>>) src(%dma_wait3A_1917 : memref<1024xf32, #tpu.memory_space<hbm>>) dst(%dma_wait3A_1916 : memref<1024xf32, #tpu.memory_space<vmem>>)
    %dma_wait3A_1918 = arith.constant 3072 : i32
    %dma_wait3A_1919 = tpu.memref_slice %arg9[%dma_wait3A_1918] : memref<4096xf32, #tpu.memory_space<vmem>> -> memref<1024xf32, #tpu.memory_space<vmem>>
    %dma_wait3A_1920 = tpu.memref_slice %arg3[%mul3A_43] : memref<131072xf32, #tpu.memory_space<hbm>> -> memref<1024xf32, #tpu.memory_space<hbm>>
    %dma_wait3A_1921 = arith.constant 3072 : i32
    %dma_wait3A_1922 = tpu.memref_slice %arg9[%dma_wait3A_1921] : memref<4096xf32, #tpu.memory_space<vmem>> -> memref<1024xf32, #tpu.memory_space<vmem>>
    %dma_wait3A_1923 = tpu.memref_slice %arg3[%mul3A_43] : memref<131072xf32, #tpu.memory_space<hbm>> -> memref<1024xf32, #tpu.memory_space<hbm>>
    tpu.wait_dma2 semaphore(%arg11 : memref<!tpu.dma_semaphore, #tpu.memory_space<semaphore_mem>>) src(%dma_wait3A_1923 : memref<1024xf32, #tpu.memory_space<hbm>>) dst(%dma_wait3A_1922 : memref<1024xf32, #tpu.memory_space<vmem>>)
    %dma_wait3A_1924 = arith.constant 0 : i32
    %dma_wait3A_1925 = tpu.memref_slice %arg8[%dma_wait3A_1924] : memref<4096xf32, #tpu.memory_space<vmem>> -> memref<128xf32, #tpu.memory_space<vmem>>
    %dma_wait3A_1926 = arith.constant 0 : i32
    %dma_wait3A_1927 = tpu.memref_slice %arg7[%dma_wait3A_1926] : memref<4096xi32, #tpu.memory_space<vmem>> -> memref<128xi32, #tpu.memory_space<vmem>>
    %dma_wait3A_1928 = arith.constant 0 : i32
    %dma_wait3A_1929 = tpu.memref_slice %arg4[%dma_wait3A_1928] : memref<8000512xf32, #tpu.memory_space<hbm>> -> memref<8000512xf32, #tpu.memory_space<hbm>>
    tpu.wait_indirect_dma semaphore(%arg11 : memref<!tpu.dma_semaphore, #tpu.memory_space<semaphore_mem>>) src(%dma_wait3A_1929 : memref<8000512xf32, #tpu.memory_space<hbm>>) dst(%dma_wait3A_1925 : memref<128xf32, #tpu.memory_space<vmem>>)
    %dma_wait3A_1930 = arith.constant 128 : i32
    %dma_wait3A_1931 = tpu.memref_slice %arg8[%dma_wait3A_1930] : memref<4096xf32, #tpu.memory_space<vmem>> -> memref<128xf32, #tpu.memory_space<vmem>>
    %dma_wait3A_1932 = arith.constant 128 : i32
    %dma_wait3A_1933 = tpu.memref_slice %arg7[%dma_wait3A_1932] : memref<4096xi32, #tpu.memory_space<vmem>> -> memref<128xi32, #tpu.memory_space<vmem>>
    %dma_wait3A_1934 = arith.constant 0 : i32
    %dma_wait3A_1935 = tpu.memref_slice %arg4[%dma_wait3A_1934] : memref<8000512xf32, #tpu.memory_space<hbm>> -> memref<8000512xf32, #tpu.memory_space<hbm>>
    tpu.wait_indirect_dma semaphore(%arg11 : memref<!tpu.dma_semaphore, #tpu.memory_space<semaphore_mem>>) src(%dma_wait3A_1935 : memref<8000512xf32, #tpu.memory_space<hbm>>) dst(%dma_wait3A_1931 : memref<128xf32, #tpu.memory_space<vmem>>)
    %dma_wait3A_1936 = arith.constant 256 : i32
    %dma_wait3A_1937 = tpu.memref_slice %arg8[%dma_wait3A_1936] : memref<4096xf32, #tpu.memory_space<vmem>> -> memref<128xf32, #tpu.memory_space<vmem>>
    %dma_wait3A_1938 = arith.constant 256 : i32
    %dma_wait3A_1939 = tpu.memref_slice %arg7[%dma_wait3A_1938] : memref<4096xi32, #tpu.memory_space<vmem>> -> memref<128xi32, #tpu.memory_space<vmem>>
    %dma_wait3A_1940 = arith.constant 0 : i32
    %dma_wait3A_1941 = tpu.memref_slice %arg4[%dma_wait3A_1940] : memref<8000512xf32, #tpu.memory_space<hbm>> -> memref<8000512xf32, #tpu.memory_space<hbm>>
    tpu.wait_indirect_dma semaphore(%arg11 : memref<!tpu.dma_semaphore, #tpu.memory_space<semaphore_mem>>) src(%dma_wait3A_1941 : memref<8000512xf32, #tpu.memory_space<hbm>>) dst(%dma_wait3A_1937 : memref<128xf32, #tpu.memory_space<vmem>>)
    %dma_wait3A_1942 = arith.constant 384 : i32
    %dma_wait3A_1943 = tpu.memref_slice %arg8[%dma_wait3A_1942] : memref<4096xf32, #tpu.memory_space<vmem>> -> memref<128xf32, #tpu.memory_space<vmem>>
    %dma_wait3A_1944 = arith.constant 384 : i32
    %dma_wait3A_1945 = tpu.memref_slice %arg7[%dma_wait3A_1944] : memref<4096xi32, #tpu.memory_space<vmem>> -> memref<128xi32, #tpu.memory_space<vmem>>
    %dma_wait3A_1946 = arith.constant 0 : i32
    %dma_wait3A_1947 = tpu.memref_slice %arg4[%dma_wait3A_1946] : memref<8000512xf32, #tpu.memory_space<hbm>> -> memref<8000512xf32, #tpu.memory_space<hbm>>
    tpu.wait_indirect_dma semaphore(%arg11 : memref<!tpu.dma_semaphore, #tpu.memory_space<semaphore_mem>>) src(%dma_wait3A_1947 : memref<8000512xf32, #tpu.memory_space<hbm>>) dst(%dma_wait3A_1943 : memref<128xf32, #tpu.memory_space<vmem>>)
    %dma_wait3A_1948 = arith.constant 512 : i32
    %dma_wait3A_1949 = tpu.memref_slice %arg8[%dma_wait3A_1948] : memref<4096xf32, #tpu.memory_space<vmem>> -> memref<128xf32, #tpu.memory_space<vmem>>
    %dma_wait3A_1950 = arith.constant 512 : i32
    %dma_wait3A_1951 = tpu.memref_slice %arg7[%dma_wait3A_1950] : memref<4096xi32, #tpu.memory_space<vmem>> -> memref<128xi32, #tpu.memory_space<vmem>>
    %dma_wait3A_1952 = arith.constant 0 : i32
    %dma_wait3A_1953 = tpu.memref_slice %arg4[%dma_wait3A_1952] : memref<8000512xf32, #tpu.memory_space<hbm>> -> memref<8000512xf32, #tpu.memory_space<hbm>>
    tpu.wait_indirect_dma semaphore(%arg11 : memref<!tpu.dma_semaphore, #tpu.memory_space<semaphore_mem>>) src(%dma_wait3A_1953 : memref<8000512xf32, #tpu.memory_space<hbm>>) dst(%dma_wait3A_1949 : memref<128xf32, #tpu.memory_space<vmem>>)
    %dma_wait3A_1954 = arith.constant 640 : i32
    %dma_wait3A_1955 = tpu.memref_slice %arg8[%dma_wait3A_1954] : memref<4096xf32, #tpu.memory_space<vmem>> -> memref<128xf32, #tpu.memory_space<vmem>>
    %dma_wait3A_1956 = arith.constant 640 : i32
    %dma_wait3A_1957 = tpu.memref_slice %arg7[%dma_wait3A_1956] : memref<4096xi32, #tpu.memory_space<vmem>> -> memref<128xi32, #tpu.memory_space<vmem>>
    %dma_wait3A_1958 = arith.constant 0 : i32
    %dma_wait3A_1959 = tpu.memref_slice %arg4[%dma_wait3A_1958] : memref<8000512xf32, #tpu.memory_space<hbm>> -> memref<8000512xf32, #tpu.memory_space<hbm>>
    tpu.wait_indirect_dma semaphore(%arg11 : memref<!tpu.dma_semaphore, #tpu.memory_space<semaphore_mem>>) src(%dma_wait3A_1959 : memref<8000512xf32, #tpu.memory_space<hbm>>) dst(%dma_wait3A_1955 : memref<128xf32, #tpu.memory_space<vmem>>)
    %dma_wait3A_1960 = arith.constant 768 : i32
    %dma_wait3A_1961 = tpu.memref_slice %arg8[%dma_wait3A_1960] : memref<4096xf32, #tpu.memory_space<vmem>> -> memref<128xf32, #tpu.memory_space<vmem>>
    %dma_wait3A_1962 = arith.constant 768 : i32
    %dma_wait3A_1963 = tpu.memref_slice %arg7[%dma_wait3A_1962] : memref<4096xi32, #tpu.memory_space<vmem>> -> memref<128xi32, #tpu.memory_space<vmem>>
    %dma_wait3A_1964 = arith.constant 0 : i32
    %dma_wait3A_1965 = tpu.memref_slice %arg4[%dma_wait3A_1964] : memref<8000512xf32, #tpu.memory_space<hbm>> -> memref<8000512xf32, #tpu.memory_space<hbm>>
    tpu.wait_indirect_dma semaphore(%arg11 : memref<!tpu.dma_semaphore, #tpu.memory_space<semaphore_mem>>) src(%dma_wait3A_1965 : memref<8000512xf32, #tpu.memory_space<hbm>>) dst(%dma_wait3A_1961 : memref<128xf32, #tpu.memory_space<vmem>>)
    %dma_wait3A_1966 = arith.constant 896 : i32
    %dma_wait3A_1967 = tpu.memref_slice %arg8[%dma_wait3A_1966] : memref<4096xf32, #tpu.memory_space<vmem>> -> memref<128xf32, #tpu.memory_space<vmem>>
    %dma_wait3A_1968 = arith.constant 896 : i32
    %dma_wait3A_1969 = tpu.memref_slice %arg7[%dma_wait3A_1968] : memref<4096xi32, #tpu.memory_space<vmem>> -> memref<128xi32, #tpu.memory_space<vmem>>
    %dma_wait3A_1970 = arith.constant 0 : i32
    %dma_wait3A_1971 = tpu.memref_slice %arg4[%dma_wait3A_1970] : memref<8000512xf32, #tpu.memory_space<hbm>> -> memref<8000512xf32, #tpu.memory_space<hbm>>
    tpu.wait_indirect_dma semaphore(%arg11 : memref<!tpu.dma_semaphore, #tpu.memory_space<semaphore_mem>>) src(%dma_wait3A_1971 : memref<8000512xf32, #tpu.memory_space<hbm>>) dst(%dma_wait3A_1967 : memref<128xf32, #tpu.memory_space<vmem>>)
    %dma_wait3A_1972 = arith.constant 1024 : i32
    %dma_wait3A_1973 = tpu.memref_slice %arg8[%dma_wait3A_1972] : memref<4096xf32, #tpu.memory_space<vmem>> -> memref<128xf32, #tpu.memory_space<vmem>>
    %dma_wait3A_1974 = arith.constant 1024 : i32
    %dma_wait3A_1975 = tpu.memref_slice %arg7[%dma_wait3A_1974] : memref<4096xi32, #tpu.memory_space<vmem>> -> memref<128xi32, #tpu.memory_space<vmem>>
    %dma_wait3A_1976 = arith.constant 0 : i32
    %dma_wait3A_1977 = tpu.memref_slice %arg4[%dma_wait3A_1976] : memref<8000512xf32, #tpu.memory_space<hbm>> -> memref<8000512xf32, #tpu.memory_space<hbm>>
    tpu.wait_indirect_dma semaphore(%arg11 : memref<!tpu.dma_semaphore, #tpu.memory_space<semaphore_mem>>) src(%dma_wait3A_1977 : memref<8000512xf32, #tpu.memory_space<hbm>>) dst(%dma_wait3A_1973 : memref<128xf32, #tpu.memory_space<vmem>>)
    %dma_wait3A_1978 = arith.constant 1152 : i32
    %dma_wait3A_1979 = tpu.memref_slice %arg8[%dma_wait3A_1978] : memref<4096xf32, #tpu.memory_space<vmem>> -> memref<128xf32, #tpu.memory_space<vmem>>
    %dma_wait3A_1980 = arith.constant 1152 : i32
    %dma_wait3A_1981 = tpu.memref_slice %arg7[%dma_wait3A_1980] : memref<4096xi32, #tpu.memory_space<vmem>> -> memref<128xi32, #tpu.memory_space<vmem>>
    %dma_wait3A_1982 = arith.constant 0 : i32
    %dma_wait3A_1983 = tpu.memref_slice %arg4[%dma_wait3A_1982] : memref<8000512xf32, #tpu.memory_space<hbm>> -> memref<8000512xf32, #tpu.memory_space<hbm>>
    tpu.wait_indirect_dma semaphore(%arg11 : memref<!tpu.dma_semaphore, #tpu.memory_space<semaphore_mem>>) src(%dma_wait3A_1983 : memref<8000512xf32, #tpu.memory_space<hbm>>) dst(%dma_wait3A_1979 : memref<128xf32, #tpu.memory_space<vmem>>)
    %dma_wait3A_1984 = arith.constant 1280 : i32
    %dma_wait3A_1985 = tpu.memref_slice %arg8[%dma_wait3A_1984] : memref<4096xf32, #tpu.memory_space<vmem>> -> memref<128xf32, #tpu.memory_space<vmem>>
    %dma_wait3A_1986 = arith.constant 1280 : i32
    %dma_wait3A_1987 = tpu.memref_slice %arg7[%dma_wait3A_1986] : memref<4096xi32, #tpu.memory_space<vmem>> -> memref<128xi32, #tpu.memory_space<vmem>>
    %dma_wait3A_1988 = arith.constant 0 : i32
    %dma_wait3A_1989 = tpu.memref_slice %arg4[%dma_wait3A_1988] : memref<8000512xf32, #tpu.memory_space<hbm>> -> memref<8000512xf32, #tpu.memory_space<hbm>>
    tpu.wait_indirect_dma semaphore(%arg11 : memref<!tpu.dma_semaphore, #tpu.memory_space<semaphore_mem>>) src(%dma_wait3A_1989 : memref<8000512xf32, #tpu.memory_space<hbm>>) dst(%dma_wait3A_1985 : memref<128xf32, #tpu.memory_space<vmem>>)
    %dma_wait3A_1990 = arith.constant 1408 : i32
    %dma_wait3A_1991 = tpu.memref_slice %arg8[%dma_wait3A_1990] : memref<4096xf32, #tpu.memory_space<vmem>> -> memref<128xf32, #tpu.memory_space<vmem>>
    %dma_wait3A_1992 = arith.constant 1408 : i32
    %dma_wait3A_1993 = tpu.memref_slice %arg7[%dma_wait3A_1992] : memref<4096xi32, #tpu.memory_space<vmem>> -> memref<128xi32, #tpu.memory_space<vmem>>
    %dma_wait3A_1994 = arith.constant 0 : i32
    %dma_wait3A_1995 = tpu.memref_slice %arg4[%dma_wait3A_1994] : memref<8000512xf32, #tpu.memory_space<hbm>> -> memref<8000512xf32, #tpu.memory_space<hbm>>
    tpu.wait_indirect_dma semaphore(%arg11 : memref<!tpu.dma_semaphore, #tpu.memory_space<semaphore_mem>>) src(%dma_wait3A_1995 : memref<8000512xf32, #tpu.memory_space<hbm>>) dst(%dma_wait3A_1991 : memref<128xf32, #tpu.memory_space<vmem>>)
    %dma_wait3A_1996 = arith.constant 1536 : i32
    %dma_wait3A_1997 = tpu.memref_slice %arg8[%dma_wait3A_1996] : memref<4096xf32, #tpu.memory_space<vmem>> -> memref<128xf32, #tpu.memory_space<vmem>>
    %dma_wait3A_1998 = arith.constant 1536 : i32
    %dma_wait3A_1999 = tpu.memref_slice %arg7[%dma_wait3A_1998] : memref<4096xi32, #tpu.memory_space<vmem>> -> memref<128xi32, #tpu.memory_space<vmem>>
    %dma_wait3A_2000 = arith.constant 0 : i32
    %dma_wait3A_2001 = tpu.memref_slice %arg4[%dma_wait3A_2000] : memref<8000512xf32, #tpu.memory_space<hbm>> -> memref<8000512xf32, #tpu.memory_space<hbm>>
    tpu.wait_indirect_dma semaphore(%arg11 : memref<!tpu.dma_semaphore, #tpu.memory_space<semaphore_mem>>) src(%dma_wait3A_2001 : memref<8000512xf32, #tpu.memory_space<hbm>>) dst(%dma_wait3A_1997 : memref<128xf32, #tpu.memory_space<vmem>>)
    %dma_wait3A_2002 = arith.constant 1664 : i32
    %dma_wait3A_2003 = tpu.memref_slice %arg8[%dma_wait3A_2002] : memref<4096xf32, #tpu.memory_space<vmem>> -> memref<128xf32, #tpu.memory_space<vmem>>
    %dma_wait3A_2004 = arith.constant 1664 : i32
    %dma_wait3A_2005 = tpu.memref_slice %arg7[%dma_wait3A_2004] : memref<4096xi32, #tpu.memory_space<vmem>> -> memref<128xi32, #tpu.memory_space<vmem>>
    %dma_wait3A_2006 = arith.constant 0 : i32
    %dma_wait3A_2007 = tpu.memref_slice %arg4[%dma_wait3A_2006] : memref<8000512xf32, #tpu.memory_space<hbm>> -> memref<8000512xf32, #tpu.memory_space<hbm>>
    tpu.wait_indirect_dma semaphore(%arg11 : memref<!tpu.dma_semaphore, #tpu.memory_space<semaphore_mem>>) src(%dma_wait3A_2007 : memref<8000512xf32, #tpu.memory_space<hbm>>) dst(%dma_wait3A_2003 : memref<128xf32, #tpu.memory_space<vmem>>)
    %dma_wait3A_2008 = arith.constant 1792 : i32
    %dma_wait3A_2009 = tpu.memref_slice %arg8[%dma_wait3A_2008] : memref<4096xf32, #tpu.memory_space<vmem>> -> memref<128xf32, #tpu.memory_space<vmem>>
    %dma_wait3A_2010 = arith.constant 1792 : i32
    %dma_wait3A_2011 = tpu.memref_slice %arg7[%dma_wait3A_2010] : memref<4096xi32, #tpu.memory_space<vmem>> -> memref<128xi32, #tpu.memory_space<vmem>>
    %dma_wait3A_2012 = arith.constant 0 : i32
    %dma_wait3A_2013 = tpu.memref_slice %arg4[%dma_wait3A_2012] : memref<8000512xf32, #tpu.memory_space<hbm>> -> memref<8000512xf32, #tpu.memory_space<hbm>>
    tpu.wait_indirect_dma semaphore(%arg11 : memref<!tpu.dma_semaphore, #tpu.memory_space<semaphore_mem>>) src(%dma_wait3A_2013 : memref<8000512xf32, #tpu.memory_space<hbm>>) dst(%dma_wait3A_2009 : memref<128xf32, #tpu.memory_space<vmem>>)
    %dma_wait3A_2014 = arith.constant 1920 : i32
    %dma_wait3A_2015 = tpu.memref_slice %arg8[%dma_wait3A_2014] : memref<4096xf32, #tpu.memory_space<vmem>> -> memref<128xf32, #tpu.memory_space<vmem>>
    %dma_wait3A_2016 = arith.constant 1920 : i32
    %dma_wait3A_2017 = tpu.memref_slice %arg7[%dma_wait3A_2016] : memref<4096xi32, #tpu.memory_space<vmem>> -> memref<128xi32, #tpu.memory_space<vmem>>
    %dma_wait3A_2018 = arith.constant 0 : i32
    %dma_wait3A_2019 = tpu.memref_slice %arg4[%dma_wait3A_2018] : memref<8000512xf32, #tpu.memory_space<hbm>> -> memref<8000512xf32, #tpu.memory_space<hbm>>
    tpu.wait_indirect_dma semaphore(%arg11 : memref<!tpu.dma_semaphore, #tpu.memory_space<semaphore_mem>>) src(%dma_wait3A_2019 : memref<8000512xf32, #tpu.memory_space<hbm>>) dst(%dma_wait3A_2015 : memref<128xf32, #tpu.memory_space<vmem>>)
    %dma_wait3A_2020 = arith.constant 2048 : i32
    %dma_wait3A_2021 = tpu.memref_slice %arg8[%dma_wait3A_2020] : memref<4096xf32, #tpu.memory_space<vmem>> -> memref<128xf32, #tpu.memory_space<vmem>>
    %dma_wait3A_2022 = arith.constant 2048 : i32
    %dma_wait3A_2023 = tpu.memref_slice %arg7[%dma_wait3A_2022] : memref<4096xi32, #tpu.memory_space<vmem>> -> memref<128xi32, #tpu.memory_space<vmem>>
    %dma_wait3A_2024 = arith.constant 0 : i32
    %dma_wait3A_2025 = tpu.memref_slice %arg4[%dma_wait3A_2024] : memref<8000512xf32, #tpu.memory_space<hbm>> -> memref<8000512xf32, #tpu.memory_space<hbm>>
    tpu.wait_indirect_dma semaphore(%arg11 : memref<!tpu.dma_semaphore, #tpu.memory_space<semaphore_mem>>) src(%dma_wait3A_2025 : memref<8000512xf32, #tpu.memory_space<hbm>>) dst(%dma_wait3A_2021 : memref<128xf32, #tpu.memory_space<vmem>>)
    %dma_wait3A_2026 = arith.constant 2176 : i32
    %dma_wait3A_2027 = tpu.memref_slice %arg8[%dma_wait3A_2026] : memref<4096xf32, #tpu.memory_space<vmem>> -> memref<128xf32, #tpu.memory_space<vmem>>
    %dma_wait3A_2028 = arith.constant 2176 : i32
    %dma_wait3A_2029 = tpu.memref_slice %arg7[%dma_wait3A_2028] : memref<4096xi32, #tpu.memory_space<vmem>> -> memref<128xi32, #tpu.memory_space<vmem>>
    %dma_wait3A_2030 = arith.constant 0 : i32
    %dma_wait3A_2031 = tpu.memref_slice %arg4[%dma_wait3A_2030] : memref<8000512xf32, #tpu.memory_space<hbm>> -> memref<8000512xf32, #tpu.memory_space<hbm>>
    tpu.wait_indirect_dma semaphore(%arg11 : memref<!tpu.dma_semaphore, #tpu.memory_space<semaphore_mem>>) src(%dma_wait3A_2031 : memref<8000512xf32, #tpu.memory_space<hbm>>) dst(%dma_wait3A_2027 : memref<128xf32, #tpu.memory_space<vmem>>)
    %dma_wait3A_2032 = arith.constant 2304 : i32
    %dma_wait3A_2033 = tpu.memref_slice %arg8[%dma_wait3A_2032] : memref<4096xf32, #tpu.memory_space<vmem>> -> memref<128xf32, #tpu.memory_space<vmem>>
    %dma_wait3A_2034 = arith.constant 2304 : i32
    %dma_wait3A_2035 = tpu.memref_slice %arg7[%dma_wait3A_2034] : memref<4096xi32, #tpu.memory_space<vmem>> -> memref<128xi32, #tpu.memory_space<vmem>>
    %dma_wait3A_2036 = arith.constant 0 : i32
    %dma_wait3A_2037 = tpu.memref_slice %arg4[%dma_wait3A_2036] : memref<8000512xf32, #tpu.memory_space<hbm>> -> memref<8000512xf32, #tpu.memory_space<hbm>>
    tpu.wait_indirect_dma semaphore(%arg11 : memref<!tpu.dma_semaphore, #tpu.memory_space<semaphore_mem>>) src(%dma_wait3A_2037 : memref<8000512xf32, #tpu.memory_space<hbm>>) dst(%dma_wait3A_2033 : memref<128xf32, #tpu.memory_space<vmem>>)
    %dma_wait3A_2038 = arith.constant 2432 : i32
    %dma_wait3A_2039 = tpu.memref_slice %arg8[%dma_wait3A_2038] : memref<4096xf32, #tpu.memory_space<vmem>> -> memref<128xf32, #tpu.memory_space<vmem>>
    %dma_wait3A_2040 = arith.constant 2432 : i32
    %dma_wait3A_2041 = tpu.memref_slice %arg7[%dma_wait3A_2040] : memref<4096xi32, #tpu.memory_space<vmem>> -> memref<128xi32, #tpu.memory_space<vmem>>
    %dma_wait3A_2042 = arith.constant 0 : i32
    %dma_wait3A_2043 = tpu.memref_slice %arg4[%dma_wait3A_2042] : memref<8000512xf32, #tpu.memory_space<hbm>> -> memref<8000512xf32, #tpu.memory_space<hbm>>
    tpu.wait_indirect_dma semaphore(%arg11 : memref<!tpu.dma_semaphore, #tpu.memory_space<semaphore_mem>>) src(%dma_wait3A_2043 : memref<8000512xf32, #tpu.memory_space<hbm>>) dst(%dma_wait3A_2039 : memref<128xf32, #tpu.memory_space<vmem>>)
    %dma_wait3A_2044 = arith.constant 2560 : i32
    %dma_wait3A_2045 = tpu.memref_slice %arg8[%dma_wait3A_2044] : memref<4096xf32, #tpu.memory_space<vmem>> -> memref<128xf32, #tpu.memory_space<vmem>>
    %dma_wait3A_2046 = arith.constant 2560 : i32
    %dma_wait3A_2047 = tpu.memref_slice %arg7[%dma_wait3A_2046] : memref<4096xi32, #tpu.memory_space<vmem>> -> memref<128xi32, #tpu.memory_space<vmem>>
    %dma_wait3A_2048 = arith.constant 0 : i32
    %dma_wait3A_2049 = tpu.memref_slice %arg4[%dma_wait3A_2048] : memref<8000512xf32, #tpu.memory_space<hbm>> -> memref<8000512xf32, #tpu.memory_space<hbm>>
    tpu.wait_indirect_dma semaphore(%arg11 : memref<!tpu.dma_semaphore, #tpu.memory_space<semaphore_mem>>) src(%dma_wait3A_2049 : memref<8000512xf32, #tpu.memory_space<hbm>>) dst(%dma_wait3A_2045 : memref<128xf32, #tpu.memory_space<vmem>>)
    %dma_wait3A_2050 = arith.constant 2688 : i32
    %dma_wait3A_2051 = tpu.memref_slice %arg8[%dma_wait3A_2050] : memref<4096xf32, #tpu.memory_space<vmem>> -> memref<128xf32, #tpu.memory_space<vmem>>
    %dma_wait3A_2052 = arith.constant 2688 : i32
    %dma_wait3A_2053 = tpu.memref_slice %arg7[%dma_wait3A_2052] : memref<4096xi32, #tpu.memory_space<vmem>> -> memref<128xi32, #tpu.memory_space<vmem>>
    %dma_wait3A_2054 = arith.constant 0 : i32
    %dma_wait3A_2055 = tpu.memref_slice %arg4[%dma_wait3A_2054] : memref<8000512xf32, #tpu.memory_space<hbm>> -> memref<8000512xf32, #tpu.memory_space<hbm>>
    tpu.wait_indirect_dma semaphore(%arg11 : memref<!tpu.dma_semaphore, #tpu.memory_space<semaphore_mem>>) src(%dma_wait3A_2055 : memref<8000512xf32, #tpu.memory_space<hbm>>) dst(%dma_wait3A_2051 : memref<128xf32, #tpu.memory_space<vmem>>)
    %dma_wait3A_2056 = arith.constant 2816 : i32
    %dma_wait3A_2057 = tpu.memref_slice %arg8[%dma_wait3A_2056] : memref<4096xf32, #tpu.memory_space<vmem>> -> memref<128xf32, #tpu.memory_space<vmem>>
    %dma_wait3A_2058 = arith.constant 2816 : i32
    %dma_wait3A_2059 = tpu.memref_slice %arg7[%dma_wait3A_2058] : memref<4096xi32, #tpu.memory_space<vmem>> -> memref<128xi32, #tpu.memory_space<vmem>>
    %dma_wait3A_2060 = arith.constant 0 : i32
    %dma_wait3A_2061 = tpu.memref_slice %arg4[%dma_wait3A_2060] : memref<8000512xf32, #tpu.memory_space<hbm>> -> memref<8000512xf32, #tpu.memory_space<hbm>>
    tpu.wait_indirect_dma semaphore(%arg11 : memref<!tpu.dma_semaphore, #tpu.memory_space<semaphore_mem>>) src(%dma_wait3A_2061 : memref<8000512xf32, #tpu.memory_space<hbm>>) dst(%dma_wait3A_2057 : memref<128xf32, #tpu.memory_space<vmem>>)
    %dma_wait3A_2062 = arith.constant 2944 : i32
    %dma_wait3A_2063 = tpu.memref_slice %arg8[%dma_wait3A_2062] : memref<4096xf32, #tpu.memory_space<vmem>> -> memref<128xf32, #tpu.memory_space<vmem>>
    %dma_wait3A_2064 = arith.constant 2944 : i32
    %dma_wait3A_2065 = tpu.memref_slice %arg7[%dma_wait3A_2064] : memref<4096xi32, #tpu.memory_space<vmem>> -> memref<128xi32, #tpu.memory_space<vmem>>
    %dma_wait3A_2066 = arith.constant 0 : i32
    %dma_wait3A_2067 = tpu.memref_slice %arg4[%dma_wait3A_2066] : memref<8000512xf32, #tpu.memory_space<hbm>> -> memref<8000512xf32, #tpu.memory_space<hbm>>
    tpu.wait_indirect_dma semaphore(%arg11 : memref<!tpu.dma_semaphore, #tpu.memory_space<semaphore_mem>>) src(%dma_wait3A_2067 : memref<8000512xf32, #tpu.memory_space<hbm>>) dst(%dma_wait3A_2063 : memref<128xf32, #tpu.memory_space<vmem>>)
    %dma_wait3A_2068 = arith.constant 3072 : i32
    %dma_wait3A_2069 = tpu.memref_slice %arg8[%dma_wait3A_2068] : memref<4096xf32, #tpu.memory_space<vmem>> -> memref<128xf32, #tpu.memory_space<vmem>>
    %dma_wait3A_2070 = arith.constant 3072 : i32
    %dma_wait3A_2071 = tpu.memref_slice %arg7[%dma_wait3A_2070] : memref<4096xi32, #tpu.memory_space<vmem>> -> memref<128xi32, #tpu.memory_space<vmem>>
    %dma_wait3A_2072 = arith.constant 0 : i32
    %dma_wait3A_2073 = tpu.memref_slice %arg4[%dma_wait3A_2072] : memref<8000512xf32, #tpu.memory_space<hbm>> -> memref<8000512xf32, #tpu.memory_space<hbm>>
    tpu.wait_indirect_dma semaphore(%arg11 : memref<!tpu.dma_semaphore, #tpu.memory_space<semaphore_mem>>) src(%dma_wait3A_2073 : memref<8000512xf32, #tpu.memory_space<hbm>>) dst(%dma_wait3A_2069 : memref<128xf32, #tpu.memory_space<vmem>>)
    %dma_wait3A_2074 = arith.constant 3200 : i32
    %dma_wait3A_2075 = tpu.memref_slice %arg8[%dma_wait3A_2074] : memref<4096xf32, #tpu.memory_space<vmem>> -> memref<128xf32, #tpu.memory_space<vmem>>
    %dma_wait3A_2076 = arith.constant 3200 : i32
    %dma_wait3A_2077 = tpu.memref_slice %arg7[%dma_wait3A_2076] : memref<4096xi32, #tpu.memory_space<vmem>> -> memref<128xi32, #tpu.memory_space<vmem>>
    %dma_wait3A_2078 = arith.constant 0 : i32
    %dma_wait3A_2079 = tpu.memref_slice %arg4[%dma_wait3A_2078] : memref<8000512xf32, #tpu.memory_space<hbm>> -> memref<8000512xf32, #tpu.memory_space<hbm>>
    tpu.wait_indirect_dma semaphore(%arg11 : memref<!tpu.dma_semaphore, #tpu.memory_space<semaphore_mem>>) src(%dma_wait3A_2079 : memref<8000512xf32, #tpu.memory_space<hbm>>) dst(%dma_wait3A_2075 : memref<128xf32, #tpu.memory_space<vmem>>)
    %dma_wait3A_2080 = arith.constant 3328 : i32
    %dma_wait3A_2081 = tpu.memref_slice %arg8[%dma_wait3A_2080] : memref<4096xf32, #tpu.memory_space<vmem>> -> memref<128xf32, #tpu.memory_space<vmem>>
    %dma_wait3A_2082 = arith.constant 3328 : i32
    %dma_wait3A_2083 = tpu.memref_slice %arg7[%dma_wait3A_2082] : memref<4096xi32, #tpu.memory_space<vmem>> -> memref<128xi32, #tpu.memory_space<vmem>>
    %dma_wait3A_2084 = arith.constant 0 : i32
    %dma_wait3A_2085 = tpu.memref_slice %arg4[%dma_wait3A_2084] : memref<8000512xf32, #tpu.memory_space<hbm>> -> memref<8000512xf32, #tpu.memory_space<hbm>>
    tpu.wait_indirect_dma semaphore(%arg11 : memref<!tpu.dma_semaphore, #tpu.memory_space<semaphore_mem>>) src(%dma_wait3A_2085 : memref<8000512xf32, #tpu.memory_space<hbm>>) dst(%dma_wait3A_2081 : memref<128xf32, #tpu.memory_space<vmem>>)
    %dma_wait3A_2086 = arith.constant 3456 : i32
    %dma_wait3A_2087 = tpu.memref_slice %arg8[%dma_wait3A_2086] : memref<4096xf32, #tpu.memory_space<vmem>> -> memref<128xf32, #tpu.memory_space<vmem>>
    %dma_wait3A_2088 = arith.constant 3456 : i32
    %dma_wait3A_2089 = tpu.memref_slice %arg7[%dma_wait3A_2088] : memref<4096xi32, #tpu.memory_space<vmem>> -> memref<128xi32, #tpu.memory_space<vmem>>
    %dma_wait3A_2090 = arith.constant 0 : i32
    %dma_wait3A_2091 = tpu.memref_slice %arg4[%dma_wait3A_2090] : memref<8000512xf32, #tpu.memory_space<hbm>> -> memref<8000512xf32, #tpu.memory_space<hbm>>
    tpu.wait_indirect_dma semaphore(%arg11 : memref<!tpu.dma_semaphore, #tpu.memory_space<semaphore_mem>>) src(%dma_wait3A_2091 : memref<8000512xf32, #tpu.memory_space<hbm>>) dst(%dma_wait3A_2087 : memref<128xf32, #tpu.memory_space<vmem>>)
    %dma_wait3A_2092 = arith.constant 3584 : i32
    %dma_wait3A_2093 = tpu.memref_slice %arg8[%dma_wait3A_2092] : memref<4096xf32, #tpu.memory_space<vmem>> -> memref<128xf32, #tpu.memory_space<vmem>>
    %dma_wait3A_2094 = arith.constant 3584 : i32
    %dma_wait3A_2095 = tpu.memref_slice %arg7[%dma_wait3A_2094] : memref<4096xi32, #tpu.memory_space<vmem>> -> memref<128xi32, #tpu.memory_space<vmem>>
    %dma_wait3A_2096 = arith.constant 0 : i32
    %dma_wait3A_2097 = tpu.memref_slice %arg4[%dma_wait3A_2096] : memref<8000512xf32, #tpu.memory_space<hbm>> -> memref<8000512xf32, #tpu.memory_space<hbm>>
    tpu.wait_indirect_dma semaphore(%arg11 : memref<!tpu.dma_semaphore, #tpu.memory_space<semaphore_mem>>) src(%dma_wait3A_2097 : memref<8000512xf32, #tpu.memory_space<hbm>>) dst(%dma_wait3A_2093 : memref<128xf32, #tpu.memory_space<vmem>>)
    %dma_wait3A_2098 = arith.constant 3712 : i32
    %dma_wait3A_2099 = tpu.memref_slice %arg8[%dma_wait3A_2098] : memref<4096xf32, #tpu.memory_space<vmem>> -> memref<128xf32, #tpu.memory_space<vmem>>
    %dma_wait3A_2100 = arith.constant 3712 : i32
    %dma_wait3A_2101 = tpu.memref_slice %arg7[%dma_wait3A_2100] : memref<4096xi32, #tpu.memory_space<vmem>> -> memref<128xi32, #tpu.memory_space<vmem>>
    %dma_wait3A_2102 = arith.constant 0 : i32
    %dma_wait3A_2103 = tpu.memref_slice %arg4[%dma_wait3A_2102] : memref<8000512xf32, #tpu.memory_space<hbm>> -> memref<8000512xf32, #tpu.memory_space<hbm>>
    tpu.wait_indirect_dma semaphore(%arg11 : memref<!tpu.dma_semaphore, #tpu.memory_space<semaphore_mem>>) src(%dma_wait3A_2103 : memref<8000512xf32, #tpu.memory_space<hbm>>) dst(%dma_wait3A_2099 : memref<128xf32, #tpu.memory_space<vmem>>)
    %dma_wait3A_2104 = arith.constant 3840 : i32
    %dma_wait3A_2105 = tpu.memref_slice %arg8[%dma_wait3A_2104] : memref<4096xf32, #tpu.memory_space<vmem>> -> memref<128xf32, #tpu.memory_space<vmem>>
    %dma_wait3A_2106 = arith.constant 3840 : i32
    %dma_wait3A_2107 = tpu.memref_slice %arg7[%dma_wait3A_2106] : memref<4096xi32, #tpu.memory_space<vmem>> -> memref<128xi32, #tpu.memory_space<vmem>>
    %dma_wait3A_2108 = arith.constant 0 : i32
    %dma_wait3A_2109 = tpu.memref_slice %arg4[%dma_wait3A_2108] : memref<8000512xf32, #tpu.memory_space<hbm>> -> memref<8000512xf32, #tpu.memory_space<hbm>>
    tpu.wait_indirect_dma semaphore(%arg11 : memref<!tpu.dma_semaphore, #tpu.memory_space<semaphore_mem>>) src(%dma_wait3A_2109 : memref<8000512xf32, #tpu.memory_space<hbm>>) dst(%dma_wait3A_2105 : memref<128xf32, #tpu.memory_space<vmem>>)
    %dma_wait3A_2110 = arith.constant 3968 : i32
    %dma_wait3A_2111 = tpu.memref_slice %arg8[%dma_wait3A_2110] : memref<4096xf32, #tpu.memory_space<vmem>> -> memref<128xf32, #tpu.memory_space<vmem>>
    %dma_wait3A_2112 = arith.constant 3968 : i32
    %dma_wait3A_2113 = tpu.memref_slice %arg7[%dma_wait3A_2112] : memref<4096xi32, #tpu.memory_space<vmem>> -> memref<128xi32, #tpu.memory_space<vmem>>
    %dma_wait3A_2114 = arith.constant 0 : i32
    %dma_wait3A_2115 = tpu.memref_slice %arg4[%dma_wait3A_2114] : memref<8000512xf32, #tpu.memory_space<hbm>> -> memref<8000512xf32, #tpu.memory_space<hbm>>
    tpu.wait_indirect_dma semaphore(%arg11 : memref<!tpu.dma_semaphore, #tpu.memory_space<semaphore_mem>>) src(%dma_wait3A_2115 : memref<8000512xf32, #tpu.memory_space<hbm>>) dst(%dma_wait3A_2111 : memref<128xf32, #tpu.memory_space<vmem>>)
    %scan3A = arith.constant 0 : i32
    %scan3A_2116 = arith.constant 0 : i32
    %scan3A_2117 = arith.constant 32 : i32
    %scan3A_2118 = arith.addi %scan3A_2116, %scan3A_2117 : i32
    %scan3A_2119 = arith.constant 1 : i32
    %scan3A_2120 = scf.for %scan3A_2122 = %scan3A_2116 to %scan3A_2118 step %scan3A_2119 iter_args(%scan3A_2123 = %scan3A) -> (i32)  : i32 {
      %mul3A_2124 = arith.constant 16 : i32
      %mul3A_2125 = arith.muli %scan3A_2122, %mul3A_2124 : i32
      %div3A = arith.constant 8 : i32
      %div3A_2126 = arith.divsi %scan3A_2122, %div3A : i32
      %mul3A_2127 = arith.constant 1024 : i32
      %mul3A_2128 = arith.muli %div3A_2126, %mul3A_2127 : i32
      %rem3A = arith.constant 8 : i32
      %rem3A_2129 = arith.remsi %scan3A_2122, %rem3A : i32
      %mul3A_2130 = arith.constant 16 : i32
      %mul3A_2131 = arith.muli %rem3A_2129, %mul3A_2130 : i32
      %add3A_2132 = arith.addi %mul3A_2128, %mul3A_2131 : i32
      %broadcast_in_dim3A = arith.constant 0.000000e+00 : f32
      %broadcast_in_dim3A_2133 = vector.broadcast %broadcast_in_dim3A : f32 to vector<16xf32>
      %broadcast_in_dim3A_2134 = arith.constant 0.000000e+00 : f32
      %broadcast_in_dim3A_2135 = vector.broadcast %broadcast_in_dim3A_2134 : f32 to vector<16xf32>
      %add3A_2136 = arith.constant 0 : i32
      %add3A_2137 = arith.addi %add3A_2136, %mul3A_2125 : i32
      %get3A_2138 = arith.index_cast %add3A_2137 : i32 to index
      %get3A_2139 = tpu.vector_load %arg8[%get3A_2138] {strides = array<i32>} : memref<4096xf32, #tpu.memory_space<vmem>>, vector<16xf32>,
      %add3A_2140 = arith.constant 0 : i32
      %add3A_2141 = arith.addi %add3A_2132, %add3A_2140 : i32
      %get3A_2142 = arith.index_cast %add3A_2141 : i32 to index
      %get3A_2143 = tpu.vector_load %arg9[%get3A_2142] {strides = array<i32>} : memref<4096xf32, #tpu.memory_space<vmem>>, vector<16xf32>,
      %mul3A_2144 = arith.mulf %get3A_2139, %get3A_2143 : vector<16xf32>
      %add3A_2145 = arith.addf %broadcast_in_dim3A_2133, %mul3A_2144 : vector<16xf32>
      %abs3A = math.absf %get3A_2139 : vector<16xf32>
      %add3A_2146 = arith.addf %broadcast_in_dim3A_2135, %abs3A : vector<16xf32>
      %add3A_2147 = arith.constant 512 : i32
      %add3A_2148 = arith.addi %add3A_2147, %mul3A_2125 : i32
      %get3A_2149 = arith.index_cast %add3A_2148 : i32 to index
      %get3A_2150 = tpu.vector_load %arg8[%get3A_2149] {strides = array<i32>} : memref<4096xf32, #tpu.memory_space<vmem>>, vector<16xf32>,
      %add3A_2151 = arith.constant 128 : i32
      %add3A_2152 = arith.addi %add3A_2132, %add3A_2151 : i32
      %get3A_2153 = arith.index_cast %add3A_2152 : i32 to index
      %get3A_2154 = tpu.vector_load %arg9[%get3A_2153] {strides = array<i32>} : memref<4096xf32, #tpu.memory_space<vmem>>, vector<16xf32>,
      %mul3A_2155 = arith.mulf %get3A_2150, %get3A_2154 : vector<16xf32>
      %add3A_2156 = arith.addf %add3A_2145, %mul3A_2155 : vector<16xf32>
      %abs3A_2157 = math.absf %get3A_2150 : vector<16xf32>
      %add3A_2158 = arith.addf %add3A_2146, %abs3A_2157 : vector<16xf32>
      %add3A_2159 = arith.constant 1024 : i32
      %add3A_2160 = arith.addi %add3A_2159, %mul3A_2125 : i32
      %get3A_2161 = arith.index_cast %add3A_2160 : i32 to index
      %get3A_2162 = tpu.vector_load %arg8[%get3A_2161] {strides = array<i32>} : memref<4096xf32, #tpu.memory_space<vmem>>, vector<16xf32>,
      %add3A_2163 = arith.constant 256 : i32
      %add3A_2164 = arith.addi %add3A_2132, %add3A_2163 : i32
      %get3A_2165 = arith.index_cast %add3A_2164 : i32 to index
      %get3A_2166 = tpu.vector_load %arg9[%get3A_2165] {strides = array<i32>} : memref<4096xf32, #tpu.memory_space<vmem>>, vector<16xf32>,
      %mul3A_2167 = arith.mulf %get3A_2162, %get3A_2166 : vector<16xf32>
      %add3A_2168 = arith.addf %add3A_2156, %mul3A_2167 : vector<16xf32>
      %abs3A_2169 = math.absf %get3A_2162 : vector<16xf32>
      %add3A_2170 = arith.addf %add3A_2158, %abs3A_2169 : vector<16xf32>
      %add3A_2171 = arith.constant 1536 : i32
      %add3A_2172 = arith.addi %add3A_2171, %mul3A_2125 : i32
      %get3A_2173 = arith.index_cast %add3A_2172 : i32 to index
      %get3A_2174 = tpu.vector_load %arg8[%get3A_2173] {strides = array<i32>} : memref<4096xf32, #tpu.memory_space<vmem>>, vector<16xf32>,
      %add3A_2175 = arith.constant 384 : i32
      %add3A_2176 = arith.addi %add3A_2132, %add3A_2175 : i32
      %get3A_2177 = arith.index_cast %add3A_2176 : i32 to index
      %get3A_2178 = tpu.vector_load %arg9[%get3A_2177] {strides = array<i32>} : memref<4096xf32, #tpu.memory_space<vmem>>, vector<16xf32>,
      %mul3A_2179 = arith.mulf %get3A_2174, %get3A_2178 : vector<16xf32>
      %add3A_2180 = arith.addf %add3A_2168, %mul3A_2179 : vector<16xf32>
      %abs3A_2181 = math.absf %get3A_2174 : vector<16xf32>
      %add3A_2182 = arith.addf %add3A_2170, %abs3A_2181 : vector<16xf32>
      %add3A_2183 = arith.constant 2048 : i32
      %add3A_2184 = arith.addi %add3A_2183, %mul3A_2125 : i32
      %get3A_2185 = arith.index_cast %add3A_2184 : i32 to index
      %get3A_2186 = tpu.vector_load %arg8[%get3A_2185] {strides = array<i32>} : memref<4096xf32, #tpu.memory_space<vmem>>, vector<16xf32>,
      %add3A_2187 = arith.constant 512 : i32
      %add3A_2188 = arith.addi %add3A_2132, %add3A_2187 : i32
      %get3A_2189 = arith.index_cast %add3A_2188 : i32 to index
      %get3A_2190 = tpu.vector_load %arg9[%get3A_2189] {strides = array<i32>} : memref<4096xf32, #tpu.memory_space<vmem>>, vector<16xf32>,
      %mul3A_2191 = arith.mulf %get3A_2186, %get3A_2190 : vector<16xf32>
      %add3A_2192 = arith.addf %add3A_2180, %mul3A_2191 : vector<16xf32>
      %abs3A_2193 = math.absf %get3A_2186 : vector<16xf32>
      %add3A_2194 = arith.addf %add3A_2182, %abs3A_2193 : vector<16xf32>
      %add3A_2195 = arith.constant 2560 : i32
      %add3A_2196 = arith.addi %add3A_2195, %mul3A_2125 : i32
      %get3A_2197 = arith.index_cast %add3A_2196 : i32 to index
      %get3A_2198 = tpu.vector_load %arg8[%get3A_2197] {strides = array<i32>} : memref<4096xf32, #tpu.memory_space<vmem>>, vector<16xf32>,
      %add3A_2199 = arith.constant 640 : i32
      %add3A_2200 = arith.addi %add3A_2132, %add3A_2199 : i32
      %get3A_2201 = arith.index_cast %add3A_2200 : i32 to index
      %get3A_2202 = tpu.vector_load %arg9[%get3A_2201] {strides = array<i32>} : memref<4096xf32, #tpu.memory_space<vmem>>, vector<16xf32>,
      %mul3A_2203 = arith.mulf %get3A_2198, %get3A_2202 : vector<16xf32>
      %add3A_2204 = arith.addf %add3A_2192, %mul3A_2203 : vector<16xf32>
      %abs3A_2205 = math.absf %get3A_2198 : vector<16xf32>
      %add3A_2206 = arith.addf %add3A_2194, %abs3A_2205 : vector<16xf32>
      %add3A_2207 = arith.constant 3072 : i32
      %add3A_2208 = arith.addi %add3A_2207, %mul3A_2125 : i32
      %get3A_2209 = arith.index_cast %add3A_2208 : i32 to index
      %get3A_2210 = tpu.vector_load %arg8[%get3A_2209] {strides = array<i32>} : memref<4096xf32, #tpu.memory_space<vmem>>, vector<16xf32>,
      %add3A_2211 = arith.constant 768 : i32
      %add3A_2212 = arith.addi %add3A_2132, %add3A_2211 : i32
      %get3A_2213 = arith.index_cast %add3A_2212 : i32 to index
      %get3A_2214 = tpu.vector_load %arg9[%get3A_2213] {strides = array<i32>} : memref<4096xf32, #tpu.memory_space<vmem>>, vector<16xf32>,
      %mul3A_2215 = arith.mulf %get3A_2210, %get3A_2214 : vector<16xf32>
      %add3A_2216 = arith.addf %add3A_2204, %mul3A_2215 : vector<16xf32>
      %abs3A_2217 = math.absf %get3A_2210 : vector<16xf32>
      %add3A_2218 = arith.addf %add3A_2206, %abs3A_2217 : vector<16xf32>
      %add3A_2219 = arith.constant 3584 : i32
      %add3A_2220 = arith.addi %add3A_2219, %mul3A_2125 : i32
      %get3A_2221 = arith.index_cast %add3A_2220 : i32 to index
      %get3A_2222 = tpu.vector_load %arg8[%get3A_2221] {strides = array<i32>} : memref<4096xf32, #tpu.memory_space<vmem>>, vector<16xf32>,
      %add3A_2223 = arith.constant 896 : i32
      %add3A_2224 = arith.addi %add3A_2132, %add3A_2223 : i32
      %get3A_2225 = arith.index_cast %add3A_2224 : i32 to index
      %get3A_2226 = tpu.vector_load %arg9[%get3A_2225] {strides = array<i32>} : memref<4096xf32, #tpu.memory_space<vmem>>, vector<16xf32>,
      %mul3A_2227 = arith.mulf %get3A_2222, %get3A_2226 : vector<16xf32>
      %add3A_2228 = arith.addf %add3A_2216, %mul3A_2227 : vector<16xf32>
      %abs3A_2229 = math.absf %get3A_2222 : vector<16xf32>
      %add3A_2230 = arith.addf %add3A_2218, %abs3A_2229 : vector<16xf32>
      %max3A = arith.constant 9.99999996E-13 : f32
      %max3A_2231 = vector.broadcast %max3A : f32 to vector<16xf32>
      %max3A_2232 = arith.maximumf %add3A_2230, %max3A_2231 : vector<16xf32>
      %div3A_2233 = arith.divf %add3A_2228, %max3A_2232 : vector<16xf32>
      %sub3A = arith.constant 1.000000e+00 : f32
      %sub3A_2234 = vector.broadcast %sub3A : f32 to vector<16xf32>
      %sub3A_2235 = arith.subf %div3A_2233, %sub3A_2234 : vector<16xf32>
      %div3A_2236 = arith.constant 4.000000e+00 : f32
      %div3A_2237 = vector.broadcast %div3A_2236 : f32 to vector<16xf32>
      %div3A_2238 = arith.divf %sub3A_2235, %div3A_2237 : vector<16xf32>
      %mul3A_2239 = arith.constant -4.000000e+00 : f32
      %mul3A_2240 = vector.broadcast %mul3A_2239 : f32 to vector<16xf32>
      %mul3A_2241 = arith.mulf %mul3A_2240, %div3A_2238 : vector<16xf32>
      %add3A_2242 = arith.constant 1.000000e+00 : f32
      %add3A_2243 = vector.broadcast %add3A_2242 : f32 to vector<16xf32>
      %add3A_2244 = arith.addf %add3A_2243, %mul3A_2241 : vector<16xf32>
      %swap3A_2245 = arith.index_cast %mul3A_2125 : i32 to index
      %swap3A_2246 = tpu.vector_load %arg10[%swap3A_2245] {strides = array<i32>} : memref<512xf32, #tpu.memory_space<vmem>>, vector<16xf32>,
      tpu.vector_store %arg10[%swap3A_2245], %add3A_2244 {strides = array<i32>} : memref<512xf32, #tpu.memory_space<vmem>>, vector<16xf32>,
      %scan3A_2247 = arith.constant 0 : i32
      scf.yield %scan3A_2247 : i32
    }
    %scan3A_2121 = arith.constant 32 : i32
    "tpu.region"() ({
      %run_scoped3A = tpu.sem_alloc : memref<!tpu.dma_semaphore, #tpu.memory_space<semaphore_mem>>
      %dma_start3A_2122 = tpu.memref_slice %arg5[%mul3A_2] : memref<16384xf32, #tpu.memory_space<hbm>> -> memref<512xf32, #tpu.memory_space<hbm>>
      %dma_start3A_2123 = tpu.memref_slice %arg5[%mul3A_2] : memref<16384xf32, #tpu.memory_space<hbm>> -> memref<512xf32, #tpu.memory_space<hbm>>
      tpu.enqueue_dma source(%arg10 : memref<512xf32, #tpu.memory_space<vmem>>) target(%dma_start3A_2123 : memref<512xf32, #tpu.memory_space<hbm>>) target_semaphore(%run_scoped3A : memref<!tpu.dma_semaphore, #tpu.memory_space<semaphore_mem>>)
      %dma_wait3A_2124 = tpu.memref_slice %arg5[%mul3A_2] : memref<16384xf32, #tpu.memory_space<hbm>> -> memref<512xf32, #tpu.memory_space<hbm>>
      %dma_wait3A_2125 = tpu.memref_slice %arg5[%mul3A_2] : memref<16384xf32, #tpu.memory_space<hbm>> -> memref<512xf32, #tpu.memory_space<hbm>>
      tpu.wait_dma2 semaphore(%run_scoped3A : memref<!tpu.dma_semaphore, #tpu.memory_space<semaphore_mem>>) src(%arg10 : memref<512xf32, #tpu.memory_space<vmem>>) dst(%dma_wait3A_2125 : memref<512xf32, #tpu.memory_space<hbm>>)
      tpu.yield
    }) : () -> ()
    return
  }
}

</mosaic_0001>

<sc_bundles>
// kernel: kernel.3.cloned.1.call-start
scs
__scs_entry_jumppad:
0x0: {  	(pc) =	sbr.rel $0x88, $3  }
0x1: {  	(tag) =	ssettag $0x0;
	lr =	simm.s32 $0x1  }
0x2: {  	[smem:$0x3F9E] =	sst lr;
	_ =	strace $0xD0000000  }
0x3: {  	_ = 	snop  }
0x4: {  	_ = 	snop  }
0x5: {  	_ = 	snop  }
0x6: {  	_ = 	snop  }
0x7: {  	_ = 	snop  }
__scs_overlays_trampoline_lowered:
0x8: {  	[smem:$0x3FAD] =	sst s0  }
0x9: {  	[smem:$0x3FAE] =	sst s1  }
0xa: {  	[smem:$0x3FAF] =	sst s2  }
0xb: {  	[smem:$0x3FB0] =	sst s3  }
0xc: {  	[smem:$0x3FB1] =	sst s4  }
0xd: {  	[smem:$0x3FB2] =	sst s5  }
0xe: {  	[smem:$0x3FB3] =	sst s6  }
0xf: {  	[smem:$0x3FB4] =	sst s7  }
0x10: {  	[smem:$0x3FB5] =	sst s8  }
0x11: {  	[smem:$0x3FB6] =	sst s9;
	s0 =	simm.s32 @!p0 $0x0  }
0x12: {  	s1 =	sld [smem:$0x3F9C];
	s0 =	simm.s32 @p0 $0x1  }
0x13: {  	[smem:$0x3FB7] =	sst s0;
	s0 =	simm.s32 @!p1 $0x0  }
0x14: {  	s2 =	sld [smem:$0x3F9B];
	s0 =	simm.s32 @p1 $0x1  }
0x15: {  	[smem:$0x3FB8] =	sst s0;
	s0 =	simm.s32 @!p2 $0x0  }
0x16: {  	s3 =	sld [smem:$0x3FDB];
	s0 =	simm.s32 @p2 $0x1  }
0x17: {  	s4 =	simm.s32 $0x1BF5;
	[smem:$0x3FBA] =	sst s0  }
0x18: {  	s0 =	sld [smem:$0x3F9D];
	_ =	swait.ge [sflag:s4], $0x0  }
0x19: {  	s7 =	sld [smem:$0x3F9E]  }
0x1a: {  	s8 =	sadd.s32 $0xFFFFE003, lr  }
0x1b: {  	s9 =	sadd.s32 $0xFFFFFEF7, lr;
	s5 =	simm.s32 $0xFFFFFFFF;
	p2 =	slt.u32 s8, $0xFFFFF086  }
0x1c: {  	p1 =	slt.u32 s9, $0xF7A;
	s5 =	simm.s32 @!p2 $0x0  }
0x1d: {  	s5 =	simm.s32 @p1 $0x1;
	p0 =	seq.s32 s7, s2  }
0x1e: {  	s7 =	smul.u32 @!p0 $0xF7A, s2;
	p2 =	seq.s32 @!p0 s5, $0x0  }
0x1f: {  	s9 =	smul.u32 $0xF7A, s1;
	s8 =	simm.s32 @!p0 $0x1BF5;
	p2 =	por !p2, p0  }
0x20: {  	[sflag:s8] =	ssyncset.s32 @!p0 $0xFFFFF086;
	s6 =	sadd.s32 @!p0 s3, s7;
	s7 =	simm.s32 @!p0 $0x108  }
0x21: {  	s3 =	sadd.s32 s3, s9;
	s6 =	sadd.s32 @!p0 $0x88, s6;
	s7 =	simm.s32 @p2 $0x1082  }
0x22: {  	[simem:s7], [sflag:s8] =	dma.local @!p0 [hbm:s6], $0xF7A  }
0x23: {  	s9 =	sor.u32 $0xD0000000, s2;
	s6 =	simm.s32 $0x108;
	_ =	swait.ge @!p0 [sflag:s8], $0x0  }
0x24: {  	s3 =	sadd.s32 $0x88, s3;
	s6 =	simm.s32 @!p1 $0x1082;
	[sflag:s4] =	ssyncset.s32 $0xFFFFF086  }
0x25: {  	[simem:s6], [sflag:s4] =	dma.local [hbm:s3], $0xF7A  }
0x26: {  	[smem:$0x3F9E] =	sst s1;
	(tag) =	ssettag s2;
	_ =	strace s9  }
0x27: {  	s1 =	sld [smem:$0x3FAE]  }
0x28: {  	s2 =	sld [smem:$0x3FAF]  }
0x29: {  	s4 =	sld [smem:$0x3FB1]  }
0x2a: {  	p0 =	seq.s32 s5, $0x0;
	s5 =	sld [smem:$0x3FB2]  }
0x2b: {  	s6 =	sld [smem:$0x3FB3]  }
0x2c: {  	s7 =	sld [smem:$0x3FB4]  }
0x2d: {  	s3 =	simm.s32 $0x108;
	s8 =	sld [smem:$0x3FB5]  }
0x2e: {  	s3 =	simm.s32 @!p0 $0x1082;
	s9 =	sld [smem:$0x3FB6]  }
0x2f: {  	lr =	sadd.s32 s0, s3;
	s0 =	sld [smem:$0x3FAD]  }
0x30: {  	s3 =	sld [smem:$0x3FB0]  }
0x31: {  	[smem:$0x3FB9] =	sst s10  }
0x32: {  	s10 =	sld [smem:$0x3FB7];
	_ =	sdelay $0x3  }
0x33: {  	p0 =	seq.s32 s10, $0x1;
	s10 =	sld [smem:$0x3FB9];
	_ =	sdelay $0x3  }
0x34: {  	[smem:$0x3FB9] =	sst s10  }
0x35: {  	s10 =	sld [smem:$0x3FB8];
	_ =	sdelay $0x3  }
0x36: {  	p1 =	seq.s32 s10, $0x1;
	s10 =	sld [smem:$0x3FB9];
	_ =	sdelay $0x3  }
0x37: {  	[smem:$0x3FB9] =	sst s10  }
0x38: {  	s10 =	sld [smem:$0x3FBA]  }
0x39: {  	_ = 	snop;
	(pc) =	sbr.ind lr, $3  }
0x3a: {  	_ = 	snop  }
0x3b: {  	_ = 	snop  }
0x3c: {  	p2 =	seq.s32 s10, $0x1;
	s10 =	sld [smem:$0x3FB9]  }
0x3d: {  	_ =	shalt  }
0x3e: {  	_ =	shalt  }
0x3f: {  	_ =	shalt  }
0x40: {  	_ =	shalt  }
0x41: {  	_ =	shalt  }
0x42: {  	_ =	shalt  }
0x43: {  	_ =	shalt  }
0x44: {  	_ =	shalt  }
0x45: {  	_ =	shalt  }
0x46: {  	_ =	shalt  }
0x47: {  	_ =	shalt  }
0x48: {  	_ =	shalt  }
0x49: {  	_ =	shalt  }
0x4a: {  	_ =	shalt  }
0x4b: {  	_ =	shalt  }
0x4c: {  	_ =	shalt  }
0x4d: {  	_ =	shalt  }
0x4e: {  	_ =	shalt  }
0x4f: {  	_ =	shalt  }
0x50: {  	_ =	shalt  }
0x51: {  	_ =	shalt  }
0x52: {  	_ =	shalt  }
0x53: {  	_ =	shalt  }
0x54: {  	_ =	shalt  }
0x55: {  	_ =	shalt  }
0x56: {  	_ =	shalt  }
0x57: {  	_ =	shalt  }
0x58: {  	_ =	shalt  }
0x59: {  	_ =	shalt  }
0x5a: {  	_ =	shalt  }
0x5b: {  	_ =	shalt  }
0x5c: {  	_ =	shalt  }
0x5d: {  	_ =	shalt  }
0x5e: {  	_ =	shalt  }
0x5f: {  	_ =	shalt  }
0x60: {  	_ =	shalt  }
0x61: {  	_ =	shalt  }
0x62: {  	_ =	shalt  }
0x63: {  	_ =	shalt  }
0x64: {  	_ =	shalt  }
0x65: {  	_ =	shalt  }
0x66: {  	_ =	shalt  }
0x67: {  	_ =	shalt  }
0x68: {  	_ =	shalt  }
0x69: {  	_ =	shalt  }
0x6a: {  	_ =	shalt  }
0x6b: {  	_ =	shalt  }
0x6c: {  	_ =	shalt  }
0x6d: {  	_ =	shalt  }
0x6e: {  	_ =	shalt  }
0x6f: {  	_ =	shalt  }
0x70: {  	_ =	shalt  }
0x71: {  	_ =	shalt  }
0x72: {  	_ =	shalt  }
0x73: {  	_ =	shalt  }
0x74: {  	_ =	shalt  }
0x75: {  	_ =	shalt  }
0x76: {  	_ =	shalt  }
0x77: {  	_ =	shalt  }
0x78: {  	_ =	shalt  }
0x79: {  	_ =	shalt  }
0x7a: {  	_ =	shalt  }
0x7b: {  	_ =	shalt  }
0x7c: {  	_ =	shalt  }
0x7d: {  	_ =	shalt  }
0x7e: {  	_ =	shalt  }
0x7f: {  	_ =	shalt  }
0x80: {  	_ =	shalt  }
0x81: {  	_ =	shalt  }
0x82: {  	_ =	shalt  }
0x83: {  	_ =	shalt  }
0x84: {  	_ =	shalt  }
0x85: {  	_ =	shalt  }
0x86: {  	_ =	shalt  }
0x87: {  	_ =	shalt  }
.Lfunc_end0:
.L_simem_size_0:
called_computation_lowered:
.L_overlay_start_0:
0x88: {  	s2 =	sld [smem:$0x3FD9]  }
0x89: {  	s3 =	sld [smem:$0x3FFE];
	_ =	sdelay $0x1  }
0x8a: {  	s1 =	srdreg.scid  }
0x8b: {  	s0 =	sand.u32 $0x1, s1  }
0x8c: {  	s17 =	sshll.u32 s0, $0xA;
	s2 =	sadd.s32 s3, s2  }
0x8d: {  	s2 =	sadd.s32 s2, s17  }
0x8e: {  	[smem:$0x3FC5] =	sst s2  }
0x8f: {  	_ = 	snop  }
0x90: {  	s2 =	sld [smem:$0x3FC9]  }
0x91: {  	s18 =	sld [smem:$0x3FC8]  }
0x92: {  	s4 =	sld [smem:$0x3FD0];
	(tm) =	ssettm $0x1  }
0x93: {  	s5 =	sld [smem:$0x3FFB];
	_ =	sdelay $0x3  }
0x94: {  	_ =	strace s5  }
0x95: {  	s5 =	sld [smem:$0x3FFC];
	_ =	sdelay $0x3  }
0x96: {  	_ =	strace s5  }
0x97: {  	s5 =	sld [smem:$0x3FFD];
	_ =	sdelay $0x3  }
0x98: {  	_ =	strace s5  }
0x99: {  	_ =	strace $0x8FFFFFFF  }
0x9a: {  	s19 =	sld [smem:$0x3FDB];
	_ =	sdelay $0x1  }
0x9b: {  	s6 =	simm.s32 $_scs_section_size  }
0x9c: {  	s7 =	simm.s32 $_size__tile_overlayer_lowered;
	s8 =	simm.s32 $_tile_overlayer_lowered  }
0x9d: {  	s22 =	simm.s32 $0x1BFF;
	s21 =	sshll.u32 s8, $0x1;
	s5 =	sadd.s32 s6, s19  }
0x9e: {  	s9 =	simm.s32 $0x0;
	s20 =	sshll.u32 s7, $0x1;
	s7 =	sadd.s32 s21, s5  }
0x9f: {  	[timem:s9], [sflag:s22] =	dma.local [hbm:s7], s20  }
0xa0: {  	_ =	swait.ge [sflag:s22], s20  }
0xa1: {  	s6 =	ssub.s32 $0x0, s20;
	[sflag:s22] =	ssyncset.done $0x0  }
0xa2: {  	[sflag:s22] =	ssyncadd.s32 s6;
	_ =	sdelay $0x1  }
0xa3: {  	s23 =	simm.s32 $0x1B8B  }
0xa4: {  	_ =	swait.ge [sflag:s23], $0x1  }
0xa5: {  	[sflag:s23] =	ssyncset.done $0x0  }
0xa6: {  	s25 =	simm.s32 $0x1B8E;
	s24 =	sld [smem:$0x3FFE];
	[sflag:s23] =	ssyncadd.s32 $0xFFFFFFFF  }
0xa7: {  	s26 =	simm.s32 $execute0_lowered;
	[smem:$0x3FD2] =	sst s25  }
0xa8: {  	s7 =	sshll.u32 s26, $0x1;
	_ =	strace $0x80000046;
	[dreg:$0x1] =	wrdreg $0xFFFFFFFF  }
0xa9: {  	s28 =	simm.s32 $_size_execute0_lowered;
	s5 =	sadd.s32 s5, s7;
	[dreg:$0x0] =	wrdreg $0x0  }
0xaa: {  	s7 =	sshll.u32 s28, $0x1;
	[dreg:$0x2] =	wrdreg s5  }
0xab: {  	[dreg:$0x3] =	wrdreg s7  }
0xac: {  	[dreg:$0x4] =	wrdreg $0xC0  }
0xad: {  	_ =	task [dreg:s9], $0x5FFFF  }
0xae: {  	[dreg:$0x1] =	wrdreg $0xFFFFFFFF  }
0xaf: {  	[dreg:$0x0] =	wrdreg $0x60  }
0xb0: {  	[dreg:$0x2] =	wrdreg s2  }
0xb1: {  	[dreg:$0x3] =	wrdreg s18  }
0xb2: {  	[dreg:$0x4] =	wrdreg s24  }
0xb3: {  	[dreg:$0x5] =	wrdreg s4  }
0xb4: {  	[dreg:$0x6] =	wrdreg $0x9  }
0xb5: {  	_ =	task.clear_ibuf [dreg:s9], $0x7FFFF;
	_ =	strace $0x90000046  }
0xb6: {  	s29 =	simm.s32 $0x9;
	_ =	strace $0x80000048  }
0xb7: {  	_ =	swait.ge [sflag:s29], $0x1  }
0xb8: {  	[sflag:s29] =	ssyncadd.s32 $0xFFFFFFFF  }
0xb9: {  	_ =	strace $0x90000048  }
0xba: {  	_ =	sfence  }
0xbb: {  	s30 =	sld [smem:$0x0];
	_ =	sdelay $0x2  }
0xbc: {  	s31 =	sshll.u32 s1, $0xD;
	s1 =	sshrl.u32 s1, $0x2  }
0xbd: {  	s3 =	sand.u32 $0x4000, s31;
	s1 =	sadd.s32 s1, s30  }
0xbe: {  	s0 =	sor.u32 s3, s0;
	s1 =	sshll.u32 s1, $0x11  }
0xbf: {  	s0 =	sor.u32 s1, s0  }
0xc0: {  	s0 =	sadd.s32 $0x8F2B, s0  }
0xc1: {  	[sflag:s0] =	ssyncadd.remote.s32 $0x1  }
0xc2: {  	_ =	sfence.sel $0xFFFF  }
0xc3: {  	[dreg:$0x0] =	wrdreg $0xFFFFFFFF;
	(pc) =	sbr.abs _section_cstart, $3  }
0xc4: {  	[dreg:$0x1] =	wrdreg $0xFFFFFFFF  }
0xc5: {  	_ =	task.clear_ibuf [dreg:s9], $0x2FFFF;
	_ =	strace $0x9FFFFFFF  }
0xc6: {  	(tm) =	ssettm $0x7FFFFFFF  }
0xc7: {  	_ =	shalt  }
tec
execute0_lowered:
.L_overlay_start_1:
0x0: {  	(tag) =	ssettag $0x1  }
0x1: {  	s0 =	rddreg [dreg:$0x0]  }
0x2: {  	s1 =	rddreg [dreg:$0x1]  }
0x3: {  	s3 =	rddreg [dreg:$0x2]  }
0x4: {  	s9 =	rddreg [dreg:$0x3];
	s2 =	simm.s32 $0x0  }
0x5: {  	s4 =	srdreg.scid;
	[smem:$0x7FF] =	sst s2  }
0x6: {  	s5 =	stileid.u32;
	s16 =	simm.s32 $0x80;
	v0 =	vimm.f32 $4.000000000e+00;
	_ =	strace $0x80000047  }
0x7: {  	s31 =	simm.s32 $0xF80;
	s12 =	simm.s32 $0x2000;
	s13 =	simm.s32 $0x1080;
	(erf) = vrcp.f32 v0  }
0x8: {  	s14 =	simm.s32 $0x2080;
	s15 =	simm.s32 $0x1100;
	s17 =	simm.s32 $0x2100  }
0x9: {  	s18 =	simm.s32 $0x1180;
	s19 =	simm.s32 $0x2180;
	s20 =	simm.s32 $0x1  }
0xa: {  	s21 =	simm.s32 $0x3200;
	s4 =	sand.u32 $0x1, s4;
	s5 =	sshll.u32 s5, $0x1  }
0xb: {  	s22 =	simm.s32 $0x0;
	s6 =	ssub.s32 $0x2, s4;
	s4 =	sor.u32 s4, s5  }
0xc: {  	s3 =	sadd.s32 $0x400, s3;
	s30 =	sshrl.u32 s6, $0x1;
	s7 =	sshll.u32 s4, $0x9  }
0xd: {  	s11 =	sshll.u32 s4, $0x6;
	s10 =	ssub.s32 s6, s30;
	s4 =	sadd.s32 s1, s7  }
0xe: {  	s5 =	sadd.s32 s0, s11;
	s9 =	sadd.s32 s9, s11;
	s11 =	simm.s32 $0x2  }
0xf: {  	s0 =	simm.s32 $0x1F80;
	s1 =	simm.s32 $0x1000;
	s6 =	sadd.s32 $0x80, s4  }
0x10: {  	s7 =	sadd.s32 $0x100, s4;
	s8 =	sadd.s32 $0x180, s4;
	s10 =	smax.u32 s10, $0x1;
	v0 =	vpop (erf)  }
.LBB2_1:
0x11: {  	[tilespmem:s2], [sflag:$0x2] =	stream.linear.gather [hbm4b:s5+s2], $0x200, $0x38;
	[tilespmem:$0x3400] =	vst v63  }
0x12: {  	_ =	swait.ge [sflag:s11], $0x200  }
0x13: {  	[sflag:s11] =	ssyncset.done $0x0  }
0x14: {  	s23 =	simm.s32 $0x2200;
	[sflag:s11] =	ssyncadd.s32 $0xFFFFFE00  }
0x15: {  	[tilespmem:s23], [sflag:$0x1] =	stream.linear.gather [hbm4b:s4+s2], $0x400, $0x38;
	[tilespmem:$0x3400] =	vst v63  }
0x16: {  	s25 =	simm.s32 $0x2600  }
0x17: {  	[tilespmem:s25], [sflag:$0x1] =	stream.linear.gather [hbm4b:s6+s2], $0x400, $0x38;
	[tilespmem:$0x3400] =	vst v63  }
0x18: {  	s26 =	simm.s32 $0x2A00  }
0x19: {  	[tilespmem:s26], [sflag:$0x1] =	stream.linear.gather [hbm4b:s7+s2], $0x400, $0x38;
	[tilespmem:$0x3400] =	vst v63  }
0x1a: {  	s29 =	simm.s32 $0x2E00  }
0x1b: {  	[tilespmem:s29], [sflag:$0x1] =	stream.linear.gather [hbm4b:s8+s2], $0x400, $0x38;
	[tilespmem:$0x3400] =	vst v63  }
0x1c: {  	v1 =	vld [tilespmem:$0x0]  }
0x1d: {  	v2 =	vld [tilespmem:$0x10]  }
0x1e: {  	v3 =	vld [tilespmem:$0x20]  }
0x1f: {  	v4 =	vld [tilespmem:$0x30]  }
0x20: {  	v5 =	vld [tilespmem:$0x40]  }
0x21: {  	v6 =	vld [tilespmem:$0x50]  }
0x22: {  	v7 =	vld [tilespmem:$0x60]  }
0x23: {  	v8 =	vld [tilespmem:$0x70]  }
0x24: {  	v9 =	vld [tilespmem:$0x80]  }
0x25: {  	v10 =	vld [tilespmem:$0x90]  }
0x26: {  	v11 =	vld [tilespmem:$0xA0]  }
0x27: {  	v12 =	vld [tilespmem:$0xB0]  }
0x28: {  	v13 =	vld [tilespmem:$0xC0]  }
0x29: {  	v14 =	vld [tilespmem:$0xD0];
	v15 =	vshll.u32 v1, $0x3  }
0x2a: {  	v16 =	vld [tilespmem:$0xE0];
	v1 =	vand.u32 $0x7F, v1;
	v17 =	vshll.u32 v2, $0x3;
	v56 =	vshll.u32 v3, $0x3  }
0x2b: {  	v18 =	vld [tilespmem:$0xF0];
	v2 =	vand.u32 $0x7F, v2;
	v20 =	vand.u32 $0x7F, v3;
	v57 =	vshll.u32 v4, $0x3  }
0x2c: {  	v19 =	vld [tilespmem:$0x100];
	v4 =	vand.u32 $0x7F, v4;
	v59 =	vshll.u32 v5, $0x3;
	v61 =	vshll.u32 v6, $0x3  }
0x2d: {  	v21 =	vld [tilespmem:$0x110];
	v5 =	vand.u32 $0x7F, v5;
	v24 =	vand.u32 $0x7F, v6;
	v62 =	vshll.u32 v7, $0x3  }
0x2e: {  	v58 =	vld [tilespmem:$0x120];
	v7 =	vand.u32 $0x7F, v7;
	v35 =	vshll.u32 v8, $0x3;
	v37 =	vshll.u32 v9, $0x3  }
0x2f: {  	v22 =	vld [tilespmem:$0x130];
	v8 =	vand.u32 $0x7F, v8;
	v28 =	vand.u32 $0x7F, v9;
	v38 =	vshll.u32 v10, $0x3  }
0x30: {  	v23 =	vld [tilespmem:$0x140];
	v10 =	vand.u32 $0x7F, v10;
	v40 =	vshll.u32 v11, $0x3;
	v42 =	vshll.u32 v12, $0x3  }
0x31: {  	v25 =	vld [tilespmem:$0x150];
	v11 =	vand.u32 $0x7F, v11;
	v32 =	vand.u32 $0x7F, v12;
	v15 =	vand.u32 $0xFFFFFC00, v15  }
0x32: {  	v63 =	vld [tilespmem:$0x160];
	v43 =	vshll.u32 v13, $0x3;
	v55 =	vand.u32 $0xFFFFFC00, v17;
	v1 =	vor.u32 v1, v15  }
0x33: {  	v26 =	vld [tilespmem:$0x170];
	v13 =	vand.u32 $0x7F, v13;
	v17 =	vand.u32 $0xFFFFFC00, v56;
	v3 =	vor.u32 v2, v55;
	[tilespmem:$0x200] =	vst v1  }
0x34: {  	v27 =	vld [tilespmem:$0x180];
	v44 =	vshll.u32 v14, $0x3;
	v60 =	vand.u32 $0xFFFFFC00, v59;
	v2 =	vor.u32 v20, v17;
	[tilespmem:$0x210] =	vst v3  }
0x35: {  	v29 =	vld [tilespmem:$0x190];
	v46 =	vshll.u32 v16, $0x3;
	v36 =	vand.u32 $0xFFFFFC00, v35;
	v6 =	vor.u32 v5, v60;
	[tilespmem:$0x220] =	vst v2  }
0x36: {  	v39 =	vld [tilespmem:$0x1A0];
	v14 =	vand.u32 $0x7F, v14;
	v15 =	vand.u32 $0xFFFFFC00, v57;
	v9 =	vor.u32 v8, v36;
	[tilespmem:$0x240] =	vst v6  }
0x37: {  	v30 =	vld [tilespmem:$0x1B0];
	v16 =	vand.u32 $0x7F, v16;
	v17 =	vand.u32 $0xFFFFFC00, v61;
	v4 =	vor.u32 v4, v15;
	[tilespmem:$0x270] =	vst v9  }
0x38: {  	v31 =	vld [tilespmem:$0x1C0];
	v47 =	vshll.u32 v18, $0x3;
	v5 =	vor.u32 v24, v17;
	v15 =	vand.u32 $0xFFFFFC00, v62;
	[tilespmem:$0x230] =	vst v4  }
0x39: {  	v33 =	vld [tilespmem:$0x1D0];
	v48 =	vand.u32 $0x7F, v18;
	v17 =	vand.u32 $0xFFFFFC00, v37;
	v7 =	vor.u32 v7, v15;
	[tilespmem:$0x250] =	vst v5  }
0x3a: {  	s30 =	simm.s32 $0x200;
	s24 =	simm.s32 $0x1200;
	v34 =	vld [tilespmem:$0x1F0];
	v41 =	vand.u32 $0xFFFFFC00, v40;
	v8 =	vor.u32 v28, v17;
	v17 =	vand.u32 $0xFFFFFC00, v42;
	[tilespmem:$0x260] =	vst v7  }
0x3b: {  	v12 =	vor.u32 v11, v41;
	v15 =	vand.u32 $0xFFFFFC00, v38;
	v11 =	vor.u32 v32, v17;
	v32 =	vld [tilespmem:$0x1E0];
	[tilespmem:s24], [sflag:$0x1] =	stream.indirect.gather [hbm4b:s3+s16], $0x1, s30, s16, $0xb8  }
0x3c: {  	v49 =	vshll.u32 v19, $0x3;
	v51 =	vshll.u32 v21, $0x3;
	v10 =	vor.u32 v10, v15;
	[tilespmem:$0x280] =	vst v8  }
0x3d: {  	v19 =	vand.u32 $0x7F, v19;
	v21 =	vand.u32 $0x7F, v21;
	v52 =	vshll.u32 v58, $0x3;
	[tilespmem:$0x290] =	vst v10  }
0x3e: {  	v53 =	vshll.u32 v22, $0x3;
	v22 =	vand.u32 $0x7F, v22;
	v15 =	vand.u32 $0xFFFFFC00, v43;
	[tilespmem:$0x2A0] =	vst v12  }
0x3f: {  	v45 =	vand.u32 $0xFFFFFC00, v44;
	v50 =	vand.u32 $0xFFFFFC00, v49;
	v13 =	vor.u32 v13, v15;
	[tilespmem:$0x2B0] =	vst v11  }
0x40: {  	v35 =	vand.u32 $0xFFFFFC00, v51;
	v17 =	vand.u32 $0xFFFFFC00, v46;
	v15 =	vor.u32 v14, v45;
	[tilespmem:$0x2C0] =	vst v13  }
0x41: {  	v54 =	vand.u32 $0xFFFFFC00, v53;
	v14 =	vor.u32 v16, v17;
	v16 =	vand.u32 $0xFFFFFC00, v47;
	[tilespmem:$0x2D0] =	vst v15  }
0x42: {  	v59 =	vshll.u32 v63, $0x3;
	v40 =	vand.u32 $0x7F, v30;
	v16 =	vor.u32 v48, v16;
	[tilespmem:$0x2E0] =	vst v14  }
0x43: {  	s25 =	simm.s32 $0x280;
	s26 =	simm.s32 $0x1280;
	v18 =	vor.u32 v19, v50;
	v19 =	vand.u32 $0xFFFFFC00, v52;
	v20 =	vand.u32 $0x7F, v58;
	[tilespmem:$0x2F0] =	vst v16  }
0x44: {  	v55 =	vshll.u32 v23, $0x3;
	v23 =	vand.u32 $0x7F, v23;
	v57 =	vshll.u32 v25, $0x3;
	[tilespmem:s26], [sflag:$0x1] =	stream.indirect.gather [hbm4b:s3+s16], $0x1, s25, s16, $0xb8;
	[tilespmem:$0x3400] =	vst v63  }
0x45: {  	v58 =	vand.u32 $0x7F, v25;
	v60 =	vand.u32 $0xFFFFFC00, v59;
	v17 =	vor.u32 v21, v35;
	[tilespmem:$0x300] =	vst v18  }
0x46: {  	v61 =	vshll.u32 v26, $0x3;
	v26 =	vand.u32 $0x7F, v26;
	v19 =	vor.u32 v20, v19;
	[tilespmem:$0x310] =	vst v17  }
0x47: {  	v41 =	vshll.u32 v31, $0x3;
	v56 =	vand.u32 $0xFFFFFC00, v55;
	v21 =	vor.u32 v22, v54;
	[tilespmem:$0x320] =	vst v19  }
0x48: {  	v31 =	vand.u32 $0x7F, v31;
	v20 =	vor.u32 v23, v56;
	v22 =	vand.u32 $0xFFFFFC00, v57;
	[tilespmem:$0x330] =	vst v21  }
0x49: {  	v24 =	vand.u32 $0x7F, v63;
	v25 =	vand.u32 $0xFFFFFC00, v61;
	v22 =	vor.u32 v58, v22;
	[tilespmem:$0x340] =	vst v20  }
0x4a: {  	v62 =	vshll.u32 v27, $0x3;
	v63 =	vand.u32 $0x7F, v27;
	v24 =	vor.u32 v24, v60;
	[tilespmem:$0x350] =	vst v22  }
0x4b: {  	v37 =	vshll.u32 v39, $0x3;
	v23 =	vor.u32 v26, v25;
	v25 =	vand.u32 $0xFFFFFC00, v62;
	[tilespmem:$0x360] =	vst v24  }
0x4c: {  	s29 =	simm.s32 $0x300;
	v38 =	vand.u32 $0xFFFFFC00, v37;
	v28 =	vand.u32 $0x7F, v39;
	v35 =	vshll.u32 v29, $0x3;
	s30 =	simm.s32 $0x1300;
	[tilespmem:$0x370] =	vst v23  }
0x4d: {  	v25 =	vor.u32 v63, v25;
	v29 =	vand.u32 $0x7F, v29;
	v36 =	vand.u32 $0xFFFFFC00, v35;
	[tilespmem:s30], [sflag:$0x1] =	stream.indirect.gather [hbm4b:s3+s16], $0x1, s29, s16, $0xb8;
	[tilespmem:$0x3400] =	vst v63  }
0x4e: {  	v39 =	vshll.u32 v30, $0x3;
	v42 =	vand.u32 $0xFFFFFC00, v41;
	v27 =	vor.u32 v29, v36;
	[tilespmem:$0x380] =	vst v25  }
0x4f: {  	v26 =	vor.u32 v28, v38;
	v28 =	vand.u32 $0xFFFFFC00, v39;
	v43 =	vshll.u32 v33, $0x3;
	[tilespmem:$0x390] =	vst v27  }
0x50: {  	v33 =	vand.u32 $0x7F, v33;
	v30 =	vor.u32 v31, v42;
	v28 =	vor.u32 v40, v28;
	[tilespmem:$0x3A0] =	vst v26  }
0x51: {  	v46 =	vshll.u32 v34, $0x3;
	v44 =	vand.u32 $0xFFFFFC00, v43;
	v45 =	vshll.u32 v32, $0x3;
	[tilespmem:$0x3B0] =	vst v28  }
0x52: {  	v29 =	vor.u32 v33, v44;
	v32 =	vand.u32 $0x7F, v32;
	v31 =	vand.u32 $0xFFFFFC00, v45;
	[tilespmem:$0x3C0] =	vst v30  }
0x53: {  	v47 =	vand.u32 $0xFFFFFC00, v46;
	v48 =	vand.u32 $0x7F, v34;
	v31 =	vor.u32 v32, v31;
	[tilespmem:$0x3D0] =	vst v29  }
0x54: {  	v32 =	vor.u32 v48, v47;
	[tilespmem:$0x3E0] =	vst v31  }
0x55: {  	s25 =	simm.s32 $0x380;
	s26 =	simm.s32 $0x1380;
	[tilespmem:$0x3F0] =	vst v32  }
0x56: {  	v49 =	vor.u32 $0x80, v1;
	[tilespmem:s26], [sflag:$0x1] =	stream.indirect.gather [hbm4b:s3+s16], $0x1, s25, s16, $0xb8;
	[tilespmem:$0x3400] =	vst v63  }
0x57: {  	v50 =	vor.u32 $0x80, v3;
	[tilespmem:$0x400] =	vst v49  }
0x58: {  	v51 =	vor.u32 $0x80, v2;
	[tilespmem:$0x410] =	vst v50  }
0x59: {  	v52 =	vor.u32 $0x80, v4;
	[tilespmem:$0x420] =	vst v51  }
0x5a: {  	v53 =	vor.u32 $0x80, v6;
	[tilespmem:$0x430] =	vst v52  }
0x5b: {  	v54 =	vor.u32 $0x80, v5;
	[tilespmem:$0x440] =	vst v53  }
0x5c: {  	v55 =	vor.u32 $0x80, v7;
	[tilespmem:$0x450] =	vst v54  }
0x5d: {  	v56 =	vor.u32 $0x80, v9;
	[tilespmem:$0x460] =	vst v55  }
0x5e: {  	s29 =	simm.s32 $0x400;
	s30 =	simm.s32 $0x1400;
	[tilespmem:$0x470] =	vst v56  }
0x5f: {  	v57 =	vor.u32 $0x80, v8;
	[tilespmem:s30], [sflag:$0x1] =	stream.indirect.gather [hbm4b:s3+s16], $0x1, s29, s16, $0xb8;
	[tilespmem:$0x3400] =	vst v63  }
0x60: {  	v58 =	vor.u32 $0x80, v10;
	[tilespmem:$0x480] =	vst v57  }
0x61: {  	v59 =	vor.u32 $0x80, v12;
	[tilespmem:$0x490] =	vst v58  }
0x62: {  	v60 =	vor.u32 $0x80, v11;
	[tilespmem:$0x4A0] =	vst v59  }
0x63: {  	v61 =	vor.u32 $0x80, v13;
	[tilespmem:$0x4B0] =	vst v60  }
0x64: {  	v62 =	vor.u32 $0x80, v15;
	[tilespmem:$0x4C0] =	vst v61  }
0x65: {  	v63 =	vor.u32 $0x80, v14;
	[tilespmem:$0x4D0] =	vst v62  }
0x66: {  	v36 =	vor.u32 $0x80, v16;
	[tilespmem:$0x4E0] =	vst v63  }
0x67: {  	s25 =	simm.s32 $0x480;
	s26 =	simm.s32 $0x1480;
	[tilespmem:$0x4F0] =	vst v36  }
0x68: {  	v37 =	vor.u32 $0x80, v18;
	[tilespmem:s26], [sflag:$0x1] =	stream.indirect.gather [hbm4b:s3+s16], $0x1, s25, s16, $0xb8;
	[tilespmem:$0x3400] =	vst v63  }
0x69: {  	v38 =	vor.u32 $0x80, v17;
	[tilespmem:$0x500] =	vst v37  }
0x6a: {  	v39 =	vor.u32 $0x80, v19;
	[tilespmem:$0x510] =	vst v38  }
0x6b: {  	v40 =	vor.u32 $0x80, v21;
	[tilespmem:$0x520] =	vst v39  }
0x6c: {  	v41 =	vor.u32 $0x80, v20;
	[tilespmem:$0x530] =	vst v40  }
0x6d: {  	v42 =	vor.u32 $0x80, v22;
	[tilespmem:$0x540] =	vst v41  }
0x6e: {  	v43 =	vor.u32 $0x80, v24;
	[tilespmem:$0x550] =	vst v42  }
0x6f: {  	v44 =	vor.u32 $0x80, v23;
	[tilespmem:$0x560] =	vst v43  }
0x70: {  	s29 =	simm.s32 $0x500;
	s30 =	simm.s32 $0x1500;
	[tilespmem:$0x570] =	vst v44  }
0x71: {  	v45 =	vor.u32 $0x80, v25;
	[tilespmem:s30], [sflag:$0x1] =	stream.indirect.gather [hbm4b:s3+s16], $0x1, s29, s16, $0xb8;
	[tilespmem:$0x3400] =	vst v63  }
0x72: {  	v46 =	vor.u32 $0x80, v27;
	[tilespmem:$0x580] =	vst v45  }
0x73: {  	v47 =	vor.u32 $0x80, v26;
	[tilespmem:$0x590] =	vst v46  }
0x74: {  	v48 =	vor.u32 $0x80, v28;
	[tilespmem:$0x5A0] =	vst v47  }
0x75: {  	v49 =	vor.u32 $0x80, v30;
	[tilespmem:$0x5B0] =	vst v48  }
0x76: {  	v50 =	vor.u32 $0x80, v29;
	[tilespmem:$0x5C0] =	vst v49  }
0x77: {  	v51 =	vor.u32 $0x80, v31;
	[tilespmem:$0x5D0] =	vst v50  }
0x78: {  	v52 =	vor.u32 $0x80, v32;
	[tilespmem:$0x5E0] =	vst v51  }
0x79: {  	s25 =	simm.s32 $0x580;
	s26 =	simm.s32 $0x1580;
	[tilespmem:$0x5F0] =	vst v52  }
0x7a: {  	v53 =	vor.u32 $0x100, v1;
	[tilespmem:s26], [sflag:$0x1] =	stream.indirect.gather [hbm4b:s3+s16], $0x1, s25, s16, $0xb8;
	[tilespmem:$0x3400] =	vst v63  }
0x7b: {  	v54 =	vor.u32 $0x100, v3;
	[tilespmem:$0x600] =	vst v53  }
0x7c: {  	v55 =	vor.u32 $0x100, v2;
	[tilespmem:$0x610] =	vst v54  }
0x7d: {  	v56 =	vor.u32 $0x100, v4;
	[tilespmem:$0x620] =	vst v55  }
0x7e: {  	v57 =	vor.u32 $0x100, v6;
	[tilespmem:$0x630] =	vst v56  }
0x7f: {  	v58 =	vor.u32 $0x100, v5;
	[tilespmem:$0x640] =	vst v57  }
0x80: {  	v59 =	vor.u32 $0x100, v7;
	[tilespmem:$0x650] =	vst v58  }
0x81: {  	v60 =	vor.u32 $0x100, v9;
	[tilespmem:$0x660] =	vst v59  }
0x82: {  	s29 =	simm.s32 $0x600;
	s30 =	simm.s32 $0x1600;
	[tilespmem:$0x670] =	vst v60  }
0x83: {  	v61 =	vor.u32 $0x100, v8;
	[tilespmem:s30], [sflag:$0x1] =	stream.indirect.gather [hbm4b:s3+s16], $0x1, s29, s16, $0xb8;
	[tilespmem:$0x3400] =	vst v63  }
0x84: {  	v62 =	vor.u32 $0x100, v10;
	[tilespmem:$0x680] =	vst v61  }
0x85: {  	v63 =	vor.u32 $0x100, v12;
	[tilespmem:$0x690] =	vst v62  }
0x86: {  	v36 =	vor.u32 $0x100, v11;
	[tilespmem:$0x6A0] =	vst v63  }
0x87: {  	v37 =	vor.u32 $0x100, v13;
	[tilespmem:$0x6B0] =	vst v36  }
0x88: {  	v38 =	vor.u32 $0x100, v15;
	[tilespmem:$0x6C0] =	vst v37  }
0x89: {  	v39 =	vor.u32 $0x100, v14;
	[tilespmem:$0x6D0] =	vst v38  }
0x8a: {  	v40 =	vor.u32 $0x100, v16;
	[tilespmem:$0x6E0] =	vst v39  }
0x8b: {  	s25 =	simm.s32 $0x680;
	s26 =	simm.s32 $0x1680;
	[tilespmem:$0x6F0] =	vst v40  }
0x8c: {  	v41 =	vor.u32 $0x100, v18;
	[tilespmem:s26], [sflag:$0x1] =	stream.indirect.gather [hbm4b:s3+s16], $0x1, s25, s16, $0xb8;
	[tilespmem:$0x3400] =	vst v63  }
0x8d: {  	v42 =	vor.u32 $0x100, v17;
	[tilespmem:$0x700] =	vst v41  }
0x8e: {  	v43 =	vor.u32 $0x100, v19;
	[tilespmem:$0x710] =	vst v42  }
0x8f: {  	v44 =	vor.u32 $0x100, v21;
	[tilespmem:$0x720] =	vst v43  }
0x90: {  	v45 =	vor.u32 $0x100, v20;
	[tilespmem:$0x730] =	vst v44  }
0x91: {  	v46 =	vor.u32 $0x100, v22;
	[tilespmem:$0x740] =	vst v45  }
0x92: {  	v47 =	vor.u32 $0x100, v24;
	[tilespmem:$0x750] =	vst v46  }
0x93: {  	v48 =	vor.u32 $0x100, v23;
	[tilespmem:$0x760] =	vst v47  }
0x94: {  	s29 =	simm.s32 $0x700;
	s30 =	simm.s32 $0x1700;
	[tilespmem:$0x770] =	vst v48  }
0x95: {  	v49 =	vor.u32 $0x100, v25;
	[tilespmem:s30], [sflag:$0x1] =	stream.indirect.gather [hbm4b:s3+s16], $0x1, s29, s16, $0xb8;
	[tilespmem:$0x3400] =	vst v63  }
0x96: {  	v50 =	vor.u32 $0x100, v27;
	[tilespmem:$0x780] =	vst v49  }
0x97: {  	v51 =	vor.u32 $0x100, v26;
	[tilespmem:$0x790] =	vst v50  }
0x98: {  	v52 =	vor.u32 $0x100, v28;
	[tilespmem:$0x7A0] =	vst v51  }
0x99: {  	v53 =	vor.u32 $0x100, v30;
	[tilespmem:$0x7B0] =	vst v52  }
0x9a: {  	v54 =	vor.u32 $0x100, v29;
	[tilespmem:$0x7C0] =	vst v53  }
0x9b: {  	v55 =	vor.u32 $0x100, v31;
	[tilespmem:$0x7D0] =	vst v54  }
0x9c: {  	v56 =	vor.u32 $0x100, v32;
	[tilespmem:$0x7E0] =	vst v55  }
0x9d: {  	s25 =	simm.s32 $0x780;
	s26 =	simm.s32 $0x1780;
	[tilespmem:$0x7F0] =	vst v56  }
0x9e: {  	v57 =	vor.u32 $0x180, v1;
	[tilespmem:s26], [sflag:$0x1] =	stream.indirect.gather [hbm4b:s3+s16], $0x1, s25, s16, $0xb8;
	[tilespmem:$0x3400] =	vst v63  }
0x9f: {  	v58 =	vor.u32 $0x180, v3;
	[tilespmem:$0x800] =	vst v57  }
0xa0: {  	v59 =	vor.u32 $0x180, v2;
	[tilespmem:$0x810] =	vst v58  }
0xa1: {  	v60 =	vor.u32 $0x180, v4;
	[tilespmem:$0x820] =	vst v59  }
0xa2: {  	v61 =	vor.u32 $0x180, v6;
	[tilespmem:$0x830] =	vst v60  }
0xa3: {  	v62 =	vor.u32 $0x180, v5;
	[tilespmem:$0x840] =	vst v61  }
0xa4: {  	v63 =	vor.u32 $0x180, v7;
	[tilespmem:$0x850] =	vst v62  }
0xa5: {  	v36 =	vor.u32 $0x180, v9;
	[tilespmem:$0x860] =	vst v63  }
0xa6: {  	s29 =	simm.s32 $0x800;
	s30 =	simm.s32 $0x1800;
	[tilespmem:$0x870] =	vst v36  }
0xa7: {  	v37 =	vor.u32 $0x180, v8;
	[tilespmem:s30], [sflag:$0x1] =	stream.indirect.gather [hbm4b:s3+s16], $0x1, s29, s16, $0xb8;
	[tilespmem:$0x3400] =	vst v63  }
0xa8: {  	v38 =	vor.u32 $0x180, v10;
	[tilespmem:$0x880] =	vst v37  }
0xa9: {  	v39 =	vor.u32 $0x180, v12;
	[tilespmem:$0x890] =	vst v38  }
0xaa: {  	v40 =	vor.u32 $0x180, v11;
	[tilespmem:$0x8A0] =	vst v39  }
0xab: {  	v41 =	vor.u32 $0x180, v13;
	[tilespmem:$0x8B0] =	vst v40  }
0xac: {  	v42 =	vor.u32 $0x180, v15;
	[tilespmem:$0x8C0] =	vst v41  }
0xad: {  	v43 =	vor.u32 $0x180, v14;
	[tilespmem:$0x8D0] =	vst v42  }
0xae: {  	v44 =	vor.u32 $0x180, v16;
	[tilespmem:$0x8E0] =	vst v43  }
0xaf: {  	s25 =	simm.s32 $0x880;
	s26 =	simm.s32 $0x1880;
	[tilespmem:$0x8F0] =	vst v44  }
0xb0: {  	v45 =	vor.u32 $0x180, v18;
	[tilespmem:s26], [sflag:$0x1] =	stream.indirect.gather [hbm4b:s3+s16], $0x1, s25, s16, $0xb8;
	[tilespmem:$0x3400] =	vst v63  }
0xb1: {  	v46 =	vor.u32 $0x180, v17;
	[tilespmem:$0x900] =	vst v45  }
0xb2: {  	v47 =	vor.u32 $0x180, v19;
	[tilespmem:$0x910] =	vst v46  }
0xb3: {  	v48 =	vor.u32 $0x180, v21;
	[tilespmem:$0x920] =	vst v47  }
0xb4: {  	v49 =	vor.u32 $0x180, v20;
	[tilespmem:$0x930] =	vst v48  }
0xb5: {  	v50 =	vor.u32 $0x180, v22;
	[tilespmem:$0x940] =	vst v49  }
0xb6: {  	v51 =	vor.u32 $0x180, v24;
	[tilespmem:$0x950] =	vst v50  }
0xb7: {  	v52 =	vor.u32 $0x180, v23;
	[tilespmem:$0x960] =	vst v51  }
0xb8: {  	s29 =	simm.s32 $0x900;
	s30 =	simm.s32 $0x1900;
	[tilespmem:$0x970] =	vst v52  }
0xb9: {  	v53 =	vor.u32 $0x180, v25;
	[tilespmem:s30], [sflag:$0x1] =	stream.indirect.gather [hbm4b:s3+s16], $0x1, s29, s16, $0xb8;
	[tilespmem:$0x3400] =	vst v63  }
0xba: {  	v54 =	vor.u32 $0x180, v27;
	[tilespmem:$0x980] =	vst v53  }
0xbb: {  	v55 =	vor.u32 $0x180, v26;
	[tilespmem:$0x990] =	vst v54  }
0xbc: {  	v56 =	vor.u32 $0x180, v28;
	[tilespmem:$0x9A0] =	vst v55  }
0xbd: {  	v57 =	vor.u32 $0x180, v30;
	[tilespmem:$0x9B0] =	vst v56  }
0xbe: {  	v58 =	vor.u32 $0x180, v29;
	[tilespmem:$0x9C0] =	vst v57  }
0xbf: {  	v59 =	vor.u32 $0x180, v31;
	[tilespmem:$0x9D0] =	vst v58  }
0xc0: {  	v60 =	vor.u32 $0x180, v32;
	[tilespmem:$0x9E0] =	vst v59  }
0xc1: {  	s25 =	simm.s32 $0x980;
	s26 =	simm.s32 $0x1980;
	[tilespmem:$0x9F0] =	vst v60  }
0xc2: {  	v61 =	vor.u32 $0x200, v1;
	[tilespmem:s26], [sflag:$0x1] =	stream.indirect.gather [hbm4b:s3+s16], $0x1, s25, s16, $0xb8;
	[tilespmem:$0x3400] =	vst v63  }
0xc3: {  	v62 =	vor.u32 $0x200, v3;
	[tilespmem:$0xA00] =	vst v61  }
0xc4: {  	v63 =	vor.u32 $0x200, v2;
	[tilespmem:$0xA10] =	vst v62  }
0xc5: {  	v36 =	vor.u32 $0x200, v4;
	[tilespmem:$0xA20] =	vst v63  }
0xc6: {  	v37 =	vor.u32 $0x200, v6;
	[tilespmem:$0xA30] =	vst v36  }
0xc7: {  	v38 =	vor.u32 $0x200, v5;
	[tilespmem:$0xA40] =	vst v37  }
0xc8: {  	v39 =	vor.u32 $0x200, v7;
	[tilespmem:$0xA50] =	vst v38  }
0xc9: {  	v40 =	vor.u32 $0x200, v9;
	[tilespmem:$0xA60] =	vst v39  }
0xca: {  	s23 =	simm.s32 $0x1A00;
	s29 =	simm.s32 $0xA00;
	[tilespmem:$0xA70] =	vst v40  }
0xcb: {  	v41 =	vor.u32 $0x200, v8;
	[tilespmem:s23], [sflag:$0x1] =	stream.indirect.gather [hbm4b:s3+s16], $0x1, s29, s16, $0xb8;
	[tilespmem:$0x3400] =	vst v63  }
0xcc: {  	v42 =	vor.u32 $0x200, v10;
	[tilespmem:$0xA80] =	vst v41  }
0xcd: {  	v43 =	vor.u32 $0x200, v12;
	[tilespmem:$0xA90] =	vst v42  }
0xce: {  	v44 =	vor.u32 $0x200, v11;
	[tilespmem:$0xAA0] =	vst v43  }
0xcf: {  	v45 =	vor.u32 $0x200, v13;
	[tilespmem:$0xAB0] =	vst v44  }
0xd0: {  	v46 =	vor.u32 $0x200, v15;
	[tilespmem:$0xAC0] =	vst v45  }
0xd1: {  	v47 =	vor.u32 $0x200, v14;
	[tilespmem:$0xAD0] =	vst v46  }
0xd2: {  	v48 =	vor.u32 $0x200, v16;
	[tilespmem:$0xAE0] =	vst v47  }
0xd3: {  	s30 =	simm.s32 $0xA80;
	s25 =	simm.s32 $0x1A80;
	[tilespmem:$0xAF0] =	vst v48  }
0xd4: {  	v49 =	vor.u32 $0x200, v18;
	[tilespmem:s25], [sflag:$0x1] =	stream.indirect.gather [hbm4b:s3+s16], $0x1, s30, s16, $0xb8;
	[tilespmem:$0x3400] =	vst v63  }
0xd5: {  	v50 =	vor.u32 $0x200, v17;
	[tilespmem:$0xB00] =	vst v49  }
0xd6: {  	v51 =	vor.u32 $0x200, v19;
	[tilespmem:$0xB10] =	vst v50  }
0xd7: {  	v52 =	vor.u32 $0x200, v21;
	[tilespmem:$0xB20] =	vst v51  }
0xd8: {  	v53 =	vor.u32 $0x200, v20;
	[tilespmem:$0xB30] =	vst v52  }
0xd9: {  	v54 =	vor.u32 $0x200, v22;
	[tilespmem:$0xB40] =	vst v53  }
0xda: {  	v55 =	vor.u32 $0x200, v24;
	[tilespmem:$0xB50] =	vst v54  }
0xdb: {  	v56 =	vor.u32 $0x200, v23;
	[tilespmem:$0xB60] =	vst v55  }
0xdc: {  	s26 =	simm.s32 $0x1B00;
	s25 =	simm.s32 $0xB00;
	[tilespmem:$0xB70] =	vst v56  }
0xdd: {  	v57 =	vor.u32 $0x200, v25;
	[tilespmem:s26], [sflag:$0x1] =	stream.indirect.gather [hbm4b:s3+s16], $0x1, s25, s16, $0xb8;
	[tilespmem:$0x3400] =	vst v63  }
0xde: {  	v58 =	vor.u32 $0x200, v27;
	[tilespmem:$0xB80] =	vst v57  }
0xdf: {  	v59 =	vor.u32 $0x200, v26;
	[tilespmem:$0xB90] =	vst v58  }
0xe0: {  	v60 =	vor.u32 $0x200, v28;
	[tilespmem:$0xBA0] =	vst v59  }
0xe1: {  	v61 =	vor.u32 $0x200, v30;
	[tilespmem:$0xBB0] =	vst v60  }
0xe2: {  	v62 =	vor.u32 $0x200, v29;
	[tilespmem:$0xBC0] =	vst v61  }
0xe3: {  	v63 =	vor.u32 $0x200, v31;
	[tilespmem:$0xBD0] =	vst v62  }
0xe4: {  	v36 =	vor.u32 $0x200, v32;
	[tilespmem:$0xBE0] =	vst v63  }
0xe5: {  	s29 =	simm.s32 $0xB80;
	s30 =	simm.s32 $0x1B80;
	[tilespmem:$0xBF0] =	vst v36  }
0xe6: {  	v37 =	vor.u32 $0x280, v1;
	[tilespmem:s30], [sflag:$0x1] =	stream.indirect.gather [hbm4b:s3+s16], $0x1, s29, s16, $0xb8;
	[tilespmem:$0x3400] =	vst v63  }
0xe7: {  	v38 =	vor.u32 $0x280, v3;
	[tilespmem:$0xC00] =	vst v37  }
0xe8: {  	v39 =	vor.u32 $0x280, v2;
	[tilespmem:$0xC10] =	vst v38  }
0xe9: {  	v40 =	vor.u32 $0x280, v4;
	[tilespmem:$0xC20] =	vst v39  }
0xea: {  	v41 =	vor.u32 $0x280, v6;
	[tilespmem:$0xC30] =	vst v40  }
0xeb: {  	v42 =	vor.u32 $0x280, v5;
	[tilespmem:$0xC40] =	vst v41  }
0xec: {  	v43 =	vor.u32 $0x280, v7;
	[tilespmem:$0xC50] =	vst v42  }
0xed: {  	v44 =	vor.u32 $0x280, v9;
	[tilespmem:$0xC60] =	vst v43  }
0xee: {  	s25 =	simm.s32 $0xC00;
	s26 =	simm.s32 $0x1C00;
	[tilespmem:$0xC70] =	vst v44  }
0xef: {  	v45 =	vor.u32 $0x280, v8;
	[tilespmem:s26], [sflag:$0x1] =	stream.indirect.gather [hbm4b:s3+s16], $0x1, s25, s16, $0xb8;
	[tilespmem:$0x3400] =	vst v63  }
0xf0: {  	v46 =	vor.u32 $0x280, v10;
	[tilespmem:$0xC80] =	vst v45  }
0xf1: {  	v47 =	vor.u32 $0x280, v12;
	[tilespmem:$0xC90] =	vst v46  }
0xf2: {  	v48 =	vor.u32 $0x280, v11;
	[tilespmem:$0xCA0] =	vst v47  }
0xf3: {  	v49 =	vor.u32 $0x280, v13;
	[tilespmem:$0xCB0] =	vst v48  }
0xf4: {  	v50 =	vor.u32 $0x280, v15;
	[tilespmem:$0xCC0] =	vst v49  }
0xf5: {  	v51 =	vor.u32 $0x280, v14;
	[tilespmem:$0xCD0] =	vst v50  }
0xf6: {  	v52 =	vor.u32 $0x280, v16;
	[tilespmem:$0xCE0] =	vst v51  }
0xf7: {  	s29 =	simm.s32 $0xC80;
	s30 =	simm.s32 $0x1C80;
	[tilespmem:$0xCF0] =	vst v52  }
0xf8: {  	v53 =	vor.u32 $0x280, v18;
	[tilespmem:s30], [sflag:$0x1] =	stream.indirect.gather [hbm4b:s3+s16], $0x1, s29, s16, $0xb8;
	[tilespmem:$0x3400] =	vst v63  }
0xf9: {  	v54 =	vor.u32 $0x280, v17;
	[tilespmem:$0xD00] =	vst v53  }
0xfa: {  	v55 =	vor.u32 $0x280, v19;
	[tilespmem:$0xD10] =	vst v54  }
0xfb: {  	v56 =	vor.u32 $0x280, v21;
	[tilespmem:$0xD20] =	vst v55  }
0xfc: {  	v57 =	vor.u32 $0x280, v20;
	[tilespmem:$0xD30] =	vst v56  }
0xfd: {  	v58 =	vor.u32 $0x280, v22;
	[tilespmem:$0xD40] =	vst v57  }
0xfe: {  	v59 =	vor.u32 $0x280, v24;
	[tilespmem:$0xD50] =	vst v58  }
0xff: {  	v60 =	vor.u32 $0x280, v23;
	[tilespmem:$0xD60] =	vst v59  }
0x100: {  	s25 =	simm.s32 $0xD00;
	s26 =	simm.s32 $0x1D00;
	[tilespmem:$0xD70] =	vst v60  }
0x101: {  	v61 =	vor.u32 $0x280, v25;
	[tilespmem:s26], [sflag:$0x1] =	stream.indirect.gather [hbm4b:s3+s16], $0x1, s25, s16, $0xb8;
	[tilespmem:$0x3400] =	vst v63  }
0x102: {  	v62 =	vor.u32 $0x280, v27;
	[tilespmem:$0xD80] =	vst v61  }
0x103: {  	v63 =	vor.u32 $0x280, v26;
	[tilespmem:$0xD90] =	vst v62  }
0x104: {  	v36 =	vor.u32 $0x280, v28;
	[tilespmem:$0xDA0] =	vst v63  }
0x105: {  	v37 =	vor.u32 $0x280, v30;
	[tilespmem:$0xDB0] =	vst v36  }
0x106: {  	v38 =	vor.u32 $0x280, v29;
	[tilespmem:$0xDC0] =	vst v37  }
0x107: {  	v39 =	vor.u32 $0x280, v31;
	[tilespmem:$0xDD0] =	vst v38  }
0x108: {  	v40 =	vor.u32 $0x280, v32;
	[tilespmem:$0xDE0] =	vst v39  }
0x109: {  	s29 =	simm.s32 $0xD80;
	s30 =	simm.s32 $0x1D80;
	[tilespmem:$0xDF0] =	vst v40  }
0x10a: {  	v41 =	vor.u32 $0x300, v1;
	[tilespmem:s30], [sflag:$0x1] =	stream.indirect.gather [hbm4b:s3+s16], $0x1, s29, s16, $0xb8;
	[tilespmem:$0x3400] =	vst v63  }
0x10b: {  	v42 =	vor.u32 $0x300, v3;
	[tilespmem:$0xE00] =	vst v41  }
0x10c: {  	v43 =	vor.u32 $0x300, v2;
	[tilespmem:$0xE10] =	vst v42  }
0x10d: {  	v44 =	vor.u32 $0x300, v4;
	[tilespmem:$0xE20] =	vst v43  }
0x10e: {  	v45 =	vor.u32 $0x300, v6;
	[tilespmem:$0xE30] =	vst v44  }
0x10f: {  	v46 =	vor.u32 $0x300, v5;
	[tilespmem:$0xE40] =	vst v45  }
0x110: {  	v47 =	vor.u32 $0x300, v7;
	[tilespmem:$0xE50] =	vst v46  }
0x111: {  	v48 =	vor.u32 $0x300, v9;
	[tilespmem:$0xE60] =	vst v47  }
0x112: {  	s25 =	simm.s32 $0xE00;
	s26 =	simm.s32 $0x1E00;
	[tilespmem:$0xE70] =	vst v48  }
0x113: {  	v49 =	vor.u32 $0x300, v8;
	[tilespmem:s26], [sflag:$0x1] =	stream.indirect.gather [hbm4b:s3+s16], $0x1, s25, s16, $0xb8;
	[tilespmem:$0x3400] =	vst v63  }
0x114: {  	v50 =	vor.u32 $0x300, v10;
	[tilespmem:$0xE80] =	vst v49  }
0x115: {  	v51 =	vor.u32 $0x300, v12;
	[tilespmem:$0xE90] =	vst v50  }
0x116: {  	v52 =	vor.u32 $0x300, v11;
	[tilespmem:$0xEA0] =	vst v51  }
0x117: {  	v53 =	vor.u32 $0x300, v13;
	[tilespmem:$0xEB0] =	vst v52  }
0x118: {  	v54 =	vor.u32 $0x300, v15;
	[tilespmem:$0xEC0] =	vst v53  }
0x119: {  	v55 =	vor.u32 $0x300, v14;
	[tilespmem:$0xED0] =	vst v54  }
0x11a: {  	v56 =	vor.u32 $0x300, v16;
	[tilespmem:$0xEE0] =	vst v55  }
0x11b: {  	s29 =	simm.s32 $0xE80;
	s30 =	simm.s32 $0x1E80;
	[tilespmem:$0xEF0] =	vst v56  }
0x11c: {  	v57 =	vor.u32 $0x300, v18;
	[tilespmem:s30], [sflag:$0x1] =	stream.indirect.gather [hbm4b:s3+s16], $0x1, s29, s16, $0xb8;
	[tilespmem:$0x3400] =	vst v63  }
0x11d: {  	v58 =	vor.u32 $0x300, v17;
	[tilespmem:$0xF00] =	vst v57  }
0x11e: {  	v59 =	vor.u32 $0x300, v19;
	[tilespmem:$0xF10] =	vst v58  }
0x11f: {  	v60 =	vor.u32 $0x300, v21;
	[tilespmem:$0xF20] =	vst v59  }
0x120: {  	v61 =	vor.u32 $0x300, v20;
	[tilespmem:$0xF30] =	vst v60  }
0x121: {  	v62 =	vor.u32 $0x300, v22;
	[tilespmem:$0xF40] =	vst v61  }
0x122: {  	v63 =	vor.u32 $0x300, v24;
	[tilespmem:$0xF50] =	vst v62  }
0x123: {  	v36 =	vor.u32 $0x300, v23;
	[tilespmem:$0xF60] =	vst v63  }
0x124: {  	s25 =	simm.s32 $0xF00;
	s26 =	simm.s32 $0x1F00;
	[tilespmem:$0xF70] =	vst v36  }
0x125: {  	v37 =	vor.u32 $0x300, v25;
	[tilespmem:s26], [sflag:$0x1] =	stream.indirect.gather [hbm4b:s3+s16], $0x1, s25, s16, $0xb8;
	[tilespmem:$0x3400] =	vst v63  }
0x126: {  	v38 =	vor.u32 $0x300, v27;
	[tilespmem:$0xF80] =	vst v37  }
0x127: {  	v39 =	vor.u32 $0x300, v26;
	[tilespmem:$0xF90] =	vst v38  }
0x128: {  	v40 =	vor.u32 $0x300, v28;
	[tilespmem:$0xFA0] =	vst v39  }
0x129: {  	v41 =	vor.u32 $0x300, v30;
	[tilespmem:$0xFB0] =	vst v40  }
0x12a: {  	v42 =	vor.u32 $0x300, v29;
	[tilespmem:$0xFC0] =	vst v41  }
0x12b: {  	v43 =	vor.u32 $0x300, v31;
	[tilespmem:$0xFD0] =	vst v42  }
0x12c: {  	v44 =	vor.u32 $0x300, v32;
	[tilespmem:$0xFE0] =	vst v43  }
0x12d: {  	[tilespmem:$0xFF0] =	vst v44  }
0x12e: {  	v1 =	vor.u32 $0x380, v1;
	[tilespmem:s0], [sflag:$0x1] =	stream.indirect.gather [hbm4b:s3+s16], $0x1, s31, s16, $0xb8;
	[tilespmem:$0x3400] =	vst v63  }
0x12f: {  	[tilespmem:$0x1000] =	vst v1;
	v1 =	vor.u32 $0x380, v3  }
0x130: {  	[tilespmem:$0x1010] =	vst v1;
	v1 =	vor.u32 $0x380, v2  }
0x131: {  	[tilespmem:$0x1020] =	vst v1;
	v1 =	vor.u32 $0x380, v4  }
0x132: {  	[tilespmem:$0x1030] =	vst v1;
	v1 =	vor.u32 $0x380, v6  }
0x133: {  	[tilespmem:$0x1040] =	vst v1;
	v1 =	vor.u32 $0x380, v5  }
0x134: {  	[tilespmem:$0x1050] =	vst v1;
	v1 =	vor.u32 $0x380, v7  }
0x135: {  	[tilespmem:$0x1060] =	vst v1;
	v1 =	vor.u32 $0x380, v9  }
0x136: {  	[tilespmem:$0x1070] =	vst v1  }
0x137: {  	v1 =	vor.u32 $0x380, v8;
	[tilespmem:s12], [sflag:$0x1] =	stream.indirect.gather [hbm4b:s3+s16], $0x1, s1, s16, $0xb8;
	[tilespmem:$0x3400] =	vst v63  }
0x138: {  	[tilespmem:$0x1080] =	vst v1;
	v1 =	vor.u32 $0x380, v10  }
0x139: {  	[tilespmem:$0x1090] =	vst v1;
	v1 =	vor.u32 $0x380, v12  }
0x13a: {  	[tilespmem:$0x10A0] =	vst v1;
	v1 =	vor.u32 $0x380, v11  }
0x13b: {  	[tilespmem:$0x10B0] =	vst v1;
	v1 =	vor.u32 $0x380, v13  }
0x13c: {  	[tilespmem:$0x10C0] =	vst v1;
	v1 =	vor.u32 $0x380, v15  }
0x13d: {  	[tilespmem:$0x10D0] =	vst v1;
	v1 =	vor.u32 $0x380, v14  }
0x13e: {  	[tilespmem:$0x10E0] =	vst v1;
	v1 =	vor.u32 $0x380, v16  }
0x13f: {  	[tilespmem:$0x10F0] =	vst v1  }
0x140: {  	v1 =	vor.u32 $0x380, v18;
	[tilespmem:s14], [sflag:$0x1] =	stream.indirect.gather [hbm4b:s3+s16], $0x1, s13, s16, $0xb8;
	[tilespmem:$0x3400] =	vst v63  }
0x141: {  	[tilespmem:$0x1100] =	vst v1;
	v1 =	vor.u32 $0x380, v17  }
0x142: {  	[tilespmem:$0x1110] =	vst v1;
	v1 =	vor.u32 $0x380, v19  }
0x143: {  	[tilespmem:$0x1120] =	vst v1;
	v1 =	vor.u32 $0x380, v21  }
0x144: {  	[tilespmem:$0x1130] =	vst v1;
	v1 =	vor.u32 $0x380, v20  }
0x145: {  	[tilespmem:$0x1140] =	vst v1;
	v1 =	vor.u32 $0x380, v22  }
0x146: {  	[tilespmem:$0x1150] =	vst v1;
	v1 =	vor.u32 $0x380, v24  }
0x147: {  	[tilespmem:$0x1160] =	vst v1;
	v1 =	vor.u32 $0x380, v23  }
0x148: {  	[tilespmem:$0x1170] =	vst v1  }
0x149: {  	v1 =	vor.u32 $0x380, v25;
	[tilespmem:s17], [sflag:$0x1] =	stream.indirect.gather [hbm4b:s3+s16], $0x1, s15, s16, $0xb8;
	[tilespmem:$0x3400] =	vst v63  }
0x14a: {  	[tilespmem:$0x1180] =	vst v1;
	v1 =	vor.u32 $0x380, v27  }
0x14b: {  	[tilespmem:$0x1190] =	vst v1;
	v1 =	vor.u32 $0x380, v26  }
0x14c: {  	[tilespmem:$0x11A0] =	vst v1;
	v1 =	vor.u32 $0x380, v28  }
0x14d: {  	[tilespmem:$0x11B0] =	vst v1;
	v1 =	vor.u32 $0x380, v30  }
0x14e: {  	[tilespmem:$0x11C0] =	vst v1;
	v1 =	vor.u32 $0x380, v29  }
0x14f: {  	[tilespmem:$0x11D0] =	vst v1;
	v1 =	vor.u32 $0x380, v31  }
0x150: {  	[tilespmem:$0x11E0] =	vst v1;
	v1 =	vor.u32 $0x380, v32  }
0x151: {  	[tilespmem:$0x11F0] =	vst v1  }
0x152: {  	[tilespmem:s19], [sflag:$0x1] =	stream.indirect.gather [hbm4b:s3+s16], $0x1, s18, s16, $0xb8;
	[tilespmem:$0x3400] =	vst v63  }
0x153: {  	_ =	swait.ge [sflag:s20], $0x400  }
0x154: {  	[sflag:s20] =	ssyncset.done $0x0  }
0x155: {  	[sflag:s20] =	ssyncadd.s32 $0xFFFFFC00  }
0x156: {  	_ =	swait.ge [sflag:s20], $0x400  }
0x157: {  	[sflag:s20] =	ssyncset.done $0x0  }
0x158: {  	[sflag:s20] =	ssyncadd.s32 $0xFFFFFC00  }
0x159: {  	_ =	swait.ge [sflag:s20], $0x400  }
0x15a: {  	[sflag:s20] =	ssyncset.done $0x0  }
0x15b: {  	[sflag:s20] =	ssyncadd.s32 $0xFFFFFC00  }
0x15c: {  	_ =	swait.ge [sflag:s20], $0x400  }
0x15d: {  	[sflag:s20] =	ssyncset.done $0x0  }
0x15e: {  	[sflag:s20] =	ssyncadd.s32 $0xFFFFFC00  }
0x15f: {  	_ =	swait.ge [sflag:s20], $0x80  }
0x160: {  	[sflag:s20] =	ssyncset.done $0x0  }
0x161: {  	[sflag:s20] =	ssyncadd.s32 $0xFFFFFF80  }
0x162: {  	_ =	swait.ge [sflag:s20], $0x80  }
0x163: {  	[sflag:s20] =	ssyncset.done $0x0  }
0x164: {  	[sflag:s20] =	ssyncadd.s32 $0xFFFFFF80  }
0x165: {  	_ =	swait.ge [sflag:s20], $0x80  }
0x166: {  	[sflag:s20] =	ssyncset.done $0x0  }
0x167: {  	[sflag:s20] =	ssyncadd.s32 $0xFFFFFF80  }
0x168: {  	_ =	swait.ge [sflag:s20], $0x80  }
0x169: {  	[sflag:s20] =	ssyncset.done $0x0  }
0x16a: {  	[sflag:s20] =	ssyncadd.s32 $0xFFFFFF80  }
0x16b: {  	_ =	swait.ge [sflag:s20], $0x80  }
0x16c: {  	[sflag:s20] =	ssyncset.done $0x0  }
0x16d: {  	[sflag:s20] =	ssyncadd.s32 $0xFFFFFF80  }
0x16e: {  	_ =	swait.ge [sflag:s20], $0x80  }
0x16f: {  	[sflag:s20] =	ssyncset.done $0x0  }
0x170: {  	[sflag:s20] =	ssyncadd.s32 $0xFFFFFF80  }
0x171: {  	_ =	swait.ge [sflag:s20], $0x80  }
0x172: {  	[sflag:s20] =	ssyncset.done $0x0  }
0x173: {  	[sflag:s20] =	ssyncadd.s32 $0xFFFFFF80  }
0x174: {  	_ =	swait.ge [sflag:s20], $0x80  }
0x175: {  	[sflag:s20] =	ssyncset.done $0x0  }
0x176: {  	[sflag:s20] =	ssyncadd.s32 $0xFFFFFF80  }
0x177: {  	_ =	swait.ge [sflag:s20], $0x80  }
0x178: {  	[sflag:s20] =	ssyncset.done $0x0  }
0x179: {  	[sflag:s20] =	ssyncadd.s32 $0xFFFFFF80  }
0x17a: {  	_ =	swait.ge [sflag:s20], $0x80  }
0x17b: {  	[sflag:s20] =	ssyncset.done $0x0  }
0x17c: {  	[sflag:s20] =	ssyncadd.s32 $0xFFFFFF80  }
0x17d: {  	_ =	swait.ge [sflag:s20], $0x80  }
0x17e: {  	[sflag:s20] =	ssyncset.done $0x0  }
0x17f: {  	[sflag:s20] =	ssyncadd.s32 $0xFFFFFF80  }
0x180: {  	_ =	swait.ge [sflag:s20], $0x80  }
0x181: {  	[sflag:s20] =	ssyncset.done $0x0  }
0x182: {  	[sflag:s20] =	ssyncadd.s32 $0xFFFFFF80  }
0x183: {  	_ =	swait.ge [sflag:s20], $0x80  }
0x184: {  	[sflag:s20] =	ssyncset.done $0x0  }
0x185: {  	[sflag:s20] =	ssyncadd.s32 $0xFFFFFF80  }
0x186: {  	_ =	swait.ge [sflag:s20], $0x80  }
0x187: {  	[sflag:s20] =	ssyncset.done $0x0  }
0x188: {  	[sflag:s20] =	ssyncadd.s32 $0xFFFFFF80  }
0x189: {  	_ =	swait.ge [sflag:s20], $0x80  }
0x18a: {  	[sflag:s20] =	ssyncset.done $0x0  }
0x18b: {  	[sflag:s20] =	ssyncadd.s32 $0xFFFFFF80  }
0x18c: {  	_ =	swait.ge [sflag:s20], $0x80  }
0x18d: {  	[sflag:s20] =	ssyncset.done $0x0  }
0x18e: {  	[sflag:s20] =	ssyncadd.s32 $0xFFFFFF80  }
0x18f: {  	_ =	swait.ge [sflag:s20], $0x80  }
0x190: {  	[sflag:s20] =	ssyncset.done $0x0  }
0x191: {  	[sflag:s20] =	ssyncadd.s32 $0xFFFFFF80  }
0x192: {  	_ =	swait.ge [sflag:s20], $0x80  }
0x193: {  	[sflag:s20] =	ssyncset.done $0x0  }
0x194: {  	[sflag:s20] =	ssyncadd.s32 $0xFFFFFF80  }
0x195: {  	_ =	swait.ge [sflag:s20], $0x80  }
0x196: {  	[sflag:s20] =	ssyncset.done $0x0  }
0x197: {  	[sflag:s20] =	ssyncadd.s32 $0xFFFFFF80  }
0x198: {  	_ =	swait.ge [sflag:s20], $0x80  }
0x199: {  	[sflag:s20] =	ssyncset.done $0x0  }
0x19a: {  	[sflag:s20] =	ssyncadd.s32 $0xFFFFFF80  }
0x19b: {  	_ =	swait.ge [sflag:s20], $0x80  }
0x19c: {  	[sflag:s20] =	ssyncset.done $0x0  }
0x19d: {  	[sflag:s20] =	ssyncadd.s32 $0xFFFFFF80  }
0x19e: {  	_ =	swait.ge [sflag:s20], $0x80  }
0x19f: {  	[sflag:s20] =	ssyncset.done $0x0  }
0x1a0: {  	[sflag:s20] =	ssyncadd.s32 $0xFFFFFF80  }
0x1a1: {  	_ =	swait.ge [sflag:s20], $0x80  }
0x1a2: {  	[sflag:s20] =	ssyncset.done $0x0  }
0x1a3: {  	[sflag:s20] =	ssyncadd.s32 $0xFFFFFF80  }
0x1a4: {  	_ =	swait.ge [sflag:s20], $0x80  }
0x1a5: {  	[sflag:s20] =	ssyncset.done $0x0  }
0x1a6: {  	[sflag:s20] =	ssyncadd.s32 $0xFFFFFF80  }
0x1a7: {  	_ =	swait.ge [sflag:s20], $0x80  }
0x1a8: {  	[sflag:s20] =	ssyncset.done $0x0  }
0x1a9: {  	[sflag:s20] =	ssyncadd.s32 $0xFFFFFF80  }
0x1aa: {  	_ =	swait.ge [sflag:s20], $0x80  }
0x1ab: {  	[sflag:s20] =	ssyncset.done $0x0  }
0x1ac: {  	[sflag:s20] =	ssyncadd.s32 $0xFFFFFF80  }
0x1ad: {  	_ =	swait.ge [sflag:s20], $0x80  }
0x1ae: {  	[sflag:s20] =	ssyncset.done $0x0  }
0x1af: {  	[sflag:s20] =	ssyncadd.s32 $0xFFFFFF80  }
0x1b0: {  	_ =	swait.ge [sflag:s20], $0x80  }
0x1b1: {  	[sflag:s20] =	ssyncset.done $0x0  }
0x1b2: {  	[sflag:s20] =	ssyncadd.s32 $0xFFFFFF80  }
0x1b3: {  	_ =	swait.ge [sflag:s20], $0x80  }
0x1b4: {  	[sflag:s20] =	ssyncset.done $0x0  }
0x1b5: {  	[sflag:s20] =	ssyncadd.s32 $0xFFFFFF80  }
0x1b6: {  	_ =	swait.ge [sflag:s20], $0x80  }
0x1b7: {  	[sflag:s20] =	ssyncset.done $0x0  }
0x1b8: {  	[sflag:s20] =	ssyncadd.s32 $0xFFFFFF80  }
0x1b9: {  	_ =	swait.ge [sflag:s20], $0x80  }
0x1ba: {  	[sflag:s20] =	ssyncset.done $0x0  }
0x1bb: {  	[sflag:s20] =	ssyncadd.s32 $0xFFFFFF80  }
0x1bc: {  	_ =	swait.ge [sflag:s20], $0x80  }
0x1bd: {  	[sflag:s20] =	ssyncset.done $0x0  }
0x1be: {  	[sflag:s20] =	ssyncadd.s32 $0xFFFFFF80  }
0x1bf: {  	v1 =	vld [tilespmem:s23+$0xFFFFFA00]  }
0x1c0: {  	v2 =	vld [tilespmem:s23+$0xFFFFF800];
	_ =	sdelay $0x1  }
0x1c1: {  	v3 =	vld [tilespmem:s23+$0xFFFFFC00];
	_ =	sdelay $0x1  }
0x1c2: {  	v45 =	vld [tilespmem:s23+$0xFFFFFE00]  }
0x1c3: {  	s29 =	sand.u32 $0xC00, s2;
	s30 =	sand.u32 $0x70, s2;
	v46 =	vand.u32 $0x7FFFFFFF, v2;
	v47 =	vand.u32 $0x7FFFFFFF, v1  }
0x1c4: {  	s24 =	sor.u32 s30, s29;
	v48 =	vld [tilespmem:s23+$0x0];
	v5 =	vadd.f32 v47, v46  }
0x1c5: {  	v49 =	vld [tilespmem:s24+$0x2200];
	v50 =	vand.u32 $0x7FFFFFFF, v3  }
0x1c6: {  	v51 =	vld [tilespmem:s23+$0x200];
	v5 =	vadd.f32 v50, v5  }
0x1c7: {  	v52 =	vld [tilespmem:s24+$0x2280];
	v53 =	vand.u32 $0x7FFFFFFF, v45  }
0x1c8: {  	v54 =	vld [tilespmem:s23+$0x400];
	v5 =	vadd.f32 v53, v5  }
0x1c9: {  	v57 =	vld [tilespmem:s24+$0x2300];
	v55 =	vand.u32 $0x7FFFFFFF, v48  }
0x1ca: {  	v56 =	vld [tilespmem:s23+$0x600];
	v2 =	vmul.f32 v49, v2;
	v5 =	vadd.f32 v55, v5  }
0x1cb: {  	v59 =	vld [tilespmem:s24+$0x2380];
	v58 =	vand.u32 $0x7FFFFFFF, v51  }
0x1cc: {  	v1 =	vmul.f32 v52, v1;
	v2 =	vadd.f32 $0.0e+00, v2;
	v5 =	vadd.f32 v58, v5  }
0x1cd: {  	v61 =	vld [tilespmem:s24+$0x2400];
	v60 =	vand.u32 $0x7FFFFFFF, v54  }
0x1ce: {  	v1 =	vadd.f32 v1, v2;
	v2 =	vmul.f32 v57, v3;
	v5 =	vadd.f32 v60, v5  }
0x1cf: {  	v62 =	vld [tilespmem:s24+$0x2480];
	v3 =	vand.u32 $0x7FFFFFFF, v56  }
0x1d0: {  	v1 =	vadd.f32 v2, v1;
	v2 =	vmul.f32 v59, v45;
	v3 =	vadd.f32 v3, v5  }
0x1d1: {  	v63 =	vld [tilespmem:s24+$0x2500]  }
0x1d2: {  	v1 =	vadd.f32 v2, v1;
	v2 =	vmul.f32 v61, v48;
	v3 =	vmax.f32 v3, $9.999999960e-13  }
0x1d3: {  	(erf) = vrcp.f32 v3;
	v3 =	vld [tilespmem:s24+$0x2580]  }
0x1d4: {  	v1 =	vadd.f32 v2, v1;
	v2 =	vmul.f32 v62, v51;
	_ =	sdelay $0x1  }
0x1d5: {  	v1 =	vadd.f32 v2, v1;
	v2 =	vmul.f32 v63, v54;
	_ =	sdelay $0x1  }
0x1d6: {  	v1 =	vadd.f32 v2, v1;
	v2 =	vmul.f32 v3, v56;
	_ =	sdelay $0x2  }
0x1d7: {  	v1 =	vadd.f32 v2, v1  }
0x1d8: {  	v2 =	vpop (erf)  }
0x1d9: {  	v1 =	vmul.f32 v2, v1;
	_ =	sdelay $0x1  }
0x1da: {  	v1 =	vadd.f32 $-1.000000000e+00, v1;
	_ =	sdelay $0x1  }
0x1db: {  	v1 =	vmul.f32 v1, v0;
	_ =	sdelay $0x1  }
0x1dc: {  	v1 =	vmul.f32 $-4.000000000e+00, v1;
	_ =	sdelay $0x1  }
0x1dd: {  	v1 =	vadd.f32 $1.000000000e+00, v1;
	_ =	sdelay $0x1  }
0x1de: {  	s24 =	simm.s32 $0x1A10;
	[tilespmem:s21+$0x0] =	vst v1  }
0x1df: {  	s28 =	simm.s32 $0x100;
	v1 =	vld [tilespmem:s24+$0xFFFFFA00]  }
0x1e0: {  	s25 =	simm.s32 $0x80;
	s26 =	simm.s32 $0x0;
	s23 =	simm.s32 $0x3200;
	v2 =	vld [tilespmem:s24+$0xFFFFF800]  }
.LBB2_2:
0x1e1: {  	p0 =	sne.s32 s28, $0xF80  }
0x1e2: {  	v3 =	vld [tilespmem:s24+$0xFFFFFC00];
	_ =	sdelay $0x1  }
0x1e3: {  	s26 =	sadd.s32 $0x10, s26;
	v4 =	vld [tilespmem:s24+$0xFFFFFE00]  }
0x1e4: {  	s29 =	sand.u32 $0xC00, s25;
	s25 =	smov.u32 s28;
	s30 =	sand.u32 $0x70, s26;
	v6 =	vand.u32 $0x7FFFFFFF, v1;
	v5 =	vand.u32 $0x7FFFFFFF, v2  }
0x1e5: {  	s29 =	sor.u32 s30, s29;
	v5 =	vadd.f32 v6, v5;
	v6 =	vld [tilespmem:s24+$0x0]  }
0x1e6: {  	v7 =	vld [tilespmem:s29+$0x2200];
	v8 =	vand.u32 $0x7FFFFFFF, v3  }
0x1e7: {  	v5 =	vadd.f32 v8, v5;
	v8 =	vld [tilespmem:s24+$0x200]  }
0x1e8: {  	v9 =	vld [tilespmem:s29+$0x2280];
	v10 =	vand.u32 $0x7FFFFFFF, v4  }
0x1e9: {  	v5 =	vadd.f32 v10, v5;
	v10 =	vld [tilespmem:s24+$0x400]  }
0x1ea: {  	v11 =	vand.u32 $0x7FFFFFFF, v6;
	v12 =	vld [tilespmem:s24+$0x600]  }
0x1eb: {  	v13 =	vld [tilespmem:s29+$0x2300];
	v5 =	vadd.f32 v11, v5  }
0x1ec: {  	v2 =	vmul.f32 v7, v2;
	v7 =	vand.u32 $0x7FFFFFFF, v8  }
0x1ed: {  	v11 =	vld [tilespmem:s29+$0x2380];
	v5 =	vadd.f32 v7, v5  }
0x1ee: {  	v2 =	vadd.f32 $0.0e+00, v2;
	v1 =	vmul.f32 v9, v1;
	v7 =	vand.u32 $0x7FFFFFFF, v10  }
0x1ef: {  	v9 =	vld [tilespmem:s29+$0x2400];
	v5 =	vadd.f32 v7, v5  }
0x1f0: {  	v1 =	vadd.f32 v1, v2;
	v2 =	vmul.f32 v13, v3;
	v3 =	vand.u32 $0x7FFFFFFF, v12  }
0x1f1: {  	v7 =	vld [tilespmem:s29+$0x2480];
	v3 =	vadd.f32 v3, v5  }
0x1f2: {  	v1 =	vadd.f32 v2, v1;
	v2 =	vmul.f32 v11, v4  }
0x1f3: {  	v4 =	vld [tilespmem:s29+$0x2500];
	v3 =	vmax.f32 v3, $9.999999960e-13  }
0x1f4: {  	v1 =	vadd.f32 v2, v1;
	v2 =	vmul.f32 v9, v6;
	(erf) = vrcp.f32 v3  }
0x1f5: {  	v3 =	vld [tilespmem:s29+$0x2580]  }
0x1f6: {  	v1 =	vadd.f32 v2, v1;
	v2 =	vmul.f32 v7, v8;
	_ =	sdelay $0x1  }
0x1f7: {  	v1 =	vadd.f32 v2, v1;
	v2 =	vmul.f32 v4, v10;
	_ =	sdelay $0x1  }
0x1f8: {  	v1 =	vadd.f32 v2, v1;
	v3 =	vmul.f32 v3, v12;
	_ =	sdelay $0x1  }
0x1f9: {  	v1 =	vadd.f32 v3, v1  }
0x1fa: {  	v2 =	vpop (erf)  }
0x1fb: {  	v1 =	vmul.f32 v2, v1;
	_ =	sdelay $0x1  }
0x1fc: {  	v1 =	vadd.f32 $-1.000000000e+00, v1;
	_ =	sdelay $0x1  }
0x1fd: {  	v1 =	vmul.f32 v1, v0;
	_ =	sdelay $0x1  }
0x1fe: {  	v1 =	vmul.f32 $-4.000000000e+00, v1;
	_ =	sdelay $0x1  }
.Ltmp0:
0x1ff: {  	v1 =	vadd.f32 $1.000000000e+00, v1;
	(pc) =	sbr.rel @p0 .LBB2_2-.Ltmp0, $4  }
0x200: {  	s23 =	sadd.s32 $0x10, s23  }
0x201: {  	s24 =	sadd.s32 $0x10, s24;
	[tilespmem:s23+$0x0] =	vst v1  }
0x202: {  	v1 =	vld [tilespmem:s24+$0xFFFFFA00]  }
0x203: {  	s28 =	sadd.s32 $0x80, s28;
	v2 =	vld [tilespmem:s24+$0xFFFFF800]  }
0x204: {  	_ = 	snop  }
0x205: {  	v3 =	vld [tilespmem:s24+$0xFFFFFC00];
	_ =	sdelay $0x1  }
0x206: {  	v4 =	vld [tilespmem:s24+$0xFFFFFE00];
	s26 =	sadd.s32 $0x10, s26  }
0x207: {  	s25 =	sand.u32 $0xC00, s25;
	s26 =	sand.u32 $0x70, s26;
	v6 =	vand.u32 $0x7FFFFFFF, v1;
	v5 =	vand.u32 $0x7FFFFFFF, v2  }
0x208: {  	v55 =	vld [tilespmem:s24+$0x0];
	s25 =	sor.u32 s26, s25;
	v5 =	vadd.f32 v6, v5  }
0x209: {  	v7 =	vld [tilespmem:s25+$0x2200];
	v8 =	vand.u32 $0x7FFFFFFF, v3  }
0x20a: {  	v56 =	vld [tilespmem:s24+$0x200];
	v5 =	vadd.f32 v8, v5  }
0x20b: {  	v9 =	vld [tilespmem:s25+$0x2280];
	v10 =	vand.u32 $0x7FFFFFFF, v4  }
0x20c: {  	v57 =	vld [tilespmem:s24+$0x400];
	v5 =	vadd.f32 v10, v5  }
0x20d: {  	v13 =	vld [tilespmem:s25+$0x2300];
	v11 =	vand.u32 $0x7FFFFFFF, v55  }
0x20e: {  	v12 =	vld [tilespmem:s24+$0x600];
	v2 =	vmul.f32 v7, v2;
	v5 =	vadd.f32 v11, v5  }
0x20f: {  	v59 =	vld [tilespmem:s25+$0x2380];
	v58 =	vand.u32 $0x7FFFFFFF, v56  }
0x210: {  	v1 =	vmul.f32 v9, v1;
	v2 =	vadd.f32 $0.0e+00, v2;
	v5 =	vadd.f32 v58, v5  }
0x211: {  	v61 =	vld [tilespmem:s25+$0x2400];
	v60 =	vand.u32 $0x7FFFFFFF, v57  }
0x212: {  	v1 =	vadd.f32 v1, v2;
	v2 =	vmul.f32 v13, v3;
	v5 =	vadd.f32 v60, v5  }
0x213: {  	v62 =	vld [tilespmem:s25+$0x2480];
	v3 =	vand.u32 $0x7FFFFFFF, v12  }
0x214: {  	v1 =	vadd.f32 v2, v1;
	v2 =	vmul.f32 v59, v4;
	v3 =	vadd.f32 v3, v5  }
0x215: {  	v63 =	vld [tilespmem:s25+$0x2500]  }
0x216: {  	v1 =	vadd.f32 v2, v1;
	v2 =	vmul.f32 v61, v55;
	v3 =	vmax.f32 v3, $9.999999960e-13  }
0x217: {  	(erf) = vrcp.f32 v3;
	v3 =	vld [tilespmem:s25+$0x2580]  }
0x218: {  	v1 =	vadd.f32 v2, v1;
	v2 =	vmul.f32 v62, v56;
	_ =	sdelay $0x1  }
0x219: {  	v1 =	vadd.f32 v2, v1;
	v2 =	vmul.f32 v63, v57;
	_ =	sdelay $0x1  }
0x21a: {  	v1 =	vadd.f32 v2, v1;
	v2 =	vmul.f32 v3, v12;
	_ =	sdelay $0x2  }
0x21b: {  	v1 =	vadd.f32 v2, v1  }
0x21c: {  	v2 =	vpop (erf)  }
0x21d: {  	v1 =	vmul.f32 v2, v1;
	_ =	sdelay $0x1  }
0x21e: {  	v1 =	vadd.f32 $-1.000000000e+00, v1;
	_ =	sdelay $0x1  }
0x21f: {  	v1 =	vmul.f32 v1, v0;
	_ =	sdelay $0x1  }
0x220: {  	v1 =	vmul.f32 $-4.000000000e+00, v1;
	_ =	sdelay $0x1  }
0x221: {  	s22 =	sadd.s32 $0x1, s22;
	v1 =	vadd.f32 $1.000000000e+00, v1  }
0x222: {  	s23 =	sadd.s32 $0x10, s23;
	p0 =	sne.s32 s22, s10  }
.Ltmp1:
0x223: {  	[tilespmem:s23+$0x0] =	vst v1;
	(pc) =	sbr.rel @p0 .LBB2_1-.Ltmp1, $4  }
0x224: {  	[hbm4b:s9+s2] =	stream.linear.scatter [tilespmem:s21], [sflag:$0x2], $0x200, $0x38;
	[tilespmem:$0x3400] =	vst v63  }
0x225: {  	_ =	swait.ge [sflag:s11], $0x200  }
0x226: {  	[sflag:s11] =	ssyncset.done $0x0  }
0x227: {  	[sflag:s11] =	ssyncadd.s32 $0xFFFFFE00  }
0x228: {  	_ =	sfence.sel $0x180000  }
0x229: {  	[bflag:$0x0] =	sbarrier.arrive $0xFFFF  }
0x22a: {  	_ =	strace $0x90000047  }
0x22b: {  	s0 =	stileid.u32;
	[bflag:$0x2] =	sbarrier.arrive $0xFFFF  }
0x22c: {  	p0 =	sne.s32 s0, $0x0;
	s0 =	rddreg [dreg:$0x4]  }
0x22d: {  	s0 =	sadd.s32 @!p0 $0x100000, s0  }
0x22e: {  	[sflag:s0] =	ssyncadd.tile.s32 @!p0 $0x1;
	_ =	shalt  }
.Lfunc_end2:
_tile_overlayer_lowered:
.L_overlay_start_2:
0x22f: {  	(tag) =	ssettag $0x2  }
0x230: {  	s0 =	rddreg [dreg:$0x0];
	s2 =	stileid.u32  }
0x231: {  	s1 =	rddreg [dreg:$0x1];
	p0 =	sne.s32 s2, $0x0  }
0x232: {  	s3 =	rddreg [dreg:$0x2];
	[bflag:$0x3] =	sbarrier.arrive $0xFFFF;
	s2 =	simm.s32 @!p0 $0x1C02  }
0x233: {  	[timem:s3], [sflag:s2] =	dma.local @!p0 [hbm:s0], s1  }
0x234: {  	s0 =	simm.s32 @!p0 $0x2  }
0x235: {  	_ =	swait.ge @!p0 [sflag:s0], s1  }
0x236: {  	s1 =	ssub.s32 @!p0 $0x0, s1;
	[sflag:s0] =	ssyncset.done @!p0 $0x0  }
0x237: {  	[sflag:s0] =	ssyncadd.s32 @!p0 s1  }
0x238: {  	[bflag:$0x3] =	sbarrier.arrive $0xFFFF  }
0x239: {  	_ =	shalt  }

</sc_bundles>
